<compile_context>
chip_gen: v7x
topology: tpu7x:2x2x1
jax: 0.10.2.dev20260603
libtpu: 0.0.44.dev20260713+nightly
codegen_flags: <defaults>
</compile_context>

<pallas_src>
import functools

import jax
import jax.numpy as jnp
from jax import lax
from jax.experimental import pallas as pl
from jax.experimental.pallas import tpu as pltpu
from jax.experimental.pallas import tpu_sc as plsc

B = 16384
D = 128
NC = 2
NS = 16
NW = NC * NS
BPW = B // NW
CH = 32
NCH = BPW // CH

_mesh = plsc.VectorSubcoreMesh(core_axis_name="c", subcore_axis_name="s")


@functools.partial(
    pl.kernel,
    mesh=_mesh,
    compiler_params=pltpu.CompilerParams(needs_layout_passes=False),
    out_type=jax.ShapeDtypeStruct((B,), jnp.float32),
    scratch_types=[
        pltpu.VMEM((BPW,), jnp.int32),
        pltpu.VMEM((BPW,), jnp.int32),
        pltpu.VMEM((CH, D), jnp.float32),
        pltpu.VMEM((CH, D), jnp.float32),
        pltpu.VMEM((CH, D), jnp.float32),
        pltpu.VMEM((CH, D), jnp.float32),
        pltpu.VMEM((CH, D), jnp.float32),
        pltpu.VMEM((CH, D), jnp.float32),
        pltpu.VMEM((CH, D), jnp.float32),
        pltpu.VMEM((CH, D), jnp.float32),
        pltpu.VMEM((BPW,), jnp.float32),
        pltpu.SemaphoreType.DMA,
        pltpu.SemaphoreType.DMA,
        pltpu.SemaphoreType.DMA,
        pltpu.SemaphoreType.DMA,
        pltpu.SemaphoreType.DMA,
        pltpu.SemaphoreType.DMA,
        pltpu.SemaphoreType.DMA,
        pltpu.SemaphoreType.DMA,
        pltpu.SemaphoreType.DMA,
        pltpu.SemaphoreType.DMA,
    ],
)
def _sc_dot_kernel(user_hbm, item_hbm, uf_hbm, if_hbm, out_hbm,
                   uidx_v, iidx_v, u0_v, u1_v, u2_v, u3_v,
                   v0_v, v1_v, v2_v, v3_v, o_v,
                   sem_u0, sem_u1, sem_u2, sem_u3,
                   sem_v0, sem_v1, sem_v2, sem_v3,
                   sem_i, sem_o):
    wid = lax.axis_index("s") * NC + lax.axis_index("c")
    base = wid * BPW
    u_bufs = (u0_v, u1_v, u2_v, u3_v)
    v_bufs = (v0_v, v1_v, v2_v, v3_v)
    u_sems = (sem_u0, sem_u1, sem_u2, sem_u3)
    v_sems = (sem_v0, sem_v1, sem_v2, sem_v3)
    lane = lax.iota(jnp.int32, 16)

    cpi_u = pltpu.async_copy(user_hbm.at[pl.ds(base, BPW)], uidx_v, sem_i)
    cpi_i = pltpu.async_copy(item_hbm.at[pl.ds(base, BPW)], iidx_v, sem_i)
    cpi_u.wait()
    cpi_i.wait()

    def issue(c, p):
        pltpu.async_copy(uf_hbm.at[uidx_v.at[pl.ds(c * CH, CH)]],
                         u_bufs[p], u_sems[p])
        pltpu.async_copy(if_hbm.at[iidx_v.at[pl.ds(c * CH, CH)]],
                         v_bufs[p], v_sems[p])

    def drain(c, p):
        pltpu.make_async_copy(uf_hbm.at[uidx_v.at[pl.ds(c * CH, CH)]],
                              u_bufs[p], u_sems[p]).wait()
        pltpu.make_async_copy(if_hbm.at[iidx_v.at[pl.ds(c * CH, CH)]],
                              v_bufs[p], v_sems[p]).wait()

    def compute(c, p):
        u_v, v_v = u_bufs[p], v_bufs[p]

        def group_body(g, carry):
            rows = g * 16 + lane

            zero = jnp.zeros((16,), jnp.float32)

            @plsc.parallel_loop(0, D, step=2, unroll=4,
                                carry=(zero, zero, lane))
            def acc_loop(d, state, rows=rows):
                a0, a1, col = state
                c1 = (col + 1) & (D - 1)
                a0 = a0 + plsc.load_gather(u_v, [rows, col]) * \
                    plsc.load_gather(v_v, [rows, col])
                a1 = a1 + plsc.load_gather(u_v, [rows, c1]) * \
                    plsc.load_gather(v_v, [rows, c1])
                return a0, a1, (col + 2) & (D - 1)

            o_v[pl.ds(c * CH + g * 16, 16)] = acc_loop[0] + acc_loop[1]
            return carry

        lax.fori_loop(0, CH // 16, group_body, 0)
        pltpu.async_copy(o_v.at[pl.ds(c * CH, CH)],
                         out_hbm.at[pl.ds(base + c * CH, CH)], sem_o)

    issue(0, 0)
    issue(1, 1)
    issue(2, 2)
    for c in range(NCH):
        drain(c, c % 4)
        if c + 3 < NCH:
            issue(c + 3, (c + 3) % 4)
        compute(c, c % 4)

    def drain_out(c, carry):
        pltpu.make_async_copy(o_v.at[pl.ds(c * CH, CH)],
                              out_hbm.at[pl.ds(base + c * CH, CH)],
                              sem_o).wait()
        return carry

    lax.fori_loop(0, NCH, drain_out, 0)


def kernel(user, item, user_factors, item_factors):
    return _sc_dot_kernel(user.astype(jnp.int32), item.astype(jnp.int32),
                          user_factors, item_factors)

# --- scband reference (transcript-rebuilt; emitter-appended) ---
"""Pipeline reference for scband-matrix-factorization-82154134438507 (READ-ONLY COPY).

The authoritative reference and input builder live on the scoring server;
editing this copy changes nothing except your own understanding.
"""

import jax, jax.numpy as jnp
import numpy as np

N_USERS = 1000000
N_ITEMS = 100000
N_FACTORS = 128
BATCH = 16384

def setup_inputs(seed: int = 0) -> dict:
    key = jax.random.key(seed)
    k1, k2, k3, k4 = jax.random.split(key, 4)
    user = jax.random.randint(k1, (BATCH,), 0, N_USERS, dtype=jnp.int64 if jax.config.jax_enable_x64 else jnp.int32)
    item = jax.random.randint(k2, (BATCH,), 0, N_ITEMS, dtype=jnp.int64 if jax.config.jax_enable_x64 else jnp.int32)
    user_factors = jax.random.normal(k3, (N_USERS, N_FACTORS), dtype=jnp.float32)
    item_factors = jax.random.normal(k4, (N_ITEMS, N_FACTORS), dtype=jnp.float32)
    return {"user": user, "item": item, "user_factors": user_factors, "item_factors": item_factors}

def reference(user, item, user_factors, item_factors):
    # faithful translation of: (self.user_factors(user) * self.item_factors(item)).sum(1)
    u = jnp.take(user_factors, user, axis=0)
    v = jnp.take(item_factors, item, axis=0)
    return (u * v).sum(1)

if __name__ == "__main__":
    import jax
    _d = setup_inputs()
    print(jax.jit(kernel)(*tuple(_d.values())))

</pallas_src>

<mosaic_0001>
#map = affine_map<(d0, d1) -> (0)>
#map1 = affine_map<(d0, d1) -> (0, 0)>
module attributes {stable_mosaic.version = 14 : i64} {
  func.func @_sc_dot_kernel(%arg0: i32, %arg1: i32, %arg2: memref<16384xi32, #tpu.memory_space<hbm>>, %arg3: memref<16384xi32, #tpu.memory_space<hbm>>, %arg4: memref<1000000x128xf32, #tpu.memory_space<hbm>>, %arg5: memref<100000x128xf32, #tpu.memory_space<hbm>>, %arg6: memref<16384xf32, #tpu.memory_space<hbm>>, %arg7: memref<512xi32, #tpu.memory_space<vmem>>, %arg8: memref<512xi32, #tpu.memory_space<vmem>>, %arg9: memref<32x128xf32, #tpu.memory_space<vmem>>, %arg10: memref<32x128xf32, #tpu.memory_space<vmem>>, %arg11: memref<32x128xf32, #tpu.memory_space<vmem>>, %arg12: memref<32x128xf32, #tpu.memory_space<vmem>>, %arg13: memref<32x128xf32, #tpu.memory_space<vmem>>, %arg14: memref<32x128xf32, #tpu.memory_space<vmem>>, %arg15: memref<32x128xf32, #tpu.memory_space<vmem>>, %arg16: memref<32x128xf32, #tpu.memory_space<vmem>>, %arg17: memref<512xf32, #tpu.memory_space<vmem>>, %arg18: memref<!tpu.dma_semaphore, #tpu.memory_space<semaphore_mem>>, %arg19: memref<!tpu.dma_semaphore, #tpu.memory_space<semaphore_mem>>, %arg20: memref<!tpu.dma_semaphore, #tpu.memory_space<semaphore_mem>>, %arg21: memref<!tpu.dma_semaphore, #tpu.memory_space<semaphore_mem>>, %arg22: memref<!tpu.dma_semaphore, #tpu.memory_space<semaphore_mem>>, %arg23: memref<!tpu.dma_semaphore, #tpu.memory_space<semaphore_mem>>, %arg24: memref<!tpu.dma_semaphore, #tpu.memory_space<semaphore_mem>>, %arg25: memref<!tpu.dma_semaphore, #tpu.memory_space<semaphore_mem>>, %arg26: memref<!tpu.dma_semaphore, #tpu.memory_space<semaphore_mem>>, %arg27: memref<!tpu.dma_semaphore, #tpu.memory_space<semaphore_mem>>) attributes {dimension_semantics = [#tpu.dimension_semantics<core_parallel>, #tpu.dimension_semantics<subcore_parallel>], iteration_bounds = array<i64: 2, 16>, scalar_prefetch = 0 : i64, scratch_operands = 21 : i64, tpu.core_type = #tpu.core_type<sc_vector_subcore>, window_params = [{transform_indices = #map}, {transform_indices = #map}, {transform_indices = #map1}, {transform_indices = #map1}, {transform_indices = #map}]} {
    %mul3A = arith.constant 2 : i32
    %mul3A_0 = arith.muli %arg1, %mul3A : i32
    %add3A = arith.addi %mul3A_0, %arg0 : i32
    %mul3A_1 = arith.constant 512 : i32
    %mul3A_2 = arith.muli %add3A, %mul3A_1 : i32
    %iota3A = tpu.iota {dimensions = array<i32: 0>} : vector<16xi32>
    %dma_start3A = tpu.memref_slice %arg2[%mul3A_2] : memref<16384xi32, #tpu.memory_space<hbm>> -> memref<512xi32, #tpu.memory_space<hbm>>
    %dma_start3A_3 = tpu.memref_slice %arg2[%mul3A_2] : memref<16384xi32, #tpu.memory_space<hbm>> -> memref<512xi32, #tpu.memory_space<hbm>>
    tpu.enqueue_dma source(%dma_start3A_3 : memref<512xi32, #tpu.memory_space<hbm>>) target(%arg7 : memref<512xi32, #tpu.memory_space<vmem>>) target_semaphore(%arg26 : memref<!tpu.dma_semaphore, #tpu.memory_space<semaphore_mem>>)
    %dma_start3A_4 = tpu.memref_slice %arg3[%mul3A_2] : memref<16384xi32, #tpu.memory_space<hbm>> -> memref<512xi32, #tpu.memory_space<hbm>>
    %dma_start3A_5 = tpu.memref_slice %arg3[%mul3A_2] : memref<16384xi32, #tpu.memory_space<hbm>> -> memref<512xi32, #tpu.memory_space<hbm>>
    tpu.enqueue_dma source(%dma_start3A_5 : memref<512xi32, #tpu.memory_space<hbm>>) target(%arg8 : memref<512xi32, #tpu.memory_space<vmem>>) target_semaphore(%arg26 : memref<!tpu.dma_semaphore, #tpu.memory_space<semaphore_mem>>)
    %dma_wait3A = tpu.memref_slice %arg2[%mul3A_2] : memref<16384xi32, #tpu.memory_space<hbm>> -> memref<512xi32, #tpu.memory_space<hbm>>
    %dma_wait3A_6 = tpu.memref_slice %arg2[%mul3A_2] : memref<16384xi32, #tpu.memory_space<hbm>> -> memref<512xi32, #tpu.memory_space<hbm>>
    tpu.wait_dma2 semaphore(%arg26 : memref<!tpu.dma_semaphore, #tpu.memory_space<semaphore_mem>>) src(%dma_wait3A_6 : memref<512xi32, #tpu.memory_space<hbm>>) dst(%arg7 : memref<512xi32, #tpu.memory_space<vmem>>)
    %dma_wait3A_7 = tpu.memref_slice %arg3[%mul3A_2] : memref<16384xi32, #tpu.memory_space<hbm>> -> memref<512xi32, #tpu.memory_space<hbm>>
    %dma_wait3A_8 = tpu.memref_slice %arg3[%mul3A_2] : memref<16384xi32, #tpu.memory_space<hbm>> -> memref<512xi32, #tpu.memory_space<hbm>>
    tpu.wait_dma2 semaphore(%arg26 : memref<!tpu.dma_semaphore, #tpu.memory_space<semaphore_mem>>) src(%dma_wait3A_8 : memref<512xi32, #tpu.memory_space<hbm>>) dst(%arg8 : memref<512xi32, #tpu.memory_space<vmem>>)
    %dma_start3A_9 = arith.constant 0 : i32
    %dma_start3A_10 = tpu.memref_slice %arg7[%dma_start3A_9] : memref<512xi32, #tpu.memory_space<vmem>> -> memref<32xi32, #tpu.memory_space<vmem>>
    %dma_start3A_11 = arith.constant 0 : i32
    %dma_start3A_12 = arith.constant 0 : i32
    %dma_start3A_13 = tpu.memref_slice %arg4[%dma_start3A_11, %dma_start3A_12] : memref<1000000x128xf32, #tpu.memory_space<hbm>> -> memref<1000000x128xf32, #tpu.memory_space<hbm>>
    tpu.enqueue_indirect_dma source(%dma_start3A_13 : memref<1000000x128xf32, #tpu.memory_space<hbm>>) target(%arg9 : memref<32x128xf32, #tpu.memory_space<vmem>>) offsets(%dma_start3A_10 : memref<32xi32, #tpu.memory_space<vmem>>) semaphore(%arg18 : memref<!tpu.dma_semaphore, #tpu.memory_space<semaphore_mem>>)
    %dma_start3A_14 = arith.constant 0 : i32
    %dma_start3A_15 = tpu.memref_slice %arg8[%dma_start3A_14] : memref<512xi32, #tpu.memory_space<vmem>> -> memref<32xi32, #tpu.memory_space<vmem>>
    %dma_start3A_16 = arith.constant 0 : i32
    %dma_start3A_17 = arith.constant 0 : i32
    %dma_start3A_18 = tpu.memref_slice %arg5[%dma_start3A_16, %dma_start3A_17] : memref<100000x128xf32, #tpu.memory_space<hbm>> -> memref<100000x128xf32, #tpu.memory_space<hbm>>
    tpu.enqueue_indirect_dma source(%dma_start3A_18 : memref<100000x128xf32, #tpu.memory_space<hbm>>) target(%arg13 : memref<32x128xf32, #tpu.memory_space<vmem>>) offsets(%dma_start3A_15 : memref<32xi32, #tpu.memory_space<vmem>>) semaphore(%arg22 : memref<!tpu.dma_semaphore, #tpu.memory_space<semaphore_mem>>)
    %dma_start3A_19 = arith.constant 32 : i32
    %dma_start3A_20 = tpu.memref_slice %arg7[%dma_start3A_19] : memref<512xi32, #tpu.memory_space<vmem>> -> memref<32xi32, #tpu.memory_space<vmem>>
    %dma_start3A_21 = arith.constant 0 : i32
    %dma_start3A_22 = arith.constant 0 : i32
    %dma_start3A_23 = tpu.memref_slice %arg4[%dma_start3A_21, %dma_start3A_22] : memref<1000000x128xf32, #tpu.memory_space<hbm>> -> memref<1000000x128xf32, #tpu.memory_space<hbm>>
    tpu.enqueue_indirect_dma source(%dma_start3A_23 : memref<1000000x128xf32, #tpu.memory_space<hbm>>) target(%arg10 : memref<32x128xf32, #tpu.memory_space<vmem>>) offsets(%dma_start3A_20 : memref<32xi32, #tpu.memory_space<vmem>>) semaphore(%arg19 : memref<!tpu.dma_semaphore, #tpu.memory_space<semaphore_mem>>)
    %dma_start3A_24 = arith.constant 32 : i32
    %dma_start3A_25 = tpu.memref_slice %arg8[%dma_start3A_24] : memref<512xi32, #tpu.memory_space<vmem>> -> memref<32xi32, #tpu.memory_space<vmem>>
    %dma_start3A_26 = arith.constant 0 : i32
    %dma_start3A_27 = arith.constant 0 : i32
    %dma_start3A_28 = tpu.memref_slice %arg5[%dma_start3A_26, %dma_start3A_27] : memref<100000x128xf32, #tpu.memory_space<hbm>> -> memref<100000x128xf32, #tpu.memory_space<hbm>>
    tpu.enqueue_indirect_dma source(%dma_start3A_28 : memref<100000x128xf32, #tpu.memory_space<hbm>>) target(%arg14 : memref<32x128xf32, #tpu.memory_space<vmem>>) offsets(%dma_start3A_25 : memref<32xi32, #tpu.memory_space<vmem>>) semaphore(%arg23 : memref<!tpu.dma_semaphore, #tpu.memory_space<semaphore_mem>>)
    %dma_start3A_29 = arith.constant 64 : i32
    %dma_start3A_30 = tpu.memref_slice %arg7[%dma_start3A_29] : memref<512xi32, #tpu.memory_space<vmem>> -> memref<32xi32, #tpu.memory_space<vmem>>
    %dma_start3A_31 = arith.constant 0 : i32
    %dma_start3A_32 = arith.constant 0 : i32
    %dma_start3A_33 = tpu.memref_slice %arg4[%dma_start3A_31, %dma_start3A_32] : memref<1000000x128xf32, #tpu.memory_space<hbm>> -> memref<1000000x128xf32, #tpu.memory_space<hbm>>
    tpu.enqueue_indirect_dma source(%dma_start3A_33 : memref<1000000x128xf32, #tpu.memory_space<hbm>>) target(%arg11 : memref<32x128xf32, #tpu.memory_space<vmem>>) offsets(%dma_start3A_30 : memref<32xi32, #tpu.memory_space<vmem>>) semaphore(%arg20 : memref<!tpu.dma_semaphore, #tpu.memory_space<semaphore_mem>>)
    %dma_start3A_34 = arith.constant 64 : i32
    %dma_start3A_35 = tpu.memref_slice %arg8[%dma_start3A_34] : memref<512xi32, #tpu.memory_space<vmem>> -> memref<32xi32, #tpu.memory_space<vmem>>
    %dma_start3A_36 = arith.constant 0 : i32
    %dma_start3A_37 = arith.constant 0 : i32
    %dma_start3A_38 = tpu.memref_slice %arg5[%dma_start3A_36, %dma_start3A_37] : memref<100000x128xf32, #tpu.memory_space<hbm>> -> memref<100000x128xf32, #tpu.memory_space<hbm>>
    tpu.enqueue_indirect_dma source(%dma_start3A_38 : memref<100000x128xf32, #tpu.memory_space<hbm>>) target(%arg15 : memref<32x128xf32, #tpu.memory_space<vmem>>) offsets(%dma_start3A_35 : memref<32xi32, #tpu.memory_space<vmem>>) semaphore(%arg24 : memref<!tpu.dma_semaphore, #tpu.memory_space<semaphore_mem>>)
    %dma_wait3A_39 = arith.constant 0 : i32
    %dma_wait3A_40 = tpu.memref_slice %arg7[%dma_wait3A_39] : memref<512xi32, #tpu.memory_space<vmem>> -> memref<32xi32, #tpu.memory_space<vmem>>
    %dma_wait3A_41 = arith.constant 0 : i32
    %dma_wait3A_42 = arith.constant 0 : i32
    %dma_wait3A_43 = tpu.memref_slice %arg4[%dma_wait3A_41, %dma_wait3A_42] : memref<1000000x128xf32, #tpu.memory_space<hbm>> -> memref<1000000x128xf32, #tpu.memory_space<hbm>>
    tpu.wait_indirect_dma semaphore(%arg18 : memref<!tpu.dma_semaphore, #tpu.memory_space<semaphore_mem>>) src(%dma_wait3A_43 : memref<1000000x128xf32, #tpu.memory_space<hbm>>) dst(%arg9 : memref<32x128xf32, #tpu.memory_space<vmem>>)
    %dma_wait3A_44 = arith.constant 0 : i32
    %dma_wait3A_45 = tpu.memref_slice %arg8[%dma_wait3A_44] : memref<512xi32, #tpu.memory_space<vmem>> -> memref<32xi32, #tpu.memory_space<vmem>>
    %dma_wait3A_46 = arith.constant 0 : i32
    %dma_wait3A_47 = arith.constant 0 : i32
    %dma_wait3A_48 = tpu.memref_slice %arg5[%dma_wait3A_46, %dma_wait3A_47] : memref<100000x128xf32, #tpu.memory_space<hbm>> -> memref<100000x128xf32, #tpu.memory_space<hbm>>
    tpu.wait_indirect_dma semaphore(%arg22 : memref<!tpu.dma_semaphore, #tpu.memory_space<semaphore_mem>>) src(%dma_wait3A_48 : memref<100000x128xf32, #tpu.memory_space<hbm>>) dst(%arg13 : memref<32x128xf32, #tpu.memory_space<vmem>>)
    %dma_start3A_49 = arith.constant 96 : i32
    %dma_start3A_50 = tpu.memref_slice %arg7[%dma_start3A_49] : memref<512xi32, #tpu.memory_space<vmem>> -> memref<32xi32, #tpu.memory_space<vmem>>
    %dma_start3A_51 = arith.constant 0 : i32
    %dma_start3A_52 = arith.constant 0 : i32
    %dma_start3A_53 = tpu.memref_slice %arg4[%dma_start3A_51, %dma_start3A_52] : memref<1000000x128xf32, #tpu.memory_space<hbm>> -> memref<1000000x128xf32, #tpu.memory_space<hbm>>
    tpu.enqueue_indirect_dma source(%dma_start3A_53 : memref<1000000x128xf32, #tpu.memory_space<hbm>>) target(%arg12 : memref<32x128xf32, #tpu.memory_space<vmem>>) offsets(%dma_start3A_50 : memref<32xi32, #tpu.memory_space<vmem>>) semaphore(%arg21 : memref<!tpu.dma_semaphore, #tpu.memory_space<semaphore_mem>>)
    %dma_start3A_54 = arith.constant 96 : i32
    %dma_start3A_55 = tpu.memref_slice %arg8[%dma_start3A_54] : memref<512xi32, #tpu.memory_space<vmem>> -> memref<32xi32, #tpu.memory_space<vmem>>
    %dma_start3A_56 = arith.constant 0 : i32
    %dma_start3A_57 = arith.constant 0 : i32
    %dma_start3A_58 = tpu.memref_slice %arg5[%dma_start3A_56, %dma_start3A_57] : memref<100000x128xf32, #tpu.memory_space<hbm>> -> memref<100000x128xf32, #tpu.memory_space<hbm>>
    tpu.enqueue_indirect_dma source(%dma_start3A_58 : memref<100000x128xf32, #tpu.memory_space<hbm>>) target(%arg16 : memref<32x128xf32, #tpu.memory_space<vmem>>) offsets(%dma_start3A_55 : memref<32xi32, #tpu.memory_space<vmem>>) semaphore(%arg25 : memref<!tpu.dma_semaphore, #tpu.memory_space<semaphore_mem>>)
    %scan3A = arith.constant 0 : i32
    %scan3A_59 = arith.constant 0 : i32
    %scan3A_60 = arith.constant 2 : i32
    %scan3A_61 = arith.addi %scan3A_59, %scan3A_60 : i32
    %scan3A_62 = arith.constant 1 : i32
    scf.for %scan3A_558 = %scan3A_59 to %scan3A_61 step %scan3A_62  : i32 {
      %mul3A_559 = arith.constant 16 : i32
      %mul3A_560 = arith.muli %scan3A_558, %mul3A_559 : i32
      %add3A_561 = vector.broadcast %mul3A_560 : i32 to vector<16xi32>
      %add3A_562 = arith.addi %add3A_561, %iota3A : vector<16xi32>
      %broadcast_in_dim3A = arith.constant 0.000000e+00 : f32
      %broadcast_in_dim3A_563 = vector.broadcast %broadcast_in_dim3A : f32 to vector<16xf32>
      %parallel_loop3A = arith.constant 0 : i32
      %parallel_loop3A_564 = arith.constant 128 : i32
      %parallel_loop3A_565 = arith.constant 2 : i32
      %parallel_loop3A_566:3 = scf.for %parallel_loop3A_573 = %parallel_loop3A to %parallel_loop3A_564 step %parallel_loop3A_565 iter_args(%parallel_loop3A_574 = %broadcast_in_dim3A_563, %parallel_loop3A_575 = %broadcast_in_dim3A_563, %parallel_loop3A_576 = %iota3A) -> (vector<16xf32>, vector<16xf32>, vector<16xi32>)  : i32 {
        %parallel_loop3A_577 = arith.constant 1 : i32
        %parallel_loop3A_578 = vector.broadcast %parallel_loop3A_577 : i32 to vector<16xi32>
        %parallel_loop3A_579 = arith.addi %parallel_loop3A_576, %parallel_loop3A_578 : vector<16xi32>
        %parallel_loop3A_580 = arith.constant 127 : i32
        %parallel_loop3A_581 = vector.broadcast %parallel_loop3A_580 : i32 to vector<16xi32>
        %parallel_loop3A_582 = arith.andi %parallel_loop3A_579, %parallel_loop3A_581 : vector<16xi32>
        %parallel_loop3A_583 = tpu.vector_load_idx %arg9[%add3A_562, %parallel_loop3A_576] : memref<32x128xf32, #tpu.memory_space<vmem>>[vector<16xi32>, vector<16xi32>], vector<16xf32>,
        %parallel_loop3A_584 = tpu.vector_load_idx %arg13[%add3A_562, %parallel_loop3A_576] : memref<32x128xf32, #tpu.memory_space<vmem>>[vector<16xi32>, vector<16xi32>], vector<16xf32>,
        %parallel_loop3A_585 = arith.mulf %parallel_loop3A_583, %parallel_loop3A_584 : vector<16xf32>
        %parallel_loop3A_586 = arith.addf %parallel_loop3A_574, %parallel_loop3A_585 : vector<16xf32>
        %parallel_loop3A_587 = tpu.vector_load_idx %arg9[%add3A_562, %parallel_loop3A_582] : memref<32x128xf32, #tpu.memory_space<vmem>>[vector<16xi32>, vector<16xi32>], vector<16xf32>,
        %parallel_loop3A_588 = tpu.vector_load_idx %arg13[%add3A_562, %parallel_loop3A_582] : memref<32x128xf32, #tpu.memory_space<vmem>>[vector<16xi32>, vector<16xi32>], vector<16xf32>,
        %parallel_loop3A_589 = arith.mulf %parallel_loop3A_587, %parallel_loop3A_588 : vector<16xf32>
        %parallel_loop3A_590 = arith.addf %parallel_loop3A_575, %parallel_loop3A_589 : vector<16xf32>
        %parallel_loop3A_591 = arith.constant 2 : i32
        %parallel_loop3A_592 = vector.broadcast %parallel_loop3A_591 : i32 to vector<16xi32>
        %parallel_loop3A_593 = arith.addi %parallel_loop3A_576, %parallel_loop3A_592 : vector<16xi32>
        %parallel_loop3A_594 = arith.constant 127 : i32
        %parallel_loop3A_595 = vector.broadcast %parallel_loop3A_594 : i32 to vector<16xi32>
        %parallel_loop3A_596 = arith.andi %parallel_loop3A_593, %parallel_loop3A_595 : vector<16xi32>
        scf.yield %parallel_loop3A_586, %parallel_loop3A_590, %parallel_loop3A_596 : vector<16xf32>, vector<16xf32>, vector<16xi32>
      } {sc.loop_unroll_factor = 4 : i64, sc.parallel_access}
      %add3A_567 = arith.addf %parallel_loop3A_566#0, %parallel_loop3A_566#1 : vector<16xf32>
      %mul3A_568 = arith.constant 16 : i32
      %mul3A_569 = arith.muli %scan3A_558, %mul3A_568 : i32
      %add3A_570 = arith.constant 0 : i32
      %add3A_571 = arith.addi %add3A_570, %mul3A_569 : i32
      %swap3A = arith.index_cast %add3A_571 : i32 to index
      %swap3A_572 = tpu.vector_load %arg17[%swap3A] {strides = array<i32>} : memref<512xf32, #tpu.memory_space<vmem>>, vector<16xf32>,
      tpu.vector_store %arg17[%swap3A], %add3A_567 {strides = array<i32>} : memref<512xf32, #tpu.memory_space<vmem>>, vector<16xf32>,
    }
    %scan3A_63 = arith.constant 2 : i32
    %add3A_64 = arith.constant 0 : i32
    %add3A_65 = arith.addi %mul3A_2, %add3A_64 : i32
    %dma_start3A_66 = arith.constant 0 : i32
    %dma_start3A_67 = tpu.memref_slice %arg17[%dma_start3A_66] : memref<512xf32, #tpu.memory_space<vmem>> -> memref<32xf32, #tpu.memory_space<vmem>>
    %dma_start3A_68 = tpu.memref_slice %arg6[%add3A_65] : memref<16384xf32, #tpu.memory_space<hbm>> -> memref<32xf32, #tpu.memory_space<hbm>>
    %dma_start3A_69 = tpu.memref_slice %arg6[%add3A_65] : memref<16384xf32, #tpu.memory_space<hbm>> -> memref<32xf32, #tpu.memory_space<hbm>>
    %dma_start3A_70 = arith.constant 0 : i32
    %dma_start3A_71 = tpu.memref_slice %arg17[%dma_start3A_70] : memref<512xf32, #tpu.memory_space<vmem>> -> memref<32xf32, #tpu.memory_space<vmem>>
    tpu.enqueue_dma source(%dma_start3A_71 : memref<32xf32, #tpu.memory_space<vmem>>) target(%dma_start3A_69 : memref<32xf32, #tpu.memory_space<hbm>>) target_semaphore(%arg27 : memref<!tpu.dma_semaphore, #tpu.memory_space<semaphore_mem>>)
    %dma_wait3A_72 = arith.constant 32 : i32
    %dma_wait3A_73 = tpu.memref_slice %arg7[%dma_wait3A_72] : memref<512xi32, #tpu.memory_space<vmem>> -> memref<32xi32, #tpu.memory_space<vmem>>
    %dma_wait3A_74 = arith.constant 0 : i32
    %dma_wait3A_75 = arith.constant 0 : i32
    %dma_wait3A_76 = tpu.memref_slice %arg4[%dma_wait3A_74, %dma_wait3A_75] : memref<1000000x128xf32, #tpu.memory_space<hbm>> -> memref<1000000x128xf32, #tpu.memory_space<hbm>>
    tpu.wait_indirect_dma semaphore(%arg19 : memref<!tpu.dma_semaphore, #tpu.memory_space<semaphore_mem>>) src(%dma_wait3A_76 : memref<1000000x128xf32, #tpu.memory_space<hbm>>) dst(%arg10 : memref<32x128xf32, #tpu.memory_space<vmem>>)
    %dma_wait3A_77 = arith.constant 32 : i32
    %dma_wait3A_78 = tpu.memref_slice %arg8[%dma_wait3A_77] : memref<512xi32, #tpu.memory_space<vmem>> -> memref<32xi32, #tpu.memory_space<vmem>>
    %dma_wait3A_79 = arith.constant 0 : i32
    %dma_wait3A_80 = arith.constant 0 : i32
    %dma_wait3A_81 = tpu.memref_slice %arg5[%dma_wait3A_79, %dma_wait3A_80] : memref<100000x128xf32, #tpu.memory_space<hbm>> -> memref<100000x128xf32, #tpu.memory_space<hbm>>
    tpu.wait_indirect_dma semaphore(%arg23 : memref<!tpu.dma_semaphore, #tpu.memory_space<semaphore_mem>>) src(%dma_wait3A_81 : memref<100000x128xf32, #tpu.memory_space<hbm>>) dst(%arg14 : memref<32x128xf32, #tpu.memory_space<vmem>>)
    %dma_start3A_82 = arith.constant 128 : i32
    %dma_start3A_83 = tpu.memref_slice %arg7[%dma_start3A_82] : memref<512xi32, #tpu.memory_space<vmem>> -> memref<32xi32, #tpu.memory_space<vmem>>
    %dma_start3A_84 = arith.constant 0 : i32
    %dma_start3A_85 = arith.constant 0 : i32
    %dma_start3A_86 = tpu.memref_slice %arg4[%dma_start3A_84, %dma_start3A_85] : memref<1000000x128xf32, #tpu.memory_space<hbm>> -> memref<1000000x128xf32, #tpu.memory_space<hbm>>
    tpu.enqueue_indirect_dma source(%dma_start3A_86 : memref<1000000x128xf32, #tpu.memory_space<hbm>>) target(%arg9 : memref<32x128xf32, #tpu.memory_space<vmem>>) offsets(%dma_start3A_83 : memref<32xi32, #tpu.memory_space<vmem>>) semaphore(%arg18 : memref<!tpu.dma_semaphore, #tpu.memory_space<semaphore_mem>>)
    %dma_start3A_87 = arith.constant 128 : i32
    %dma_start3A_88 = tpu.memref_slice %arg8[%dma_start3A_87] : memref<512xi32, #tpu.memory_space<vmem>> -> memref<32xi32, #tpu.memory_space<vmem>>
    %dma_start3A_89 = arith.constant 0 : i32
    %dma_start3A_90 = arith.constant 0 : i32
    %dma_start3A_91 = tpu.memref_slice %arg5[%dma_start3A_89, %dma_start3A_90] : memref<100000x128xf32, #tpu.memory_space<hbm>> -> memref<100000x128xf32, #tpu.memory_space<hbm>>
    tpu.enqueue_indirect_dma source(%dma_start3A_91 : memref<100000x128xf32, #tpu.memory_space<hbm>>) target(%arg13 : memref<32x128xf32, #tpu.memory_space<vmem>>) offsets(%dma_start3A_88 : memref<32xi32, #tpu.memory_space<vmem>>) semaphore(%arg22 : memref<!tpu.dma_semaphore, #tpu.memory_space<semaphore_mem>>)
    %scan3A_92 = arith.constant 0 : i32
    %scan3A_93 = arith.constant 0 : i32
    %scan3A_94 = arith.constant 2 : i32
    %scan3A_95 = arith.addi %scan3A_93, %scan3A_94 : i32
    %scan3A_96 = arith.constant 1 : i32
    scf.for %scan3A_558 = %scan3A_93 to %scan3A_95 step %scan3A_96  : i32 {
      %mul3A_559 = arith.constant 16 : i32
      %mul3A_560 = arith.muli %scan3A_558, %mul3A_559 : i32
      %add3A_561 = vector.broadcast %mul3A_560 : i32 to vector<16xi32>
      %add3A_562 = arith.addi %add3A_561, %iota3A : vector<16xi32>
      %broadcast_in_dim3A = arith.constant 0.000000e+00 : f32
      %broadcast_in_dim3A_563 = vector.broadcast %broadcast_in_dim3A : f32 to vector<16xf32>
      %parallel_loop3A = arith.constant 0 : i32
      %parallel_loop3A_564 = arith.constant 128 : i32
      %parallel_loop3A_565 = arith.constant 2 : i32
      %parallel_loop3A_566:3 = scf.for %parallel_loop3A_573 = %parallel_loop3A to %parallel_loop3A_564 step %parallel_loop3A_565 iter_args(%parallel_loop3A_574 = %broadcast_in_dim3A_563, %parallel_loop3A_575 = %broadcast_in_dim3A_563, %parallel_loop3A_576 = %iota3A) -> (vector<16xf32>, vector<16xf32>, vector<16xi32>)  : i32 {
        %parallel_loop3A_577 = arith.constant 1 : i32
        %parallel_loop3A_578 = vector.broadcast %parallel_loop3A_577 : i32 to vector<16xi32>
        %parallel_loop3A_579 = arith.addi %parallel_loop3A_576, %parallel_loop3A_578 : vector<16xi32>
        %parallel_loop3A_580 = arith.constant 127 : i32
        %parallel_loop3A_581 = vector.broadcast %parallel_loop3A_580 : i32 to vector<16xi32>
        %parallel_loop3A_582 = arith.andi %parallel_loop3A_579, %parallel_loop3A_581 : vector<16xi32>
        %parallel_loop3A_583 = tpu.vector_load_idx %arg10[%add3A_562, %parallel_loop3A_576] : memref<32x128xf32, #tpu.memory_space<vmem>>[vector<16xi32>, vector<16xi32>], vector<16xf32>,
        %parallel_loop3A_584 = tpu.vector_load_idx %arg14[%add3A_562, %parallel_loop3A_576] : memref<32x128xf32, #tpu.memory_space<vmem>>[vector<16xi32>, vector<16xi32>], vector<16xf32>,
        %parallel_loop3A_585 = arith.mulf %parallel_loop3A_583, %parallel_loop3A_584 : vector<16xf32>
        %parallel_loop3A_586 = arith.addf %parallel_loop3A_574, %parallel_loop3A_585 : vector<16xf32>
        %parallel_loop3A_587 = tpu.vector_load_idx %arg10[%add3A_562, %parallel_loop3A_582] : memref<32x128xf32, #tpu.memory_space<vmem>>[vector<16xi32>, vector<16xi32>], vector<16xf32>,
        %parallel_loop3A_588 = tpu.vector_load_idx %arg14[%add3A_562, %parallel_loop3A_582] : memref<32x128xf32, #tpu.memory_space<vmem>>[vector<16xi32>, vector<16xi32>], vector<16xf32>,
        %parallel_loop3A_589 = arith.mulf %parallel_loop3A_587, %parallel_loop3A_588 : vector<16xf32>
        %parallel_loop3A_590 = arith.addf %parallel_loop3A_575, %parallel_loop3A_589 : vector<16xf32>
        %parallel_loop3A_591 = arith.constant 2 : i32
        %parallel_loop3A_592 = vector.broadcast %parallel_loop3A_591 : i32 to vector<16xi32>
        %parallel_loop3A_593 = arith.addi %parallel_loop3A_576, %parallel_loop3A_592 : vector<16xi32>
        %parallel_loop3A_594 = arith.constant 127 : i32
        %parallel_loop3A_595 = vector.broadcast %parallel_loop3A_594 : i32 to vector<16xi32>
        %parallel_loop3A_596 = arith.andi %parallel_loop3A_593, %parallel_loop3A_595 : vector<16xi32>
        scf.yield %parallel_loop3A_586, %parallel_loop3A_590, %parallel_loop3A_596 : vector<16xf32>, vector<16xf32>, vector<16xi32>
      } {sc.loop_unroll_factor = 4 : i64, sc.parallel_access}
      %add3A_567 = arith.addf %parallel_loop3A_566#0, %parallel_loop3A_566#1 : vector<16xf32>
      %mul3A_568 = arith.constant 16 : i32
      %mul3A_569 = arith.muli %scan3A_558, %mul3A_568 : i32
      %add3A_570 = arith.constant 32 : i32
      %add3A_571 = arith.addi %add3A_570, %mul3A_569 : i32
      %swap3A = arith.index_cast %add3A_571 : i32 to index
      %swap3A_572 = tpu.vector_load %arg17[%swap3A] {strides = array<i32>} : memref<512xf32, #tpu.memory_space<vmem>>, vector<16xf32>,
      tpu.vector_store %arg17[%swap3A], %add3A_567 {strides = array<i32>} : memref<512xf32, #tpu.memory_space<vmem>>, vector<16xf32>,
    }
    %scan3A_97 = arith.constant 2 : i32
    %add3A_98 = arith.constant 32 : i32
    %add3A_99 = arith.addi %mul3A_2, %add3A_98 : i32
    %dma_start3A_100 = arith.constant 32 : i32
    %dma_start3A_101 = tpu.memref_slice %arg17[%dma_start3A_100] : memref<512xf32, #tpu.memory_space<vmem>> -> memref<32xf32, #tpu.memory_space<vmem>>
    %dma_start3A_102 = tpu.memref_slice %arg6[%add3A_99] : memref<16384xf32, #tpu.memory_space<hbm>> -> memref<32xf32, #tpu.memory_space<hbm>>
    %dma_start3A_103 = tpu.memref_slice %arg6[%add3A_99] : memref<16384xf32, #tpu.memory_space<hbm>> -> memref<32xf32, #tpu.memory_space<hbm>>
    %dma_start3A_104 = arith.constant 32 : i32
    %dma_start3A_105 = tpu.memref_slice %arg17[%dma_start3A_104] : memref<512xf32, #tpu.memory_space<vmem>> -> memref<32xf32, #tpu.memory_space<vmem>>
    tpu.enqueue_dma source(%dma_start3A_105 : memref<32xf32, #tpu.memory_space<vmem>>) target(%dma_start3A_103 : memref<32xf32, #tpu.memory_space<hbm>>) target_semaphore(%arg27 : memref<!tpu.dma_semaphore, #tpu.memory_space<semaphore_mem>>)
    %dma_wait3A_106 = arith.constant 64 : i32
    %dma_wait3A_107 = tpu.memref_slice %arg7[%dma_wait3A_106] : memref<512xi32, #tpu.memory_space<vmem>> -> memref<32xi32, #tpu.memory_space<vmem>>
    %dma_wait3A_108 = arith.constant 0 : i32
    %dma_wait3A_109 = arith.constant 0 : i32
    %dma_wait3A_110 = tpu.memref_slice %arg4[%dma_wait3A_108, %dma_wait3A_109] : memref<1000000x128xf32, #tpu.memory_space<hbm>> -> memref<1000000x128xf32, #tpu.memory_space<hbm>>
    tpu.wait_indirect_dma semaphore(%arg20 : memref<!tpu.dma_semaphore, #tpu.memory_space<semaphore_mem>>) src(%dma_wait3A_110 : memref<1000000x128xf32, #tpu.memory_space<hbm>>) dst(%arg11 : memref<32x128xf32, #tpu.memory_space<vmem>>)
    %dma_wait3A_111 = arith.constant 64 : i32
    %dma_wait3A_112 = tpu.memref_slice %arg8[%dma_wait3A_111] : memref<512xi32, #tpu.memory_space<vmem>> -> memref<32xi32, #tpu.memory_space<vmem>>
    %dma_wait3A_113 = arith.constant 0 : i32
    %dma_wait3A_114 = arith.constant 0 : i32
    %dma_wait3A_115 = tpu.memref_slice %arg5[%dma_wait3A_113, %dma_wait3A_114] : memref<100000x128xf32, #tpu.memory_space<hbm>> -> memref<100000x128xf32, #tpu.memory_space<hbm>>
    tpu.wait_indirect_dma semaphore(%arg24 : memref<!tpu.dma_semaphore, #tpu.memory_space<semaphore_mem>>) src(%dma_wait3A_115 : memref<100000x128xf32, #tpu.memory_space<hbm>>) dst(%arg15 : memref<32x128xf32, #tpu.memory_space<vmem>>)
    %dma_start3A_116 = arith.constant 160 : i32
    %dma_start3A_117 = tpu.memref_slice %arg7[%dma_start3A_116] : memref<512xi32, #tpu.memory_space<vmem>> -> memref<32xi32, #tpu.memory_space<vmem>>
    %dma_start3A_118 = arith.constant 0 : i32
    %dma_start3A_119 = arith.constant 0 : i32
    %dma_start3A_120 = tpu.memref_slice %arg4[%dma_start3A_118, %dma_start3A_119] : memref<1000000x128xf32, #tpu.memory_space<hbm>> -> memref<1000000x128xf32, #tpu.memory_space<hbm>>
    tpu.enqueue_indirect_dma source(%dma_start3A_120 : memref<1000000x128xf32, #tpu.memory_space<hbm>>) target(%arg10 : memref<32x128xf32, #tpu.memory_space<vmem>>) offsets(%dma_start3A_117 : memref<32xi32, #tpu.memory_space<vmem>>) semaphore(%arg19 : memref<!tpu.dma_semaphore, #tpu.memory_space<semaphore_mem>>)
    %dma_start3A_121 = arith.constant 160 : i32
    %dma_start3A_122 = tpu.memref_slice %arg8[%dma_start3A_121] : memref<512xi32, #tpu.memory_space<vmem>> -> memref<32xi32, #tpu.memory_space<vmem>>
    %dma_start3A_123 = arith.constant 0 : i32
    %dma_start3A_124 = arith.constant 0 : i32
    %dma_start3A_125 = tpu.memref_slice %arg5[%dma_start3A_123, %dma_start3A_124] : memref<100000x128xf32, #tpu.memory_space<hbm>> -> memref<100000x128xf32, #tpu.memory_space<hbm>>
    tpu.enqueue_indirect_dma source(%dma_start3A_125 : memref<100000x128xf32, #tpu.memory_space<hbm>>) target(%arg14 : memref<32x128xf32, #tpu.memory_space<vmem>>) offsets(%dma_start3A_122 : memref<32xi32, #tpu.memory_space<vmem>>) semaphore(%arg23 : memref<!tpu.dma_semaphore, #tpu.memory_space<semaphore_mem>>)
    %scan3A_126 = arith.constant 0 : i32
    %scan3A_127 = arith.constant 0 : i32
    %scan3A_128 = arith.constant 2 : i32
    %scan3A_129 = arith.addi %scan3A_127, %scan3A_128 : i32
    %scan3A_130 = arith.constant 1 : i32
    scf.for %scan3A_558 = %scan3A_127 to %scan3A_129 step %scan3A_130  : i32 {
      %mul3A_559 = arith.constant 16 : i32
      %mul3A_560 = arith.muli %scan3A_558, %mul3A_559 : i32
      %add3A_561 = vector.broadcast %mul3A_560 : i32 to vector<16xi32>
      %add3A_562 = arith.addi %add3A_561, %iota3A : vector<16xi32>
      %broadcast_in_dim3A = arith.constant 0.000000e+00 : f32
      %broadcast_in_dim3A_563 = vector.broadcast %broadcast_in_dim3A : f32 to vector<16xf32>
      %parallel_loop3A = arith.constant 0 : i32
      %parallel_loop3A_564 = arith.constant 128 : i32
      %parallel_loop3A_565 = arith.constant 2 : i32
      %parallel_loop3A_566:3 = scf.for %parallel_loop3A_573 = %parallel_loop3A to %parallel_loop3A_564 step %parallel_loop3A_565 iter_args(%parallel_loop3A_574 = %broadcast_in_dim3A_563, %parallel_loop3A_575 = %broadcast_in_dim3A_563, %parallel_loop3A_576 = %iota3A) -> (vector<16xf32>, vector<16xf32>, vector<16xi32>)  : i32 {
        %parallel_loop3A_577 = arith.constant 1 : i32
        %parallel_loop3A_578 = vector.broadcast %parallel_loop3A_577 : i32 to vector<16xi32>
        %parallel_loop3A_579 = arith.addi %parallel_loop3A_576, %parallel_loop3A_578 : vector<16xi32>
        %parallel_loop3A_580 = arith.constant 127 : i32
        %parallel_loop3A_581 = vector.broadcast %parallel_loop3A_580 : i32 to vector<16xi32>
        %parallel_loop3A_582 = arith.andi %parallel_loop3A_579, %parallel_loop3A_581 : vector<16xi32>
        %parallel_loop3A_583 = tpu.vector_load_idx %arg11[%add3A_562, %parallel_loop3A_576] : memref<32x128xf32, #tpu.memory_space<vmem>>[vector<16xi32>, vector<16xi32>], vector<16xf32>,
        %parallel_loop3A_584 = tpu.vector_load_idx %arg15[%add3A_562, %parallel_loop3A_576] : memref<32x128xf32, #tpu.memory_space<vmem>>[vector<16xi32>, vector<16xi32>], vector<16xf32>,
        %parallel_loop3A_585 = arith.mulf %parallel_loop3A_583, %parallel_loop3A_584 : vector<16xf32>
        %parallel_loop3A_586 = arith.addf %parallel_loop3A_574, %parallel_loop3A_585 : vector<16xf32>
        %parallel_loop3A_587 = tpu.vector_load_idx %arg11[%add3A_562, %parallel_loop3A_582] : memref<32x128xf32, #tpu.memory_space<vmem>>[vector<16xi32>, vector<16xi32>], vector<16xf32>,
        %parallel_loop3A_588 = tpu.vector_load_idx %arg15[%add3A_562, %parallel_loop3A_582] : memref<32x128xf32, #tpu.memory_space<vmem>>[vector<16xi32>, vector<16xi32>], vector<16xf32>,
        %parallel_loop3A_589 = arith.mulf %parallel_loop3A_587, %parallel_loop3A_588 : vector<16xf32>
        %parallel_loop3A_590 = arith.addf %parallel_loop3A_575, %parallel_loop3A_589 : vector<16xf32>
        %parallel_loop3A_591 = arith.constant 2 : i32
        %parallel_loop3A_592 = vector.broadcast %parallel_loop3A_591 : i32 to vector<16xi32>
        %parallel_loop3A_593 = arith.addi %parallel_loop3A_576, %parallel_loop3A_592 : vector<16xi32>
        %parallel_loop3A_594 = arith.constant 127 : i32
        %parallel_loop3A_595 = vector.broadcast %parallel_loop3A_594 : i32 to vector<16xi32>
        %parallel_loop3A_596 = arith.andi %parallel_loop3A_593, %parallel_loop3A_595 : vector<16xi32>
        scf.yield %parallel_loop3A_586, %parallel_loop3A_590, %parallel_loop3A_596 : vector<16xf32>, vector<16xf32>, vector<16xi32>
      } {sc.loop_unroll_factor = 4 : i64, sc.parallel_access}
      %add3A_567 = arith.addf %parallel_loop3A_566#0, %parallel_loop3A_566#1 : vector<16xf32>
      %mul3A_568 = arith.constant 16 : i32
      %mul3A_569 = arith.muli %scan3A_558, %mul3A_568 : i32
      %add3A_570 = arith.constant 64 : i32
      %add3A_571 = arith.addi %add3A_570, %mul3A_569 : i32
      %swap3A = arith.index_cast %add3A_571 : i32 to index
      %swap3A_572 = tpu.vector_load %arg17[%swap3A] {strides = array<i32>} : memref<512xf32, #tpu.memory_space<vmem>>, vector<16xf32>,
      tpu.vector_store %arg17[%swap3A], %add3A_567 {strides = array<i32>} : memref<512xf32, #tpu.memory_space<vmem>>, vector<16xf32>,
    }
    %scan3A_131 = arith.constant 2 : i32
    %add3A_132 = arith.constant 64 : i32
    %add3A_133 = arith.addi %mul3A_2, %add3A_132 : i32
    %dma_start3A_134 = arith.constant 64 : i32
    %dma_start3A_135 = tpu.memref_slice %arg17[%dma_start3A_134] : memref<512xf32, #tpu.memory_space<vmem>> -> memref<32xf32, #tpu.memory_space<vmem>>
    %dma_start3A_136 = tpu.memref_slice %arg6[%add3A_133] : memref<16384xf32, #tpu.memory_space<hbm>> -> memref<32xf32, #tpu.memory_space<hbm>>
    %dma_start3A_137 = tpu.memref_slice %arg6[%add3A_133] : memref<16384xf32, #tpu.memory_space<hbm>> -> memref<32xf32, #tpu.memory_space<hbm>>
    %dma_start3A_138 = arith.constant 64 : i32
    %dma_start3A_139 = tpu.memref_slice %arg17[%dma_start3A_138] : memref<512xf32, #tpu.memory_space<vmem>> -> memref<32xf32, #tpu.memory_space<vmem>>
    tpu.enqueue_dma source(%dma_start3A_139 : memref<32xf32, #tpu.memory_space<vmem>>) target(%dma_start3A_137 : memref<32xf32, #tpu.memory_space<hbm>>) target_semaphore(%arg27 : memref<!tpu.dma_semaphore, #tpu.memory_space<semaphore_mem>>)
    %dma_wait3A_140 = arith.constant 96 : i32
    %dma_wait3A_141 = tpu.memref_slice %arg7[%dma_wait3A_140] : memref<512xi32, #tpu.memory_space<vmem>> -> memref<32xi32, #tpu.memory_space<vmem>>
    %dma_wait3A_142 = arith.constant 0 : i32
    %dma_wait3A_143 = arith.constant 0 : i32
    %dma_wait3A_144 = tpu.memref_slice %arg4[%dma_wait3A_142, %dma_wait3A_143] : memref<1000000x128xf32, #tpu.memory_space<hbm>> -> memref<1000000x128xf32, #tpu.memory_space<hbm>>
    tpu.wait_indirect_dma semaphore(%arg21 : memref<!tpu.dma_semaphore, #tpu.memory_space<semaphore_mem>>) src(%dma_wait3A_144 : memref<1000000x128xf32, #tpu.memory_space<hbm>>) dst(%arg12 : memref<32x128xf32, #tpu.memory_space<vmem>>)
    %dma_wait3A_145 = arith.constant 96 : i32
    %dma_wait3A_146 = tpu.memref_slice %arg8[%dma_wait3A_145] : memref<512xi32, #tpu.memory_space<vmem>> -> memref<32xi32, #tpu.memory_space<vmem>>
    %dma_wait3A_147 = arith.constant 0 : i32
    %dma_wait3A_148 = arith.constant 0 : i32
    %dma_wait3A_149 = tpu.memref_slice %arg5[%dma_wait3A_147, %dma_wait3A_148] : memref<100000x128xf32, #tpu.memory_space<hbm>> -> memref<100000x128xf32, #tpu.memory_space<hbm>>
    tpu.wait_indirect_dma semaphore(%arg25 : memref<!tpu.dma_semaphore, #tpu.memory_space<semaphore_mem>>) src(%dma_wait3A_149 : memref<100000x128xf32, #tpu.memory_space<hbm>>) dst(%arg16 : memref<32x128xf32, #tpu.memory_space<vmem>>)
    %dma_start3A_150 = arith.constant 192 : i32
    %dma_start3A_151 = tpu.memref_slice %arg7[%dma_start3A_150] : memref<512xi32, #tpu.memory_space<vmem>> -> memref<32xi32, #tpu.memory_space<vmem>>
    %dma_start3A_152 = arith.constant 0 : i32
    %dma_start3A_153 = arith.constant 0 : i32
    %dma_start3A_154 = tpu.memref_slice %arg4[%dma_start3A_152, %dma_start3A_153] : memref<1000000x128xf32, #tpu.memory_space<hbm>> -> memref<1000000x128xf32, #tpu.memory_space<hbm>>
    tpu.enqueue_indirect_dma source(%dma_start3A_154 : memref<1000000x128xf32, #tpu.memory_space<hbm>>) target(%arg11 : memref<32x128xf32, #tpu.memory_space<vmem>>) offsets(%dma_start3A_151 : memref<32xi32, #tpu.memory_space<vmem>>) semaphore(%arg20 : memref<!tpu.dma_semaphore, #tpu.memory_space<semaphore_mem>>)
    %dma_start3A_155 = arith.constant 192 : i32
    %dma_start3A_156 = tpu.memref_slice %arg8[%dma_start3A_155] : memref<512xi32, #tpu.memory_space<vmem>> -> memref<32xi32, #tpu.memory_space<vmem>>
    %dma_start3A_157 = arith.constant 0 : i32
    %dma_start3A_158 = arith.constant 0 : i32
    %dma_start3A_159 = tpu.memref_slice %arg5[%dma_start3A_157, %dma_start3A_158] : memref<100000x128xf32, #tpu.memory_space<hbm>> -> memref<100000x128xf32, #tpu.memory_space<hbm>>
    tpu.enqueue_indirect_dma source(%dma_start3A_159 : memref<100000x128xf32, #tpu.memory_space<hbm>>) target(%arg15 : memref<32x128xf32, #tpu.memory_space<vmem>>) offsets(%dma_start3A_156 : memref<32xi32, #tpu.memory_space<vmem>>) semaphore(%arg24 : memref<!tpu.dma_semaphore, #tpu.memory_space<semaphore_mem>>)
    %scan3A_160 = arith.constant 0 : i32
    %scan3A_161 = arith.constant 0 : i32
    %scan3A_162 = arith.constant 2 : i32
    %scan3A_163 = arith.addi %scan3A_161, %scan3A_162 : i32
    %scan3A_164 = arith.constant 1 : i32
    scf.for %scan3A_558 = %scan3A_161 to %scan3A_163 step %scan3A_164  : i32 {
      %mul3A_559 = arith.constant 16 : i32
      %mul3A_560 = arith.muli %scan3A_558, %mul3A_559 : i32
      %add3A_561 = vector.broadcast %mul3A_560 : i32 to vector<16xi32>
      %add3A_562 = arith.addi %add3A_561, %iota3A : vector<16xi32>
      %broadcast_in_dim3A = arith.constant 0.000000e+00 : f32
      %broadcast_in_dim3A_563 = vector.broadcast %broadcast_in_dim3A : f32 to vector<16xf32>
      %parallel_loop3A = arith.constant 0 : i32
      %parallel_loop3A_564 = arith.constant 128 : i32
      %parallel_loop3A_565 = arith.constant 2 : i32
      %parallel_loop3A_566:3 = scf.for %parallel_loop3A_573 = %parallel_loop3A to %parallel_loop3A_564 step %parallel_loop3A_565 iter_args(%parallel_loop3A_574 = %broadcast_in_dim3A_563, %parallel_loop3A_575 = %broadcast_in_dim3A_563, %parallel_loop3A_576 = %iota3A) -> (vector<16xf32>, vector<16xf32>, vector<16xi32>)  : i32 {
        %parallel_loop3A_577 = arith.constant 1 : i32
        %parallel_loop3A_578 = vector.broadcast %parallel_loop3A_577 : i32 to vector<16xi32>
        %parallel_loop3A_579 = arith.addi %parallel_loop3A_576, %parallel_loop3A_578 : vector<16xi32>
        %parallel_loop3A_580 = arith.constant 127 : i32
        %parallel_loop3A_581 = vector.broadcast %parallel_loop3A_580 : i32 to vector<16xi32>
        %parallel_loop3A_582 = arith.andi %parallel_loop3A_579, %parallel_loop3A_581 : vector<16xi32>
        %parallel_loop3A_583 = tpu.vector_load_idx %arg12[%add3A_562, %parallel_loop3A_576] : memref<32x128xf32, #tpu.memory_space<vmem>>[vector<16xi32>, vector<16xi32>], vector<16xf32>,
        %parallel_loop3A_584 = tpu.vector_load_idx %arg16[%add3A_562, %parallel_loop3A_576] : memref<32x128xf32, #tpu.memory_space<vmem>>[vector<16xi32>, vector<16xi32>], vector<16xf32>,
        %parallel_loop3A_585 = arith.mulf %parallel_loop3A_583, %parallel_loop3A_584 : vector<16xf32>
        %parallel_loop3A_586 = arith.addf %parallel_loop3A_574, %parallel_loop3A_585 : vector<16xf32>
        %parallel_loop3A_587 = tpu.vector_load_idx %arg12[%add3A_562, %parallel_loop3A_582] : memref<32x128xf32, #tpu.memory_space<vmem>>[vector<16xi32>, vector<16xi32>], vector<16xf32>,
        %parallel_loop3A_588 = tpu.vector_load_idx %arg16[%add3A_562, %parallel_loop3A_582] : memref<32x128xf32, #tpu.memory_space<vmem>>[vector<16xi32>, vector<16xi32>], vector<16xf32>,
        %parallel_loop3A_589 = arith.mulf %parallel_loop3A_587, %parallel_loop3A_588 : vector<16xf32>
        %parallel_loop3A_590 = arith.addf %parallel_loop3A_575, %parallel_loop3A_589 : vector<16xf32>
        %parallel_loop3A_591 = arith.constant 2 : i32
        %parallel_loop3A_592 = vector.broadcast %parallel_loop3A_591 : i32 to vector<16xi32>
        %parallel_loop3A_593 = arith.addi %parallel_loop3A_576, %parallel_loop3A_592 : vector<16xi32>
        %parallel_loop3A_594 = arith.constant 127 : i32
        %parallel_loop3A_595 = vector.broadcast %parallel_loop3A_594 : i32 to vector<16xi32>
        %parallel_loop3A_596 = arith.andi %parallel_loop3A_593, %parallel_loop3A_595 : vector<16xi32>
        scf.yield %parallel_loop3A_586, %parallel_loop3A_590, %parallel_loop3A_596 : vector<16xf32>, vector<16xf32>, vector<16xi32>
      } {sc.loop_unroll_factor = 4 : i64, sc.parallel_access}
      %add3A_567 = arith.addf %parallel_loop3A_566#0, %parallel_loop3A_566#1 : vector<16xf32>
      %mul3A_568 = arith.constant 16 : i32
      %mul3A_569 = arith.muli %scan3A_558, %mul3A_568 : i32
      %add3A_570 = arith.constant 96 : i32
      %add3A_571 = arith.addi %add3A_570, %mul3A_569 : i32
      %swap3A = arith.index_cast %add3A_571 : i32 to index
      %swap3A_572 = tpu.vector_load %arg17[%swap3A] {strides = array<i32>} : memref<512xf32, #tpu.memory_space<vmem>>, vector<16xf32>,
      tpu.vector_store %arg17[%swap3A], %add3A_567 {strides = array<i32>} : memref<512xf32, #tpu.memory_space<vmem>>, vector<16xf32>,
    }
    %scan3A_165 = arith.constant 2 : i32
    %add3A_166 = arith.constant 96 : i32
    %add3A_167 = arith.addi %mul3A_2, %add3A_166 : i32
    %dma_start3A_168 = arith.constant 96 : i32
    %dma_start3A_169 = tpu.memref_slice %arg17[%dma_start3A_168] : memref<512xf32, #tpu.memory_space<vmem>> -> memref<32xf32, #tpu.memory_space<vmem>>
    %dma_start3A_170 = tpu.memref_slice %arg6[%add3A_167] : memref<16384xf32, #tpu.memory_space<hbm>> -> memref<32xf32, #tpu.memory_space<hbm>>
    %dma_start3A_171 = tpu.memref_slice %arg6[%add3A_167] : memref<16384xf32, #tpu.memory_space<hbm>> -> memref<32xf32, #tpu.memory_space<hbm>>
    %dma_start3A_172 = arith.constant 96 : i32
    %dma_start3A_173 = tpu.memref_slice %arg17[%dma_start3A_172] : memref<512xf32, #tpu.memory_space<vmem>> -> memref<32xf32, #tpu.memory_space<vmem>>
    tpu.enqueue_dma source(%dma_start3A_173 : memref<32xf32, #tpu.memory_space<vmem>>) target(%dma_start3A_171 : memref<32xf32, #tpu.memory_space<hbm>>) target_semaphore(%arg27 : memref<!tpu.dma_semaphore, #tpu.memory_space<semaphore_mem>>)
    %dma_wait3A_174 = arith.constant 128 : i32
    %dma_wait3A_175 = tpu.memref_slice %arg7[%dma_wait3A_174] : memref<512xi32, #tpu.memory_space<vmem>> -> memref<32xi32, #tpu.memory_space<vmem>>
    %dma_wait3A_176 = arith.constant 0 : i32
    %dma_wait3A_177 = arith.constant 0 : i32
    %dma_wait3A_178 = tpu.memref_slice %arg4[%dma_wait3A_176, %dma_wait3A_177] : memref<1000000x128xf32, #tpu.memory_space<hbm>> -> memref<1000000x128xf32, #tpu.memory_space<hbm>>
    tpu.wait_indirect_dma semaphore(%arg18 : memref<!tpu.dma_semaphore, #tpu.memory_space<semaphore_mem>>) src(%dma_wait3A_178 : memref<1000000x128xf32, #tpu.memory_space<hbm>>) dst(%arg9 : memref<32x128xf32, #tpu.memory_space<vmem>>)
    %dma_wait3A_179 = arith.constant 128 : i32
    %dma_wait3A_180 = tpu.memref_slice %arg8[%dma_wait3A_179] : memref<512xi32, #tpu.memory_space<vmem>> -> memref<32xi32, #tpu.memory_space<vmem>>
    %dma_wait3A_181 = arith.constant 0 : i32
    %dma_wait3A_182 = arith.constant 0 : i32
    %dma_wait3A_183 = tpu.memref_slice %arg5[%dma_wait3A_181, %dma_wait3A_182] : memref<100000x128xf32, #tpu.memory_space<hbm>> -> memref<100000x128xf32, #tpu.memory_space<hbm>>
    tpu.wait_indirect_dma semaphore(%arg22 : memref<!tpu.dma_semaphore, #tpu.memory_space<semaphore_mem>>) src(%dma_wait3A_183 : memref<100000x128xf32, #tpu.memory_space<hbm>>) dst(%arg13 : memref<32x128xf32, #tpu.memory_space<vmem>>)
    %dma_start3A_184 = arith.constant 224 : i32
    %dma_start3A_185 = tpu.memref_slice %arg7[%dma_start3A_184] : memref<512xi32, #tpu.memory_space<vmem>> -> memref<32xi32, #tpu.memory_space<vmem>>
    %dma_start3A_186 = arith.constant 0 : i32
    %dma_start3A_187 = arith.constant 0 : i32
    %dma_start3A_188 = tpu.memref_slice %arg4[%dma_start3A_186, %dma_start3A_187] : memref<1000000x128xf32, #tpu.memory_space<hbm>> -> memref<1000000x128xf32, #tpu.memory_space<hbm>>
    tpu.enqueue_indirect_dma source(%dma_start3A_188 : memref<1000000x128xf32, #tpu.memory_space<hbm>>) target(%arg12 : memref<32x128xf32, #tpu.memory_space<vmem>>) offsets(%dma_start3A_185 : memref<32xi32, #tpu.memory_space<vmem>>) semaphore(%arg21 : memref<!tpu.dma_semaphore, #tpu.memory_space<semaphore_mem>>)
    %dma_start3A_189 = arith.constant 224 : i32
    %dma_start3A_190 = tpu.memref_slice %arg8[%dma_start3A_189] : memref<512xi32, #tpu.memory_space<vmem>> -> memref<32xi32, #tpu.memory_space<vmem>>
    %dma_start3A_191 = arith.constant 0 : i32
    %dma_start3A_192 = arith.constant 0 : i32
    %dma_start3A_193 = tpu.memref_slice %arg5[%dma_start3A_191, %dma_start3A_192] : memref<100000x128xf32, #tpu.memory_space<hbm>> -> memref<100000x128xf32, #tpu.memory_space<hbm>>
    tpu.enqueue_indirect_dma source(%dma_start3A_193 : memref<100000x128xf32, #tpu.memory_space<hbm>>) target(%arg16 : memref<32x128xf32, #tpu.memory_space<vmem>>) offsets(%dma_start3A_190 : memref<32xi32, #tpu.memory_space<vmem>>) semaphore(%arg25 : memref<!tpu.dma_semaphore, #tpu.memory_space<semaphore_mem>>)
    %scan3A_194 = arith.constant 0 : i32
    %scan3A_195 = arith.constant 0 : i32
    %scan3A_196 = arith.constant 2 : i32
    %scan3A_197 = arith.addi %scan3A_195, %scan3A_196 : i32
    %scan3A_198 = arith.constant 1 : i32
    scf.for %scan3A_558 = %scan3A_195 to %scan3A_197 step %scan3A_198  : i32 {
      %mul3A_559 = arith.constant 16 : i32
      %mul3A_560 = arith.muli %scan3A_558, %mul3A_559 : i32
      %add3A_561 = vector.broadcast %mul3A_560 : i32 to vector<16xi32>
      %add3A_562 = arith.addi %add3A_561, %iota3A : vector<16xi32>
      %broadcast_in_dim3A = arith.constant 0.000000e+00 : f32
      %broadcast_in_dim3A_563 = vector.broadcast %broadcast_in_dim3A : f32 to vector<16xf32>
      %parallel_loop3A = arith.constant 0 : i32
      %parallel_loop3A_564 = arith.constant 128 : i32
      %parallel_loop3A_565 = arith.constant 2 : i32
      %parallel_loop3A_566:3 = scf.for %parallel_loop3A_573 = %parallel_loop3A to %parallel_loop3A_564 step %parallel_loop3A_565 iter_args(%parallel_loop3A_574 = %broadcast_in_dim3A_563, %parallel_loop3A_575 = %broadcast_in_dim3A_563, %parallel_loop3A_576 = %iota3A) -> (vector<16xf32>, vector<16xf32>, vector<16xi32>)  : i32 {
        %parallel_loop3A_577 = arith.constant 1 : i32
        %parallel_loop3A_578 = vector.broadcast %parallel_loop3A_577 : i32 to vector<16xi32>
        %parallel_loop3A_579 = arith.addi %parallel_loop3A_576, %parallel_loop3A_578 : vector<16xi32>
        %parallel_loop3A_580 = arith.constant 127 : i32
        %parallel_loop3A_581 = vector.broadcast %parallel_loop3A_580 : i32 to vector<16xi32>
        %parallel_loop3A_582 = arith.andi %parallel_loop3A_579, %parallel_loop3A_581 : vector<16xi32>
        %parallel_loop3A_583 = tpu.vector_load_idx %arg9[%add3A_562, %parallel_loop3A_576] : memref<32x128xf32, #tpu.memory_space<vmem>>[vector<16xi32>, vector<16xi32>], vector<16xf32>,
        %parallel_loop3A_584 = tpu.vector_load_idx %arg13[%add3A_562, %parallel_loop3A_576] : memref<32x128xf32, #tpu.memory_space<vmem>>[vector<16xi32>, vector<16xi32>], vector<16xf32>,
        %parallel_loop3A_585 = arith.mulf %parallel_loop3A_583, %parallel_loop3A_584 : vector<16xf32>
        %parallel_loop3A_586 = arith.addf %parallel_loop3A_574, %parallel_loop3A_585 : vector<16xf32>
        %parallel_loop3A_587 = tpu.vector_load_idx %arg9[%add3A_562, %parallel_loop3A_582] : memref<32x128xf32, #tpu.memory_space<vmem>>[vector<16xi32>, vector<16xi32>], vector<16xf32>,
        %parallel_loop3A_588 = tpu.vector_load_idx %arg13[%add3A_562, %parallel_loop3A_582] : memref<32x128xf32, #tpu.memory_space<vmem>>[vector<16xi32>, vector<16xi32>], vector<16xf32>,
        %parallel_loop3A_589 = arith.mulf %parallel_loop3A_587, %parallel_loop3A_588 : vector<16xf32>
        %parallel_loop3A_590 = arith.addf %parallel_loop3A_575, %parallel_loop3A_589 : vector<16xf32>
        %parallel_loop3A_591 = arith.constant 2 : i32
        %parallel_loop3A_592 = vector.broadcast %parallel_loop3A_591 : i32 to vector<16xi32>
        %parallel_loop3A_593 = arith.addi %parallel_loop3A_576, %parallel_loop3A_592 : vector<16xi32>
        %parallel_loop3A_594 = arith.constant 127 : i32
        %parallel_loop3A_595 = vector.broadcast %parallel_loop3A_594 : i32 to vector<16xi32>
        %parallel_loop3A_596 = arith.andi %parallel_loop3A_593, %parallel_loop3A_595 : vector<16xi32>
        scf.yield %parallel_loop3A_586, %parallel_loop3A_590, %parallel_loop3A_596 : vector<16xf32>, vector<16xf32>, vector<16xi32>
      } {sc.loop_unroll_factor = 4 : i64, sc.parallel_access}
      %add3A_567 = arith.addf %parallel_loop3A_566#0, %parallel_loop3A_566#1 : vector<16xf32>
      %mul3A_568 = arith.constant 16 : i32
      %mul3A_569 = arith.muli %scan3A_558, %mul3A_568 : i32
      %add3A_570 = arith.constant 128 : i32
      %add3A_571 = arith.addi %add3A_570, %mul3A_569 : i32
      %swap3A = arith.index_cast %add3A_571 : i32 to index
      %swap3A_572 = tpu.vector_load %arg17[%swap3A] {strides = array<i32>} : memref<512xf32, #tpu.memory_space<vmem>>, vector<16xf32>,
      tpu.vector_store %arg17[%swap3A], %add3A_567 {strides = array<i32>} : memref<512xf32, #tpu.memory_space<vmem>>, vector<16xf32>,
    }
    %scan3A_199 = arith.constant 2 : i32
    %add3A_200 = arith.constant 128 : i32
    %add3A_201 = arith.addi %mul3A_2, %add3A_200 : i32
    %dma_start3A_202 = arith.constant 128 : i32
    %dma_start3A_203 = tpu.memref_slice %arg17[%dma_start3A_202] : memref<512xf32, #tpu.memory_space<vmem>> -> memref<32xf32, #tpu.memory_space<vmem>>
    %dma_start3A_204 = tpu.memref_slice %arg6[%add3A_201] : memref<16384xf32, #tpu.memory_space<hbm>> -> memref<32xf32, #tpu.memory_space<hbm>>
    %dma_start3A_205 = tpu.memref_slice %arg6[%add3A_201] : memref<16384xf32, #tpu.memory_space<hbm>> -> memref<32xf32, #tpu.memory_space<hbm>>
    %dma_start3A_206 = arith.constant 128 : i32
    %dma_start3A_207 = tpu.memref_slice %arg17[%dma_start3A_206] : memref<512xf32, #tpu.memory_space<vmem>> -> memref<32xf32, #tpu.memory_space<vmem>>
    tpu.enqueue_dma source(%dma_start3A_207 : memref<32xf32, #tpu.memory_space<vmem>>) target(%dma_start3A_205 : memref<32xf32, #tpu.memory_space<hbm>>) target_semaphore(%arg27 : memref<!tpu.dma_semaphore, #tpu.memory_space<semaphore_mem>>)
    %dma_wait3A_208 = arith.constant 160 : i32
    %dma_wait3A_209 = tpu.memref_slice %arg7[%dma_wait3A_208] : memref<512xi32, #tpu.memory_space<vmem>> -> memref<32xi32, #tpu.memory_space<vmem>>
    %dma_wait3A_210 = arith.constant 0 : i32
    %dma_wait3A_211 = arith.constant 0 : i32
    %dma_wait3A_212 = tpu.memref_slice %arg4[%dma_wait3A_210, %dma_wait3A_211] : memref<1000000x128xf32, #tpu.memory_space<hbm>> -> memref<1000000x128xf32, #tpu.memory_space<hbm>>
    tpu.wait_indirect_dma semaphore(%arg19 : memref<!tpu.dma_semaphore, #tpu.memory_space<semaphore_mem>>) src(%dma_wait3A_212 : memref<1000000x128xf32, #tpu.memory_space<hbm>>) dst(%arg10 : memref<32x128xf32, #tpu.memory_space<vmem>>)
    %dma_wait3A_213 = arith.constant 160 : i32
    %dma_wait3A_214 = tpu.memref_slice %arg8[%dma_wait3A_213] : memref<512xi32, #tpu.memory_space<vmem>> -> memref<32xi32, #tpu.memory_space<vmem>>
    %dma_wait3A_215 = arith.constant 0 : i32
    %dma_wait3A_216 = arith.constant 0 : i32
    %dma_wait3A_217 = tpu.memref_slice %arg5[%dma_wait3A_215, %dma_wait3A_216] : memref<100000x128xf32, #tpu.memory_space<hbm>> -> memref<100000x128xf32, #tpu.memory_space<hbm>>
    tpu.wait_indirect_dma semaphore(%arg23 : memref<!tpu.dma_semaphore, #tpu.memory_space<semaphore_mem>>) src(%dma_wait3A_217 : memref<100000x128xf32, #tpu.memory_space<hbm>>) dst(%arg14 : memref<32x128xf32, #tpu.memory_space<vmem>>)
    %dma_start3A_218 = arith.constant 256 : i32
    %dma_start3A_219 = tpu.memref_slice %arg7[%dma_start3A_218] : memref<512xi32, #tpu.memory_space<vmem>> -> memref<32xi32, #tpu.memory_space<vmem>>
    %dma_start3A_220 = arith.constant 0 : i32
    %dma_start3A_221 = arith.constant 0 : i32
    %dma_start3A_222 = tpu.memref_slice %arg4[%dma_start3A_220, %dma_start3A_221] : memref<1000000x128xf32, #tpu.memory_space<hbm>> -> memref<1000000x128xf32, #tpu.memory_space<hbm>>
    tpu.enqueue_indirect_dma source(%dma_start3A_222 : memref<1000000x128xf32, #tpu.memory_space<hbm>>) target(%arg9 : memref<32x128xf32, #tpu.memory_space<vmem>>) offsets(%dma_start3A_219 : memref<32xi32, #tpu.memory_space<vmem>>) semaphore(%arg18 : memref<!tpu.dma_semaphore, #tpu.memory_space<semaphore_mem>>)
    %dma_start3A_223 = arith.constant 256 : i32
    %dma_start3A_224 = tpu.memref_slice %arg8[%dma_start3A_223] : memref<512xi32, #tpu.memory_space<vmem>> -> memref<32xi32, #tpu.memory_space<vmem>>
    %dma_start3A_225 = arith.constant 0 : i32
    %dma_start3A_226 = arith.constant 0 : i32
    %dma_start3A_227 = tpu.memref_slice %arg5[%dma_start3A_225, %dma_start3A_226] : memref<100000x128xf32, #tpu.memory_space<hbm>> -> memref<100000x128xf32, #tpu.memory_space<hbm>>
    tpu.enqueue_indirect_dma source(%dma_start3A_227 : memref<100000x128xf32, #tpu.memory_space<hbm>>) target(%arg13 : memref<32x128xf32, #tpu.memory_space<vmem>>) offsets(%dma_start3A_224 : memref<32xi32, #tpu.memory_space<vmem>>) semaphore(%arg22 : memref<!tpu.dma_semaphore, #tpu.memory_space<semaphore_mem>>)
    %scan3A_228 = arith.constant 0 : i32
    %scan3A_229 = arith.constant 0 : i32
    %scan3A_230 = arith.constant 2 : i32
    %scan3A_231 = arith.addi %scan3A_229, %scan3A_230 : i32
    %scan3A_232 = arith.constant 1 : i32
    scf.for %scan3A_558 = %scan3A_229 to %scan3A_231 step %scan3A_232  : i32 {
      %mul3A_559 = arith.constant 16 : i32
      %mul3A_560 = arith.muli %scan3A_558, %mul3A_559 : i32
      %add3A_561 = vector.broadcast %mul3A_560 : i32 to vector<16xi32>
      %add3A_562 = arith.addi %add3A_561, %iota3A : vector<16xi32>
      %broadcast_in_dim3A = arith.constant 0.000000e+00 : f32
      %broadcast_in_dim3A_563 = vector.broadcast %broadcast_in_dim3A : f32 to vector<16xf32>
      %parallel_loop3A = arith.constant 0 : i32
      %parallel_loop3A_564 = arith.constant 128 : i32
      %parallel_loop3A_565 = arith.constant 2 : i32
      %parallel_loop3A_566:3 = scf.for %parallel_loop3A_573 = %parallel_loop3A to %parallel_loop3A_564 step %parallel_loop3A_565 iter_args(%parallel_loop3A_574 = %broadcast_in_dim3A_563, %parallel_loop3A_575 = %broadcast_in_dim3A_563, %parallel_loop3A_576 = %iota3A) -> (vector<16xf32>, vector<16xf32>, vector<16xi32>)  : i32 {
        %parallel_loop3A_577 = arith.constant 1 : i32
        %parallel_loop3A_578 = vector.broadcast %parallel_loop3A_577 : i32 to vector<16xi32>
        %parallel_loop3A_579 = arith.addi %parallel_loop3A_576, %parallel_loop3A_578 : vector<16xi32>
        %parallel_loop3A_580 = arith.constant 127 : i32
        %parallel_loop3A_581 = vector.broadcast %parallel_loop3A_580 : i32 to vector<16xi32>
        %parallel_loop3A_582 = arith.andi %parallel_loop3A_579, %parallel_loop3A_581 : vector<16xi32>
        %parallel_loop3A_583 = tpu.vector_load_idx %arg10[%add3A_562, %parallel_loop3A_576] : memref<32x128xf32, #tpu.memory_space<vmem>>[vector<16xi32>, vector<16xi32>], vector<16xf32>,
        %parallel_loop3A_584 = tpu.vector_load_idx %arg14[%add3A_562, %parallel_loop3A_576] : memref<32x128xf32, #tpu.memory_space<vmem>>[vector<16xi32>, vector<16xi32>], vector<16xf32>,
        %parallel_loop3A_585 = arith.mulf %parallel_loop3A_583, %parallel_loop3A_584 : vector<16xf32>
        %parallel_loop3A_586 = arith.addf %parallel_loop3A_574, %parallel_loop3A_585 : vector<16xf32>
        %parallel_loop3A_587 = tpu.vector_load_idx %arg10[%add3A_562, %parallel_loop3A_582] : memref<32x128xf32, #tpu.memory_space<vmem>>[vector<16xi32>, vector<16xi32>], vector<16xf32>,
        %parallel_loop3A_588 = tpu.vector_load_idx %arg14[%add3A_562, %parallel_loop3A_582] : memref<32x128xf32, #tpu.memory_space<vmem>>[vector<16xi32>, vector<16xi32>], vector<16xf32>,
        %parallel_loop3A_589 = arith.mulf %parallel_loop3A_587, %parallel_loop3A_588 : vector<16xf32>
        %parallel_loop3A_590 = arith.addf %parallel_loop3A_575, %parallel_loop3A_589 : vector<16xf32>
        %parallel_loop3A_591 = arith.constant 2 : i32
        %parallel_loop3A_592 = vector.broadcast %parallel_loop3A_591 : i32 to vector<16xi32>
        %parallel_loop3A_593 = arith.addi %parallel_loop3A_576, %parallel_loop3A_592 : vector<16xi32>
        %parallel_loop3A_594 = arith.constant 127 : i32
        %parallel_loop3A_595 = vector.broadcast %parallel_loop3A_594 : i32 to vector<16xi32>
        %parallel_loop3A_596 = arith.andi %parallel_loop3A_593, %parallel_loop3A_595 : vector<16xi32>
        scf.yield %parallel_loop3A_586, %parallel_loop3A_590, %parallel_loop3A_596 : vector<16xf32>, vector<16xf32>, vector<16xi32>
      } {sc.loop_unroll_factor = 4 : i64, sc.parallel_access}
      %add3A_567 = arith.addf %parallel_loop3A_566#0, %parallel_loop3A_566#1 : vector<16xf32>
      %mul3A_568 = arith.constant 16 : i32
      %mul3A_569 = arith.muli %scan3A_558, %mul3A_568 : i32
      %add3A_570 = arith.constant 160 : i32
      %add3A_571 = arith.addi %add3A_570, %mul3A_569 : i32
      %swap3A = arith.index_cast %add3A_571 : i32 to index
      %swap3A_572 = tpu.vector_load %arg17[%swap3A] {strides = array<i32>} : memref<512xf32, #tpu.memory_space<vmem>>, vector<16xf32>,
      tpu.vector_store %arg17[%swap3A], %add3A_567 {strides = array<i32>} : memref<512xf32, #tpu.memory_space<vmem>>, vector<16xf32>,
    }
    %scan3A_233 = arith.constant 2 : i32
    %add3A_234 = arith.constant 160 : i32
    %add3A_235 = arith.addi %mul3A_2, %add3A_234 : i32
    %dma_start3A_236 = arith.constant 160 : i32
    %dma_start3A_237 = tpu.memref_slice %arg17[%dma_start3A_236] : memref<512xf32, #tpu.memory_space<vmem>> -> memref<32xf32, #tpu.memory_space<vmem>>
    %dma_start3A_238 = tpu.memref_slice %arg6[%add3A_235] : memref<16384xf32, #tpu.memory_space<hbm>> -> memref<32xf32, #tpu.memory_space<hbm>>
    %dma_start3A_239 = tpu.memref_slice %arg6[%add3A_235] : memref<16384xf32, #tpu.memory_space<hbm>> -> memref<32xf32, #tpu.memory_space<hbm>>
    %dma_start3A_240 = arith.constant 160 : i32
    %dma_start3A_241 = tpu.memref_slice %arg17[%dma_start3A_240] : memref<512xf32, #tpu.memory_space<vmem>> -> memref<32xf32, #tpu.memory_space<vmem>>
    tpu.enqueue_dma source(%dma_start3A_241 : memref<32xf32, #tpu.memory_space<vmem>>) target(%dma_start3A_239 : memref<32xf32, #tpu.memory_space<hbm>>) target_semaphore(%arg27 : memref<!tpu.dma_semaphore, #tpu.memory_space<semaphore_mem>>)
    %dma_wait3A_242 = arith.constant 192 : i32
    %dma_wait3A_243 = tpu.memref_slice %arg7[%dma_wait3A_242] : memref<512xi32, #tpu.memory_space<vmem>> -> memref<32xi32, #tpu.memory_space<vmem>>
    %dma_wait3A_244 = arith.constant 0 : i32
    %dma_wait3A_245 = arith.constant 0 : i32
    %dma_wait3A_246 = tpu.memref_slice %arg4[%dma_wait3A_244, %dma_wait3A_245] : memref<1000000x128xf32, #tpu.memory_space<hbm>> -> memref<1000000x128xf32, #tpu.memory_space<hbm>>
    tpu.wait_indirect_dma semaphore(%arg20 : memref<!tpu.dma_semaphore, #tpu.memory_space<semaphore_mem>>) src(%dma_wait3A_246 : memref<1000000x128xf32, #tpu.memory_space<hbm>>) dst(%arg11 : memref<32x128xf32, #tpu.memory_space<vmem>>)
    %dma_wait3A_247 = arith.constant 192 : i32
    %dma_wait3A_248 = tpu.memref_slice %arg8[%dma_wait3A_247] : memref<512xi32, #tpu.memory_space<vmem>> -> memref<32xi32, #tpu.memory_space<vmem>>
    %dma_wait3A_249 = arith.constant 0 : i32
    %dma_wait3A_250 = arith.constant 0 : i32
    %dma_wait3A_251 = tpu.memref_slice %arg5[%dma_wait3A_249, %dma_wait3A_250] : memref<100000x128xf32, #tpu.memory_space<hbm>> -> memref<100000x128xf32, #tpu.memory_space<hbm>>
    tpu.wait_indirect_dma semaphore(%arg24 : memref<!tpu.dma_semaphore, #tpu.memory_space<semaphore_mem>>) src(%dma_wait3A_251 : memref<100000x128xf32, #tpu.memory_space<hbm>>) dst(%arg15 : memref<32x128xf32, #tpu.memory_space<vmem>>)
    %dma_start3A_252 = arith.constant 288 : i32
    %dma_start3A_253 = tpu.memref_slice %arg7[%dma_start3A_252] : memref<512xi32, #tpu.memory_space<vmem>> -> memref<32xi32, #tpu.memory_space<vmem>>
    %dma_start3A_254 = arith.constant 0 : i32
    %dma_start3A_255 = arith.constant 0 : i32
    %dma_start3A_256 = tpu.memref_slice %arg4[%dma_start3A_254, %dma_start3A_255] : memref<1000000x128xf32, #tpu.memory_space<hbm>> -> memref<1000000x128xf32, #tpu.memory_space<hbm>>
    tpu.enqueue_indirect_dma source(%dma_start3A_256 : memref<1000000x128xf32, #tpu.memory_space<hbm>>) target(%arg10 : memref<32x128xf32, #tpu.memory_space<vmem>>) offsets(%dma_start3A_253 : memref<32xi32, #tpu.memory_space<vmem>>) semaphore(%arg19 : memref<!tpu.dma_semaphore, #tpu.memory_space<semaphore_mem>>)
    %dma_start3A_257 = arith.constant 288 : i32
    %dma_start3A_258 = tpu.memref_slice %arg8[%dma_start3A_257] : memref<512xi32, #tpu.memory_space<vmem>> -> memref<32xi32, #tpu.memory_space<vmem>>
    %dma_start3A_259 = arith.constant 0 : i32
    %dma_start3A_260 = arith.constant 0 : i32
    %dma_start3A_261 = tpu.memref_slice %arg5[%dma_start3A_259, %dma_start3A_260] : memref<100000x128xf32, #tpu.memory_space<hbm>> -> memref<100000x128xf32, #tpu.memory_space<hbm>>
    tpu.enqueue_indirect_dma source(%dma_start3A_261 : memref<100000x128xf32, #tpu.memory_space<hbm>>) target(%arg14 : memref<32x128xf32, #tpu.memory_space<vmem>>) offsets(%dma_start3A_258 : memref<32xi32, #tpu.memory_space<vmem>>) semaphore(%arg23 : memref<!tpu.dma_semaphore, #tpu.memory_space<semaphore_mem>>)
    %scan3A_262 = arith.constant 0 : i32
    %scan3A_263 = arith.constant 0 : i32
    %scan3A_264 = arith.constant 2 : i32
    %scan3A_265 = arith.addi %scan3A_263, %scan3A_264 : i32
    %scan3A_266 = arith.constant 1 : i32
    scf.for %scan3A_558 = %scan3A_263 to %scan3A_265 step %scan3A_266  : i32 {
      %mul3A_559 = arith.constant 16 : i32
      %mul3A_560 = arith.muli %scan3A_558, %mul3A_559 : i32
      %add3A_561 = vector.broadcast %mul3A_560 : i32 to vector<16xi32>
      %add3A_562 = arith.addi %add3A_561, %iota3A : vector<16xi32>
      %broadcast_in_dim3A = arith.constant 0.000000e+00 : f32
      %broadcast_in_dim3A_563 = vector.broadcast %broadcast_in_dim3A : f32 to vector<16xf32>
      %parallel_loop3A = arith.constant 0 : i32
      %parallel_loop3A_564 = arith.constant 128 : i32
      %parallel_loop3A_565 = arith.constant 2 : i32
      %parallel_loop3A_566:3 = scf.for %parallel_loop3A_573 = %parallel_loop3A to %parallel_loop3A_564 step %parallel_loop3A_565 iter_args(%parallel_loop3A_574 = %broadcast_in_dim3A_563, %parallel_loop3A_575 = %broadcast_in_dim3A_563, %parallel_loop3A_576 = %iota3A) -> (vector<16xf32>, vector<16xf32>, vector<16xi32>)  : i32 {
        %parallel_loop3A_577 = arith.constant 1 : i32
        %parallel_loop3A_578 = vector.broadcast %parallel_loop3A_577 : i32 to vector<16xi32>
        %parallel_loop3A_579 = arith.addi %parallel_loop3A_576, %parallel_loop3A_578 : vector<16xi32>
        %parallel_loop3A_580 = arith.constant 127 : i32
        %parallel_loop3A_581 = vector.broadcast %parallel_loop3A_580 : i32 to vector<16xi32>
        %parallel_loop3A_582 = arith.andi %parallel_loop3A_579, %parallel_loop3A_581 : vector<16xi32>
        %parallel_loop3A_583 = tpu.vector_load_idx %arg11[%add3A_562, %parallel_loop3A_576] : memref<32x128xf32, #tpu.memory_space<vmem>>[vector<16xi32>, vector<16xi32>], vector<16xf32>,
        %parallel_loop3A_584 = tpu.vector_load_idx %arg15[%add3A_562, %parallel_loop3A_576] : memref<32x128xf32, #tpu.memory_space<vmem>>[vector<16xi32>, vector<16xi32>], vector<16xf32>,
        %parallel_loop3A_585 = arith.mulf %parallel_loop3A_583, %parallel_loop3A_584 : vector<16xf32>
        %parallel_loop3A_586 = arith.addf %parallel_loop3A_574, %parallel_loop3A_585 : vector<16xf32>
        %parallel_loop3A_587 = tpu.vector_load_idx %arg11[%add3A_562, %parallel_loop3A_582] : memref<32x128xf32, #tpu.memory_space<vmem>>[vector<16xi32>, vector<16xi32>], vector<16xf32>,
        %parallel_loop3A_588 = tpu.vector_load_idx %arg15[%add3A_562, %parallel_loop3A_582] : memref<32x128xf32, #tpu.memory_space<vmem>>[vector<16xi32>, vector<16xi32>], vector<16xf32>,
        %parallel_loop3A_589 = arith.mulf %parallel_loop3A_587, %parallel_loop3A_588 : vector<16xf32>
        %parallel_loop3A_590 = arith.addf %parallel_loop3A_575, %parallel_loop3A_589 : vector<16xf32>
        %parallel_loop3A_591 = arith.constant 2 : i32
        %parallel_loop3A_592 = vector.broadcast %parallel_loop3A_591 : i32 to vector<16xi32>
        %parallel_loop3A_593 = arith.addi %parallel_loop3A_576, %parallel_loop3A_592 : vector<16xi32>
        %parallel_loop3A_594 = arith.constant 127 : i32
        %parallel_loop3A_595 = vector.broadcast %parallel_loop3A_594 : i32 to vector<16xi32>
        %parallel_loop3A_596 = arith.andi %parallel_loop3A_593, %parallel_loop3A_595 : vector<16xi32>
        scf.yield %parallel_loop3A_586, %parallel_loop3A_590, %parallel_loop3A_596 : vector<16xf32>, vector<16xf32>, vector<16xi32>
      } {sc.loop_unroll_factor = 4 : i64, sc.parallel_access}
      %add3A_567 = arith.addf %parallel_loop3A_566#0, %parallel_loop3A_566#1 : vector<16xf32>
      %mul3A_568 = arith.constant 16 : i32
      %mul3A_569 = arith.muli %scan3A_558, %mul3A_568 : i32
      %add3A_570 = arith.constant 192 : i32
      %add3A_571 = arith.addi %add3A_570, %mul3A_569 : i32
      %swap3A = arith.index_cast %add3A_571 : i32 to index
      %swap3A_572 = tpu.vector_load %arg17[%swap3A] {strides = array<i32>} : memref<512xf32, #tpu.memory_space<vmem>>, vector<16xf32>,
      tpu.vector_store %arg17[%swap3A], %add3A_567 {strides = array<i32>} : memref<512xf32, #tpu.memory_space<vmem>>, vector<16xf32>,
    }
    %scan3A_267 = arith.constant 2 : i32
    %add3A_268 = arith.constant 192 : i32
    %add3A_269 = arith.addi %mul3A_2, %add3A_268 : i32
    %dma_start3A_270 = arith.constant 192 : i32
    %dma_start3A_271 = tpu.memref_slice %arg17[%dma_start3A_270] : memref<512xf32, #tpu.memory_space<vmem>> -> memref<32xf32, #tpu.memory_space<vmem>>
    %dma_start3A_272 = tpu.memref_slice %arg6[%add3A_269] : memref<16384xf32, #tpu.memory_space<hbm>> -> memref<32xf32, #tpu.memory_space<hbm>>
    %dma_start3A_273 = tpu.memref_slice %arg6[%add3A_269] : memref<16384xf32, #tpu.memory_space<hbm>> -> memref<32xf32, #tpu.memory_space<hbm>>
    %dma_start3A_274 = arith.constant 192 : i32
    %dma_start3A_275 = tpu.memref_slice %arg17[%dma_start3A_274] : memref<512xf32, #tpu.memory_space<vmem>> -> memref<32xf32, #tpu.memory_space<vmem>>
    tpu.enqueue_dma source(%dma_start3A_275 : memref<32xf32, #tpu.memory_space<vmem>>) target(%dma_start3A_273 : memref<32xf32, #tpu.memory_space<hbm>>) target_semaphore(%arg27 : memref<!tpu.dma_semaphore, #tpu.memory_space<semaphore_mem>>)
    %dma_wait3A_276 = arith.constant 224 : i32
    %dma_wait3A_277 = tpu.memref_slice %arg7[%dma_wait3A_276] : memref<512xi32, #tpu.memory_space<vmem>> -> memref<32xi32, #tpu.memory_space<vmem>>
    %dma_wait3A_278 = arith.constant 0 : i32
    %dma_wait3A_279 = arith.constant 0 : i32
    %dma_wait3A_280 = tpu.memref_slice %arg4[%dma_wait3A_278, %dma_wait3A_279] : memref<1000000x128xf32, #tpu.memory_space<hbm>> -> memref<1000000x128xf32, #tpu.memory_space<hbm>>
    tpu.wait_indirect_dma semaphore(%arg21 : memref<!tpu.dma_semaphore, #tpu.memory_space<semaphore_mem>>) src(%dma_wait3A_280 : memref<1000000x128xf32, #tpu.memory_space<hbm>>) dst(%arg12 : memref<32x128xf32, #tpu.memory_space<vmem>>)
    %dma_wait3A_281 = arith.constant 224 : i32
    %dma_wait3A_282 = tpu.memref_slice %arg8[%dma_wait3A_281] : memref<512xi32, #tpu.memory_space<vmem>> -> memref<32xi32, #tpu.memory_space<vmem>>
    %dma_wait3A_283 = arith.constant 0 : i32
    %dma_wait3A_284 = arith.constant 0 : i32
    %dma_wait3A_285 = tpu.memref_slice %arg5[%dma_wait3A_283, %dma_wait3A_284] : memref<100000x128xf32, #tpu.memory_space<hbm>> -> memref<100000x128xf32, #tpu.memory_space<hbm>>
    tpu.wait_indirect_dma semaphore(%arg25 : memref<!tpu.dma_semaphore, #tpu.memory_space<semaphore_mem>>) src(%dma_wait3A_285 : memref<100000x128xf32, #tpu.memory_space<hbm>>) dst(%arg16 : memref<32x128xf32, #tpu.memory_space<vmem>>)
    %dma_start3A_286 = arith.constant 320 : i32
    %dma_start3A_287 = tpu.memref_slice %arg7[%dma_start3A_286] : memref<512xi32, #tpu.memory_space<vmem>> -> memref<32xi32, #tpu.memory_space<vmem>>
    %dma_start3A_288 = arith.constant 0 : i32
    %dma_start3A_289 = arith.constant 0 : i32
    %dma_start3A_290 = tpu.memref_slice %arg4[%dma_start3A_288, %dma_start3A_289] : memref<1000000x128xf32, #tpu.memory_space<hbm>> -> memref<1000000x128xf32, #tpu.memory_space<hbm>>
    tpu.enqueue_indirect_dma source(%dma_start3A_290 : memref<1000000x128xf32, #tpu.memory_space<hbm>>) target(%arg11 : memref<32x128xf32, #tpu.memory_space<vmem>>) offsets(%dma_start3A_287 : memref<32xi32, #tpu.memory_space<vmem>>) semaphore(%arg20 : memref<!tpu.dma_semaphore, #tpu.memory_space<semaphore_mem>>)
    %dma_start3A_291 = arith.constant 320 : i32
    %dma_start3A_292 = tpu.memref_slice %arg8[%dma_start3A_291] : memref<512xi32, #tpu.memory_space<vmem>> -> memref<32xi32, #tpu.memory_space<vmem>>
    %dma_start3A_293 = arith.constant 0 : i32
    %dma_start3A_294 = arith.constant 0 : i32
    %dma_start3A_295 = tpu.memref_slice %arg5[%dma_start3A_293, %dma_start3A_294] : memref<100000x128xf32, #tpu.memory_space<hbm>> -> memref<100000x128xf32, #tpu.memory_space<hbm>>
    tpu.enqueue_indirect_dma source(%dma_start3A_295 : memref<100000x128xf32, #tpu.memory_space<hbm>>) target(%arg15 : memref<32x128xf32, #tpu.memory_space<vmem>>) offsets(%dma_start3A_292 : memref<32xi32, #tpu.memory_space<vmem>>) semaphore(%arg24 : memref<!tpu.dma_semaphore, #tpu.memory_space<semaphore_mem>>)
    %scan3A_296 = arith.constant 0 : i32
    %scan3A_297 = arith.constant 0 : i32
    %scan3A_298 = arith.constant 2 : i32
    %scan3A_299 = arith.addi %scan3A_297, %scan3A_298 : i32
    %scan3A_300 = arith.constant 1 : i32
    scf.for %scan3A_558 = %scan3A_297 to %scan3A_299 step %scan3A_300  : i32 {
      %mul3A_559 = arith.constant 16 : i32
      %mul3A_560 = arith.muli %scan3A_558, %mul3A_559 : i32
      %add3A_561 = vector.broadcast %mul3A_560 : i32 to vector<16xi32>
      %add3A_562 = arith.addi %add3A_561, %iota3A : vector<16xi32>
      %broadcast_in_dim3A = arith.constant 0.000000e+00 : f32
      %broadcast_in_dim3A_563 = vector.broadcast %broadcast_in_dim3A : f32 to vector<16xf32>
      %parallel_loop3A = arith.constant 0 : i32
      %parallel_loop3A_564 = arith.constant 128 : i32
      %parallel_loop3A_565 = arith.constant 2 : i32
      %parallel_loop3A_566:3 = scf.for %parallel_loop3A_573 = %parallel_loop3A to %parallel_loop3A_564 step %parallel_loop3A_565 iter_args(%parallel_loop3A_574 = %broadcast_in_dim3A_563, %parallel_loop3A_575 = %broadcast_in_dim3A_563, %parallel_loop3A_576 = %iota3A) -> (vector<16xf32>, vector<16xf32>, vector<16xi32>)  : i32 {
        %parallel_loop3A_577 = arith.constant 1 : i32
        %parallel_loop3A_578 = vector.broadcast %parallel_loop3A_577 : i32 to vector<16xi32>
        %parallel_loop3A_579 = arith.addi %parallel_loop3A_576, %parallel_loop3A_578 : vector<16xi32>
        %parallel_loop3A_580 = arith.constant 127 : i32
        %parallel_loop3A_581 = vector.broadcast %parallel_loop3A_580 : i32 to vector<16xi32>
        %parallel_loop3A_582 = arith.andi %parallel_loop3A_579, %parallel_loop3A_581 : vector<16xi32>
        %parallel_loop3A_583 = tpu.vector_load_idx %arg12[%add3A_562, %parallel_loop3A_576] : memref<32x128xf32, #tpu.memory_space<vmem>>[vector<16xi32>, vector<16xi32>], vector<16xf32>,
        %parallel_loop3A_584 = tpu.vector_load_idx %arg16[%add3A_562, %parallel_loop3A_576] : memref<32x128xf32, #tpu.memory_space<vmem>>[vector<16xi32>, vector<16xi32>], vector<16xf32>,
        %parallel_loop3A_585 = arith.mulf %parallel_loop3A_583, %parallel_loop3A_584 : vector<16xf32>
        %parallel_loop3A_586 = arith.addf %parallel_loop3A_574, %parallel_loop3A_585 : vector<16xf32>
        %parallel_loop3A_587 = tpu.vector_load_idx %arg12[%add3A_562, %parallel_loop3A_582] : memref<32x128xf32, #tpu.memory_space<vmem>>[vector<16xi32>, vector<16xi32>], vector<16xf32>,
        %parallel_loop3A_588 = tpu.vector_load_idx %arg16[%add3A_562, %parallel_loop3A_582] : memref<32x128xf32, #tpu.memory_space<vmem>>[vector<16xi32>, vector<16xi32>], vector<16xf32>,
        %parallel_loop3A_589 = arith.mulf %parallel_loop3A_587, %parallel_loop3A_588 : vector<16xf32>
        %parallel_loop3A_590 = arith.addf %parallel_loop3A_575, %parallel_loop3A_589 : vector<16xf32>
        %parallel_loop3A_591 = arith.constant 2 : i32
        %parallel_loop3A_592 = vector.broadcast %parallel_loop3A_591 : i32 to vector<16xi32>
        %parallel_loop3A_593 = arith.addi %parallel_loop3A_576, %parallel_loop3A_592 : vector<16xi32>
        %parallel_loop3A_594 = arith.constant 127 : i32
        %parallel_loop3A_595 = vector.broadcast %parallel_loop3A_594 : i32 to vector<16xi32>
        %parallel_loop3A_596 = arith.andi %parallel_loop3A_593, %parallel_loop3A_595 : vector<16xi32>
        scf.yield %parallel_loop3A_586, %parallel_loop3A_590, %parallel_loop3A_596 : vector<16xf32>, vector<16xf32>, vector<16xi32>
      } {sc.loop_unroll_factor = 4 : i64, sc.parallel_access}
      %add3A_567 = arith.addf %parallel_loop3A_566#0, %parallel_loop3A_566#1 : vector<16xf32>
      %mul3A_568 = arith.constant 16 : i32
      %mul3A_569 = arith.muli %scan3A_558, %mul3A_568 : i32
      %add3A_570 = arith.constant 224 : i32
      %add3A_571 = arith.addi %add3A_570, %mul3A_569 : i32
      %swap3A = arith.index_cast %add3A_571 : i32 to index
      %swap3A_572 = tpu.vector_load %arg17[%swap3A] {strides = array<i32>} : memref<512xf32, #tpu.memory_space<vmem>>, vector<16xf32>,
      tpu.vector_store %arg17[%swap3A], %add3A_567 {strides = array<i32>} : memref<512xf32, #tpu.memory_space<vmem>>, vector<16xf32>,
    }
    %scan3A_301 = arith.constant 2 : i32
    %add3A_302 = arith.constant 224 : i32
    %add3A_303 = arith.addi %mul3A_2, %add3A_302 : i32
    %dma_start3A_304 = arith.constant 224 : i32
    %dma_start3A_305 = tpu.memref_slice %arg17[%dma_start3A_304] : memref<512xf32, #tpu.memory_space<vmem>> -> memref<32xf32, #tpu.memory_space<vmem>>
    %dma_start3A_306 = tpu.memref_slice %arg6[%add3A_303] : memref<16384xf32, #tpu.memory_space<hbm>> -> memref<32xf32, #tpu.memory_space<hbm>>
    %dma_start3A_307 = tpu.memref_slice %arg6[%add3A_303] : memref<16384xf32, #tpu.memory_space<hbm>> -> memref<32xf32, #tpu.memory_space<hbm>>
    %dma_start3A_308 = arith.constant 224 : i32
    %dma_start3A_309 = tpu.memref_slice %arg17[%dma_start3A_308] : memref<512xf32, #tpu.memory_space<vmem>> -> memref<32xf32, #tpu.memory_space<vmem>>
    tpu.enqueue_dma source(%dma_start3A_309 : memref<32xf32, #tpu.memory_space<vmem>>) target(%dma_start3A_307 : memref<32xf32, #tpu.memory_space<hbm>>) target_semaphore(%arg27 : memref<!tpu.dma_semaphore, #tpu.memory_space<semaphore_mem>>)
    %dma_wait3A_310 = arith.constant 256 : i32
    %dma_wait3A_311 = tpu.memref_slice %arg7[%dma_wait3A_310] : memref<512xi32, #tpu.memory_space<vmem>> -> memref<32xi32, #tpu.memory_space<vmem>>
    %dma_wait3A_312 = arith.constant 0 : i32
    %dma_wait3A_313 = arith.constant 0 : i32
    %dma_wait3A_314 = tpu.memref_slice %arg4[%dma_wait3A_312, %dma_wait3A_313] : memref<1000000x128xf32, #tpu.memory_space<hbm>> -> memref<1000000x128xf32, #tpu.memory_space<hbm>>
    tpu.wait_indirect_dma semaphore(%arg18 : memref<!tpu.dma_semaphore, #tpu.memory_space<semaphore_mem>>) src(%dma_wait3A_314 : memref<1000000x128xf32, #tpu.memory_space<hbm>>) dst(%arg9 : memref<32x128xf32, #tpu.memory_space<vmem>>)
    %dma_wait3A_315 = arith.constant 256 : i32
    %dma_wait3A_316 = tpu.memref_slice %arg8[%dma_wait3A_315] : memref<512xi32, #tpu.memory_space<vmem>> -> memref<32xi32, #tpu.memory_space<vmem>>
    %dma_wait3A_317 = arith.constant 0 : i32
    %dma_wait3A_318 = arith.constant 0 : i32
    %dma_wait3A_319 = tpu.memref_slice %arg5[%dma_wait3A_317, %dma_wait3A_318] : memref<100000x128xf32, #tpu.memory_space<hbm>> -> memref<100000x128xf32, #tpu.memory_space<hbm>>
    tpu.wait_indirect_dma semaphore(%arg22 : memref<!tpu.dma_semaphore, #tpu.memory_space<semaphore_mem>>) src(%dma_wait3A_319 : memref<100000x128xf32, #tpu.memory_space<hbm>>) dst(%arg13 : memref<32x128xf32, #tpu.memory_space<vmem>>)
    %dma_start3A_320 = arith.constant 352 : i32
    %dma_start3A_321 = tpu.memref_slice %arg7[%dma_start3A_320] : memref<512xi32, #tpu.memory_space<vmem>> -> memref<32xi32, #tpu.memory_space<vmem>>
    %dma_start3A_322 = arith.constant 0 : i32
    %dma_start3A_323 = arith.constant 0 : i32
    %dma_start3A_324 = tpu.memref_slice %arg4[%dma_start3A_322, %dma_start3A_323] : memref<1000000x128xf32, #tpu.memory_space<hbm>> -> memref<1000000x128xf32, #tpu.memory_space<hbm>>
    tpu.enqueue_indirect_dma source(%dma_start3A_324 : memref<1000000x128xf32, #tpu.memory_space<hbm>>) target(%arg12 : memref<32x128xf32, #tpu.memory_space<vmem>>) offsets(%dma_start3A_321 : memref<32xi32, #tpu.memory_space<vmem>>) semaphore(%arg21 : memref<!tpu.dma_semaphore, #tpu.memory_space<semaphore_mem>>)
    %dma_start3A_325 = arith.constant 352 : i32
    %dma_start3A_326 = tpu.memref_slice %arg8[%dma_start3A_325] : memref<512xi32, #tpu.memory_space<vmem>> -> memref<32xi32, #tpu.memory_space<vmem>>
    %dma_start3A_327 = arith.constant 0 : i32
    %dma_start3A_328 = arith.constant 0 : i32
    %dma_start3A_329 = tpu.memref_slice %arg5[%dma_start3A_327, %dma_start3A_328] : memref<100000x128xf32, #tpu.memory_space<hbm>> -> memref<100000x128xf32, #tpu.memory_space<hbm>>
    tpu.enqueue_indirect_dma source(%dma_start3A_329 : memref<100000x128xf32, #tpu.memory_space<hbm>>) target(%arg16 : memref<32x128xf32, #tpu.memory_space<vmem>>) offsets(%dma_start3A_326 : memref<32xi32, #tpu.memory_space<vmem>>) semaphore(%arg25 : memref<!tpu.dma_semaphore, #tpu.memory_space<semaphore_mem>>)
    %scan3A_330 = arith.constant 0 : i32
    %scan3A_331 = arith.constant 0 : i32
    %scan3A_332 = arith.constant 2 : i32
    %scan3A_333 = arith.addi %scan3A_331, %scan3A_332 : i32
    %scan3A_334 = arith.constant 1 : i32
    scf.for %scan3A_558 = %scan3A_331 to %scan3A_333 step %scan3A_334  : i32 {
      %mul3A_559 = arith.constant 16 : i32
      %mul3A_560 = arith.muli %scan3A_558, %mul3A_559 : i32
      %add3A_561 = vector.broadcast %mul3A_560 : i32 to vector<16xi32>
      %add3A_562 = arith.addi %add3A_561, %iota3A : vector<16xi32>
      %broadcast_in_dim3A = arith.constant 0.000000e+00 : f32
      %broadcast_in_dim3A_563 = vector.broadcast %broadcast_in_dim3A : f32 to vector<16xf32>
      %parallel_loop3A = arith.constant 0 : i32
      %parallel_loop3A_564 = arith.constant 128 : i32
      %parallel_loop3A_565 = arith.constant 2 : i32
      %parallel_loop3A_566:3 = scf.for %parallel_loop3A_573 = %parallel_loop3A to %parallel_loop3A_564 step %parallel_loop3A_565 iter_args(%parallel_loop3A_574 = %broadcast_in_dim3A_563, %parallel_loop3A_575 = %broadcast_in_dim3A_563, %parallel_loop3A_576 = %iota3A) -> (vector<16xf32>, vector<16xf32>, vector<16xi32>)  : i32 {
        %parallel_loop3A_577 = arith.constant 1 : i32
        %parallel_loop3A_578 = vector.broadcast %parallel_loop3A_577 : i32 to vector<16xi32>
        %parallel_loop3A_579 = arith.addi %parallel_loop3A_576, %parallel_loop3A_578 : vector<16xi32>
        %parallel_loop3A_580 = arith.constant 127 : i32
        %parallel_loop3A_581 = vector.broadcast %parallel_loop3A_580 : i32 to vector<16xi32>
        %parallel_loop3A_582 = arith.andi %parallel_loop3A_579, %parallel_loop3A_581 : vector<16xi32>
        %parallel_loop3A_583 = tpu.vector_load_idx %arg9[%add3A_562, %parallel_loop3A_576] : memref<32x128xf32, #tpu.memory_space<vmem>>[vector<16xi32>, vector<16xi32>], vector<16xf32>,
        %parallel_loop3A_584 = tpu.vector_load_idx %arg13[%add3A_562, %parallel_loop3A_576] : memref<32x128xf32, #tpu.memory_space<vmem>>[vector<16xi32>, vector<16xi32>], vector<16xf32>,
        %parallel_loop3A_585 = arith.mulf %parallel_loop3A_583, %parallel_loop3A_584 : vector<16xf32>
        %parallel_loop3A_586 = arith.addf %parallel_loop3A_574, %parallel_loop3A_585 : vector<16xf32>
        %parallel_loop3A_587 = tpu.vector_load_idx %arg9[%add3A_562, %parallel_loop3A_582] : memref<32x128xf32, #tpu.memory_space<vmem>>[vector<16xi32>, vector<16xi32>], vector<16xf32>,
        %parallel_loop3A_588 = tpu.vector_load_idx %arg13[%add3A_562, %parallel_loop3A_582] : memref<32x128xf32, #tpu.memory_space<vmem>>[vector<16xi32>, vector<16xi32>], vector<16xf32>,
        %parallel_loop3A_589 = arith.mulf %parallel_loop3A_587, %parallel_loop3A_588 : vector<16xf32>
        %parallel_loop3A_590 = arith.addf %parallel_loop3A_575, %parallel_loop3A_589 : vector<16xf32>
        %parallel_loop3A_591 = arith.constant 2 : i32
        %parallel_loop3A_592 = vector.broadcast %parallel_loop3A_591 : i32 to vector<16xi32>
        %parallel_loop3A_593 = arith.addi %parallel_loop3A_576, %parallel_loop3A_592 : vector<16xi32>
        %parallel_loop3A_594 = arith.constant 127 : i32
        %parallel_loop3A_595 = vector.broadcast %parallel_loop3A_594 : i32 to vector<16xi32>
        %parallel_loop3A_596 = arith.andi %parallel_loop3A_593, %parallel_loop3A_595 : vector<16xi32>
        scf.yield %parallel_loop3A_586, %parallel_loop3A_590, %parallel_loop3A_596 : vector<16xf32>, vector<16xf32>, vector<16xi32>
      } {sc.loop_unroll_factor = 4 : i64, sc.parallel_access}
      %add3A_567 = arith.addf %parallel_loop3A_566#0, %parallel_loop3A_566#1 : vector<16xf32>
      %mul3A_568 = arith.constant 16 : i32
      %mul3A_569 = arith.muli %scan3A_558, %mul3A_568 : i32
      %add3A_570 = arith.constant 256 : i32
      %add3A_571 = arith.addi %add3A_570, %mul3A_569 : i32
      %swap3A = arith.index_cast %add3A_571 : i32 to index
      %swap3A_572 = tpu.vector_load %arg17[%swap3A] {strides = array<i32>} : memref<512xf32, #tpu.memory_space<vmem>>, vector<16xf32>,
      tpu.vector_store %arg17[%swap3A], %add3A_567 {strides = array<i32>} : memref<512xf32, #tpu.memory_space<vmem>>, vector<16xf32>,
    }
    %scan3A_335 = arith.constant 2 : i32
    %add3A_336 = arith.constant 256 : i32
    %add3A_337 = arith.addi %mul3A_2, %add3A_336 : i32
    %dma_start3A_338 = arith.constant 256 : i32
    %dma_start3A_339 = tpu.memref_slice %arg17[%dma_start3A_338] : memref<512xf32, #tpu.memory_space<vmem>> -> memref<32xf32, #tpu.memory_space<vmem>>
    %dma_start3A_340 = tpu.memref_slice %arg6[%add3A_337] : memref<16384xf32, #tpu.memory_space<hbm>> -> memref<32xf32, #tpu.memory_space<hbm>>
    %dma_start3A_341 = tpu.memref_slice %arg6[%add3A_337] : memref<16384xf32, #tpu.memory_space<hbm>> -> memref<32xf32, #tpu.memory_space<hbm>>
    %dma_start3A_342 = arith.constant 256 : i32
    %dma_start3A_343 = tpu.memref_slice %arg17[%dma_start3A_342] : memref<512xf32, #tpu.memory_space<vmem>> -> memref<32xf32, #tpu.memory_space<vmem>>
    tpu.enqueue_dma source(%dma_start3A_343 : memref<32xf32, #tpu.memory_space<vmem>>) target(%dma_start3A_341 : memref<32xf32, #tpu.memory_space<hbm>>) target_semaphore(%arg27 : memref<!tpu.dma_semaphore, #tpu.memory_space<semaphore_mem>>)
    %dma_wait3A_344 = arith.constant 288 : i32
    %dma_wait3A_345 = tpu.memref_slice %arg7[%dma_wait3A_344] : memref<512xi32, #tpu.memory_space<vmem>> -> memref<32xi32, #tpu.memory_space<vmem>>
    %dma_wait3A_346 = arith.constant 0 : i32
    %dma_wait3A_347 = arith.constant 0 : i32
    %dma_wait3A_348 = tpu.memref_slice %arg4[%dma_wait3A_346, %dma_wait3A_347] : memref<1000000x128xf32, #tpu.memory_space<hbm>> -> memref<1000000x128xf32, #tpu.memory_space<hbm>>
    tpu.wait_indirect_dma semaphore(%arg19 : memref<!tpu.dma_semaphore, #tpu.memory_space<semaphore_mem>>) src(%dma_wait3A_348 : memref<1000000x128xf32, #tpu.memory_space<hbm>>) dst(%arg10 : memref<32x128xf32, #tpu.memory_space<vmem>>)
    %dma_wait3A_349 = arith.constant 288 : i32
    %dma_wait3A_350 = tpu.memref_slice %arg8[%dma_wait3A_349] : memref<512xi32, #tpu.memory_space<vmem>> -> memref<32xi32, #tpu.memory_space<vmem>>
    %dma_wait3A_351 = arith.constant 0 : i32
    %dma_wait3A_352 = arith.constant 0 : i32
    %dma_wait3A_353 = tpu.memref_slice %arg5[%dma_wait3A_351, %dma_wait3A_352] : memref<100000x128xf32, #tpu.memory_space<hbm>> -> memref<100000x128xf32, #tpu.memory_space<hbm>>
    tpu.wait_indirect_dma semaphore(%arg23 : memref<!tpu.dma_semaphore, #tpu.memory_space<semaphore_mem>>) src(%dma_wait3A_353 : memref<100000x128xf32, #tpu.memory_space<hbm>>) dst(%arg14 : memref<32x128xf32, #tpu.memory_space<vmem>>)
    %dma_start3A_354 = arith.constant 384 : i32
    %dma_start3A_355 = tpu.memref_slice %arg7[%dma_start3A_354] : memref<512xi32, #tpu.memory_space<vmem>> -> memref<32xi32, #tpu.memory_space<vmem>>
    %dma_start3A_356 = arith.constant 0 : i32
    %dma_start3A_357 = arith.constant 0 : i32
    %dma_start3A_358 = tpu.memref_slice %arg4[%dma_start3A_356, %dma_start3A_357] : memref<1000000x128xf32, #tpu.memory_space<hbm>> -> memref<1000000x128xf32, #tpu.memory_space<hbm>>
    tpu.enqueue_indirect_dma source(%dma_start3A_358 : memref<1000000x128xf32, #tpu.memory_space<hbm>>) target(%arg9 : memref<32x128xf32, #tpu.memory_space<vmem>>) offsets(%dma_start3A_355 : memref<32xi32, #tpu.memory_space<vmem>>) semaphore(%arg18 : memref<!tpu.dma_semaphore, #tpu.memory_space<semaphore_mem>>)
    %dma_start3A_359 = arith.constant 384 : i32
    %dma_start3A_360 = tpu.memref_slice %arg8[%dma_start3A_359] : memref<512xi32, #tpu.memory_space<vmem>> -> memref<32xi32, #tpu.memory_space<vmem>>
    %dma_start3A_361 = arith.constant 0 : i32
    %dma_start3A_362 = arith.constant 0 : i32
    %dma_start3A_363 = tpu.memref_slice %arg5[%dma_start3A_361, %dma_start3A_362] : memref<100000x128xf32, #tpu.memory_space<hbm>> -> memref<100000x128xf32, #tpu.memory_space<hbm>>
    tpu.enqueue_indirect_dma source(%dma_start3A_363 : memref<100000x128xf32, #tpu.memory_space<hbm>>) target(%arg13 : memref<32x128xf32, #tpu.memory_space<vmem>>) offsets(%dma_start3A_360 : memref<32xi32, #tpu.memory_space<vmem>>) semaphore(%arg22 : memref<!tpu.dma_semaphore, #tpu.memory_space<semaphore_mem>>)
    %scan3A_364 = arith.constant 0 : i32
    %scan3A_365 = arith.constant 0 : i32
    %scan3A_366 = arith.constant 2 : i32
    %scan3A_367 = arith.addi %scan3A_365, %scan3A_366 : i32
    %scan3A_368 = arith.constant 1 : i32
    scf.for %scan3A_558 = %scan3A_365 to %scan3A_367 step %scan3A_368  : i32 {
      %mul3A_559 = arith.constant 16 : i32
      %mul3A_560 = arith.muli %scan3A_558, %mul3A_559 : i32
      %add3A_561 = vector.broadcast %mul3A_560 : i32 to vector<16xi32>
      %add3A_562 = arith.addi %add3A_561, %iota3A : vector<16xi32>
      %broadcast_in_dim3A = arith.constant 0.000000e+00 : f32
      %broadcast_in_dim3A_563 = vector.broadcast %broadcast_in_dim3A : f32 to vector<16xf32>
      %parallel_loop3A = arith.constant 0 : i32
      %parallel_loop3A_564 = arith.constant 128 : i32
      %parallel_loop3A_565 = arith.constant 2 : i32
      %parallel_loop3A_566:3 = scf.for %parallel_loop3A_573 = %parallel_loop3A to %parallel_loop3A_564 step %parallel_loop3A_565 iter_args(%parallel_loop3A_574 = %broadcast_in_dim3A_563, %parallel_loop3A_575 = %broadcast_in_dim3A_563, %parallel_loop3A_576 = %iota3A) -> (vector<16xf32>, vector<16xf32>, vector<16xi32>)  : i32 {
        %parallel_loop3A_577 = arith.constant 1 : i32
        %parallel_loop3A_578 = vector.broadcast %parallel_loop3A_577 : i32 to vector<16xi32>
        %parallel_loop3A_579 = arith.addi %parallel_loop3A_576, %parallel_loop3A_578 : vector<16xi32>
        %parallel_loop3A_580 = arith.constant 127 : i32
        %parallel_loop3A_581 = vector.broadcast %parallel_loop3A_580 : i32 to vector<16xi32>
        %parallel_loop3A_582 = arith.andi %parallel_loop3A_579, %parallel_loop3A_581 : vector<16xi32>
        %parallel_loop3A_583 = tpu.vector_load_idx %arg10[%add3A_562, %parallel_loop3A_576] : memref<32x128xf32, #tpu.memory_space<vmem>>[vector<16xi32>, vector<16xi32>], vector<16xf32>,
        %parallel_loop3A_584 = tpu.vector_load_idx %arg14[%add3A_562, %parallel_loop3A_576] : memref<32x128xf32, #tpu.memory_space<vmem>>[vector<16xi32>, vector<16xi32>], vector<16xf32>,
        %parallel_loop3A_585 = arith.mulf %parallel_loop3A_583, %parallel_loop3A_584 : vector<16xf32>
        %parallel_loop3A_586 = arith.addf %parallel_loop3A_574, %parallel_loop3A_585 : vector<16xf32>
        %parallel_loop3A_587 = tpu.vector_load_idx %arg10[%add3A_562, %parallel_loop3A_582] : memref<32x128xf32, #tpu.memory_space<vmem>>[vector<16xi32>, vector<16xi32>], vector<16xf32>,
        %parallel_loop3A_588 = tpu.vector_load_idx %arg14[%add3A_562, %parallel_loop3A_582] : memref<32x128xf32, #tpu.memory_space<vmem>>[vector<16xi32>, vector<16xi32>], vector<16xf32>,
        %parallel_loop3A_589 = arith.mulf %parallel_loop3A_587, %parallel_loop3A_588 : vector<16xf32>
        %parallel_loop3A_590 = arith.addf %parallel_loop3A_575, %parallel_loop3A_589 : vector<16xf32>
        %parallel_loop3A_591 = arith.constant 2 : i32
        %parallel_loop3A_592 = vector.broadcast %parallel_loop3A_591 : i32 to vector<16xi32>
        %parallel_loop3A_593 = arith.addi %parallel_loop3A_576, %parallel_loop3A_592 : vector<16xi32>
        %parallel_loop3A_594 = arith.constant 127 : i32
        %parallel_loop3A_595 = vector.broadcast %parallel_loop3A_594 : i32 to vector<16xi32>
        %parallel_loop3A_596 = arith.andi %parallel_loop3A_593, %parallel_loop3A_595 : vector<16xi32>
        scf.yield %parallel_loop3A_586, %parallel_loop3A_590, %parallel_loop3A_596 : vector<16xf32>, vector<16xf32>, vector<16xi32>
      } {sc.loop_unroll_factor = 4 : i64, sc.parallel_access}
      %add3A_567 = arith.addf %parallel_loop3A_566#0, %parallel_loop3A_566#1 : vector<16xf32>
      %mul3A_568 = arith.constant 16 : i32
      %mul3A_569 = arith.muli %scan3A_558, %mul3A_568 : i32
      %add3A_570 = arith.constant 288 : i32
      %add3A_571 = arith.addi %add3A_570, %mul3A_569 : i32
      %swap3A = arith.index_cast %add3A_571 : i32 to index
      %swap3A_572 = tpu.vector_load %arg17[%swap3A] {strides = array<i32>} : memref<512xf32, #tpu.memory_space<vmem>>, vector<16xf32>,
      tpu.vector_store %arg17[%swap3A], %add3A_567 {strides = array<i32>} : memref<512xf32, #tpu.memory_space<vmem>>, vector<16xf32>,
    }
    %scan3A_369 = arith.constant 2 : i32
    %add3A_370 = arith.constant 288 : i32
    %add3A_371 = arith.addi %mul3A_2, %add3A_370 : i32
    %dma_start3A_372 = arith.constant 288 : i32
    %dma_start3A_373 = tpu.memref_slice %arg17[%dma_start3A_372] : memref<512xf32, #tpu.memory_space<vmem>> -> memref<32xf32, #tpu.memory_space<vmem>>
    %dma_start3A_374 = tpu.memref_slice %arg6[%add3A_371] : memref<16384xf32, #tpu.memory_space<hbm>> -> memref<32xf32, #tpu.memory_space<hbm>>
    %dma_start3A_375 = tpu.memref_slice %arg6[%add3A_371] : memref<16384xf32, #tpu.memory_space<hbm>> -> memref<32xf32, #tpu.memory_space<hbm>>
    %dma_start3A_376 = arith.constant 288 : i32
    %dma_start3A_377 = tpu.memref_slice %arg17[%dma_start3A_376] : memref<512xf32, #tpu.memory_space<vmem>> -> memref<32xf32, #tpu.memory_space<vmem>>
    tpu.enqueue_dma source(%dma_start3A_377 : memref<32xf32, #tpu.memory_space<vmem>>) target(%dma_start3A_375 : memref<32xf32, #tpu.memory_space<hbm>>) target_semaphore(%arg27 : memref<!tpu.dma_semaphore, #tpu.memory_space<semaphore_mem>>)
    %dma_wait3A_378 = arith.constant 320 : i32
    %dma_wait3A_379 = tpu.memref_slice %arg7[%dma_wait3A_378] : memref<512xi32, #tpu.memory_space<vmem>> -> memref<32xi32, #tpu.memory_space<vmem>>
    %dma_wait3A_380 = arith.constant 0 : i32
    %dma_wait3A_381 = arith.constant 0 : i32
    %dma_wait3A_382 = tpu.memref_slice %arg4[%dma_wait3A_380, %dma_wait3A_381] : memref<1000000x128xf32, #tpu.memory_space<hbm>> -> memref<1000000x128xf32, #tpu.memory_space<hbm>>
    tpu.wait_indirect_dma semaphore(%arg20 : memref<!tpu.dma_semaphore, #tpu.memory_space<semaphore_mem>>) src(%dma_wait3A_382 : memref<1000000x128xf32, #tpu.memory_space<hbm>>) dst(%arg11 : memref<32x128xf32, #tpu.memory_space<vmem>>)
    %dma_wait3A_383 = arith.constant 320 : i32
    %dma_wait3A_384 = tpu.memref_slice %arg8[%dma_wait3A_383] : memref<512xi32, #tpu.memory_space<vmem>> -> memref<32xi32, #tpu.memory_space<vmem>>
    %dma_wait3A_385 = arith.constant 0 : i32
    %dma_wait3A_386 = arith.constant 0 : i32
    %dma_wait3A_387 = tpu.memref_slice %arg5[%dma_wait3A_385, %dma_wait3A_386] : memref<100000x128xf32, #tpu.memory_space<hbm>> -> memref<100000x128xf32, #tpu.memory_space<hbm>>
    tpu.wait_indirect_dma semaphore(%arg24 : memref<!tpu.dma_semaphore, #tpu.memory_space<semaphore_mem>>) src(%dma_wait3A_387 : memref<100000x128xf32, #tpu.memory_space<hbm>>) dst(%arg15 : memref<32x128xf32, #tpu.memory_space<vmem>>)
    %dma_start3A_388 = arith.constant 416 : i32
    %dma_start3A_389 = tpu.memref_slice %arg7[%dma_start3A_388] : memref<512xi32, #tpu.memory_space<vmem>> -> memref<32xi32, #tpu.memory_space<vmem>>
    %dma_start3A_390 = arith.constant 0 : i32
    %dma_start3A_391 = arith.constant 0 : i32
    %dma_start3A_392 = tpu.memref_slice %arg4[%dma_start3A_390, %dma_start3A_391] : memref<1000000x128xf32, #tpu.memory_space<hbm>> -> memref<1000000x128xf32, #tpu.memory_space<hbm>>
    tpu.enqueue_indirect_dma source(%dma_start3A_392 : memref<1000000x128xf32, #tpu.memory_space<hbm>>) target(%arg10 : memref<32x128xf32, #tpu.memory_space<vmem>>) offsets(%dma_start3A_389 : memref<32xi32, #tpu.memory_space<vmem>>) semaphore(%arg19 : memref<!tpu.dma_semaphore, #tpu.memory_space<semaphore_mem>>)
    %dma_start3A_393 = arith.constant 416 : i32
    %dma_start3A_394 = tpu.memref_slice %arg8[%dma_start3A_393] : memref<512xi32, #tpu.memory_space<vmem>> -> memref<32xi32, #tpu.memory_space<vmem>>
    %dma_start3A_395 = arith.constant 0 : i32
    %dma_start3A_396 = arith.constant 0 : i32
    %dma_start3A_397 = tpu.memref_slice %arg5[%dma_start3A_395, %dma_start3A_396] : memref<100000x128xf32, #tpu.memory_space<hbm>> -> memref<100000x128xf32, #tpu.memory_space<hbm>>
    tpu.enqueue_indirect_dma source(%dma_start3A_397 : memref<100000x128xf32, #tpu.memory_space<hbm>>) target(%arg14 : memref<32x128xf32, #tpu.memory_space<vmem>>) offsets(%dma_start3A_394 : memref<32xi32, #tpu.memory_space<vmem>>) semaphore(%arg23 : memref<!tpu.dma_semaphore, #tpu.memory_space<semaphore_mem>>)
    %scan3A_398 = arith.constant 0 : i32
    %scan3A_399 = arith.constant 0 : i32
    %scan3A_400 = arith.constant 2 : i32
    %scan3A_401 = arith.addi %scan3A_399, %scan3A_400 : i32
    %scan3A_402 = arith.constant 1 : i32
    scf.for %scan3A_558 = %scan3A_399 to %scan3A_401 step %scan3A_402  : i32 {
      %mul3A_559 = arith.constant 16 : i32
      %mul3A_560 = arith.muli %scan3A_558, %mul3A_559 : i32
      %add3A_561 = vector.broadcast %mul3A_560 : i32 to vector<16xi32>
      %add3A_562 = arith.addi %add3A_561, %iota3A : vector<16xi32>
      %broadcast_in_dim3A = arith.constant 0.000000e+00 : f32
      %broadcast_in_dim3A_563 = vector.broadcast %broadcast_in_dim3A : f32 to vector<16xf32>
      %parallel_loop3A = arith.constant 0 : i32
      %parallel_loop3A_564 = arith.constant 128 : i32
      %parallel_loop3A_565 = arith.constant 2 : i32
      %parallel_loop3A_566:3 = scf.for %parallel_loop3A_573 = %parallel_loop3A to %parallel_loop3A_564 step %parallel_loop3A_565 iter_args(%parallel_loop3A_574 = %broadcast_in_dim3A_563, %parallel_loop3A_575 = %broadcast_in_dim3A_563, %parallel_loop3A_576 = %iota3A) -> (vector<16xf32>, vector<16xf32>, vector<16xi32>)  : i32 {
        %parallel_loop3A_577 = arith.constant 1 : i32
        %parallel_loop3A_578 = vector.broadcast %parallel_loop3A_577 : i32 to vector<16xi32>
        %parallel_loop3A_579 = arith.addi %parallel_loop3A_576, %parallel_loop3A_578 : vector<16xi32>
        %parallel_loop3A_580 = arith.constant 127 : i32
        %parallel_loop3A_581 = vector.broadcast %parallel_loop3A_580 : i32 to vector<16xi32>
        %parallel_loop3A_582 = arith.andi %parallel_loop3A_579, %parallel_loop3A_581 : vector<16xi32>
        %parallel_loop3A_583 = tpu.vector_load_idx %arg11[%add3A_562, %parallel_loop3A_576] : memref<32x128xf32, #tpu.memory_space<vmem>>[vector<16xi32>, vector<16xi32>], vector<16xf32>,
        %parallel_loop3A_584 = tpu.vector_load_idx %arg15[%add3A_562, %parallel_loop3A_576] : memref<32x128xf32, #tpu.memory_space<vmem>>[vector<16xi32>, vector<16xi32>], vector<16xf32>,
        %parallel_loop3A_585 = arith.mulf %parallel_loop3A_583, %parallel_loop3A_584 : vector<16xf32>
        %parallel_loop3A_586 = arith.addf %parallel_loop3A_574, %parallel_loop3A_585 : vector<16xf32>
        %parallel_loop3A_587 = tpu.vector_load_idx %arg11[%add3A_562, %parallel_loop3A_582] : memref<32x128xf32, #tpu.memory_space<vmem>>[vector<16xi32>, vector<16xi32>], vector<16xf32>,
        %parallel_loop3A_588 = tpu.vector_load_idx %arg15[%add3A_562, %parallel_loop3A_582] : memref<32x128xf32, #tpu.memory_space<vmem>>[vector<16xi32>, vector<16xi32>], vector<16xf32>,
        %parallel_loop3A_589 = arith.mulf %parallel_loop3A_587, %parallel_loop3A_588 : vector<16xf32>
        %parallel_loop3A_590 = arith.addf %parallel_loop3A_575, %parallel_loop3A_589 : vector<16xf32>
        %parallel_loop3A_591 = arith.constant 2 : i32
        %parallel_loop3A_592 = vector.broadcast %parallel_loop3A_591 : i32 to vector<16xi32>
        %parallel_loop3A_593 = arith.addi %parallel_loop3A_576, %parallel_loop3A_592 : vector<16xi32>
        %parallel_loop3A_594 = arith.constant 127 : i32
        %parallel_loop3A_595 = vector.broadcast %parallel_loop3A_594 : i32 to vector<16xi32>
        %parallel_loop3A_596 = arith.andi %parallel_loop3A_593, %parallel_loop3A_595 : vector<16xi32>
        scf.yield %parallel_loop3A_586, %parallel_loop3A_590, %parallel_loop3A_596 : vector<16xf32>, vector<16xf32>, vector<16xi32>
      } {sc.loop_unroll_factor = 4 : i64, sc.parallel_access}
      %add3A_567 = arith.addf %parallel_loop3A_566#0, %parallel_loop3A_566#1 : vector<16xf32>
      %mul3A_568 = arith.constant 16 : i32
      %mul3A_569 = arith.muli %scan3A_558, %mul3A_568 : i32
      %add3A_570 = arith.constant 320 : i32
      %add3A_571 = arith.addi %add3A_570, %mul3A_569 : i32
      %swap3A = arith.index_cast %add3A_571 : i32 to index
      %swap3A_572 = tpu.vector_load %arg17[%swap3A] {strides = array<i32>} : memref<512xf32, #tpu.memory_space<vmem>>, vector<16xf32>,
      tpu.vector_store %arg17[%swap3A], %add3A_567 {strides = array<i32>} : memref<512xf32, #tpu.memory_space<vmem>>, vector<16xf32>,
    }
    %scan3A_403 = arith.constant 2 : i32
    %add3A_404 = arith.constant 320 : i32
    %add3A_405 = arith.addi %mul3A_2, %add3A_404 : i32
    %dma_start3A_406 = arith.constant 320 : i32
    %dma_start3A_407 = tpu.memref_slice %arg17[%dma_start3A_406] : memref<512xf32, #tpu.memory_space<vmem>> -> memref<32xf32, #tpu.memory_space<vmem>>
    %dma_start3A_408 = tpu.memref_slice %arg6[%add3A_405] : memref<16384xf32, #tpu.memory_space<hbm>> -> memref<32xf32, #tpu.memory_space<hbm>>
    %dma_start3A_409 = tpu.memref_slice %arg6[%add3A_405] : memref<16384xf32, #tpu.memory_space<hbm>> -> memref<32xf32, #tpu.memory_space<hbm>>
    %dma_start3A_410 = arith.constant 320 : i32
    %dma_start3A_411 = tpu.memref_slice %arg17[%dma_start3A_410] : memref<512xf32, #tpu.memory_space<vmem>> -> memref<32xf32, #tpu.memory_space<vmem>>
    tpu.enqueue_dma source(%dma_start3A_411 : memref<32xf32, #tpu.memory_space<vmem>>) target(%dma_start3A_409 : memref<32xf32, #tpu.memory_space<hbm>>) target_semaphore(%arg27 : memref<!tpu.dma_semaphore, #tpu.memory_space<semaphore_mem>>)
    %dma_wait3A_412 = arith.constant 352 : i32
    %dma_wait3A_413 = tpu.memref_slice %arg7[%dma_wait3A_412] : memref<512xi32, #tpu.memory_space<vmem>> -> memref<32xi32, #tpu.memory_space<vmem>>
    %dma_wait3A_414 = arith.constant 0 : i32
    %dma_wait3A_415 = arith.constant 0 : i32
    %dma_wait3A_416 = tpu.memref_slice %arg4[%dma_wait3A_414, %dma_wait3A_415] : memref<1000000x128xf32, #tpu.memory_space<hbm>> -> memref<1000000x128xf32, #tpu.memory_space<hbm>>
    tpu.wait_indirect_dma semaphore(%arg21 : memref<!tpu.dma_semaphore, #tpu.memory_space<semaphore_mem>>) src(%dma_wait3A_416 : memref<1000000x128xf32, #tpu.memory_space<hbm>>) dst(%arg12 : memref<32x128xf32, #tpu.memory_space<vmem>>)
    %dma_wait3A_417 = arith.constant 352 : i32
    %dma_wait3A_418 = tpu.memref_slice %arg8[%dma_wait3A_417] : memref<512xi32, #tpu.memory_space<vmem>> -> memref<32xi32, #tpu.memory_space<vmem>>
    %dma_wait3A_419 = arith.constant 0 : i32
    %dma_wait3A_420 = arith.constant 0 : i32
    %dma_wait3A_421 = tpu.memref_slice %arg5[%dma_wait3A_419, %dma_wait3A_420] : memref<100000x128xf32, #tpu.memory_space<hbm>> -> memref<100000x128xf32, #tpu.memory_space<hbm>>
    tpu.wait_indirect_dma semaphore(%arg25 : memref<!tpu.dma_semaphore, #tpu.memory_space<semaphore_mem>>) src(%dma_wait3A_421 : memref<100000x128xf32, #tpu.memory_space<hbm>>) dst(%arg16 : memref<32x128xf32, #tpu.memory_space<vmem>>)
    %dma_start3A_422 = arith.constant 448 : i32
    %dma_start3A_423 = tpu.memref_slice %arg7[%dma_start3A_422] : memref<512xi32, #tpu.memory_space<vmem>> -> memref<32xi32, #tpu.memory_space<vmem>>
    %dma_start3A_424 = arith.constant 0 : i32
    %dma_start3A_425 = arith.constant 0 : i32
    %dma_start3A_426 = tpu.memref_slice %arg4[%dma_start3A_424, %dma_start3A_425] : memref<1000000x128xf32, #tpu.memory_space<hbm>> -> memref<1000000x128xf32, #tpu.memory_space<hbm>>
    tpu.enqueue_indirect_dma source(%dma_start3A_426 : memref<1000000x128xf32, #tpu.memory_space<hbm>>) target(%arg11 : memref<32x128xf32, #tpu.memory_space<vmem>>) offsets(%dma_start3A_423 : memref<32xi32, #tpu.memory_space<vmem>>) semaphore(%arg20 : memref<!tpu.dma_semaphore, #tpu.memory_space<semaphore_mem>>)
    %dma_start3A_427 = arith.constant 448 : i32
    %dma_start3A_428 = tpu.memref_slice %arg8[%dma_start3A_427] : memref<512xi32, #tpu.memory_space<vmem>> -> memref<32xi32, #tpu.memory_space<vmem>>
    %dma_start3A_429 = arith.constant 0 : i32
    %dma_start3A_430 = arith.constant 0 : i32
    %dma_start3A_431 = tpu.memref_slice %arg5[%dma_start3A_429, %dma_start3A_430] : memref<100000x128xf32, #tpu.memory_space<hbm>> -> memref<100000x128xf32, #tpu.memory_space<hbm>>
    tpu.enqueue_indirect_dma source(%dma_start3A_431 : memref<100000x128xf32, #tpu.memory_space<hbm>>) target(%arg15 : memref<32x128xf32, #tpu.memory_space<vmem>>) offsets(%dma_start3A_428 : memref<32xi32, #tpu.memory_space<vmem>>) semaphore(%arg24 : memref<!tpu.dma_semaphore, #tpu.memory_space<semaphore_mem>>)
    %scan3A_432 = arith.constant 0 : i32
    %scan3A_433 = arith.constant 0 : i32
    %scan3A_434 = arith.constant 2 : i32
    %scan3A_435 = arith.addi %scan3A_433, %scan3A_434 : i32
    %scan3A_436 = arith.constant 1 : i32
    scf.for %scan3A_558 = %scan3A_433 to %scan3A_435 step %scan3A_436  : i32 {
      %mul3A_559 = arith.constant 16 : i32
      %mul3A_560 = arith.muli %scan3A_558, %mul3A_559 : i32
      %add3A_561 = vector.broadcast %mul3A_560 : i32 to vector<16xi32>
      %add3A_562 = arith.addi %add3A_561, %iota3A : vector<16xi32>
      %broadcast_in_dim3A = arith.constant 0.000000e+00 : f32
      %broadcast_in_dim3A_563 = vector.broadcast %broadcast_in_dim3A : f32 to vector<16xf32>
      %parallel_loop3A = arith.constant 0 : i32
      %parallel_loop3A_564 = arith.constant 128 : i32
      %parallel_loop3A_565 = arith.constant 2 : i32
      %parallel_loop3A_566:3 = scf.for %parallel_loop3A_573 = %parallel_loop3A to %parallel_loop3A_564 step %parallel_loop3A_565 iter_args(%parallel_loop3A_574 = %broadcast_in_dim3A_563, %parallel_loop3A_575 = %broadcast_in_dim3A_563, %parallel_loop3A_576 = %iota3A) -> (vector<16xf32>, vector<16xf32>, vector<16xi32>)  : i32 {
        %parallel_loop3A_577 = arith.constant 1 : i32
        %parallel_loop3A_578 = vector.broadcast %parallel_loop3A_577 : i32 to vector<16xi32>
        %parallel_loop3A_579 = arith.addi %parallel_loop3A_576, %parallel_loop3A_578 : vector<16xi32>
        %parallel_loop3A_580 = arith.constant 127 : i32
        %parallel_loop3A_581 = vector.broadcast %parallel_loop3A_580 : i32 to vector<16xi32>
        %parallel_loop3A_582 = arith.andi %parallel_loop3A_579, %parallel_loop3A_581 : vector<16xi32>
        %parallel_loop3A_583 = tpu.vector_load_idx %arg12[%add3A_562, %parallel_loop3A_576] : memref<32x128xf32, #tpu.memory_space<vmem>>[vector<16xi32>, vector<16xi32>], vector<16xf32>,
        %parallel_loop3A_584 = tpu.vector_load_idx %arg16[%add3A_562, %parallel_loop3A_576] : memref<32x128xf32, #tpu.memory_space<vmem>>[vector<16xi32>, vector<16xi32>], vector<16xf32>,
        %parallel_loop3A_585 = arith.mulf %parallel_loop3A_583, %parallel_loop3A_584 : vector<16xf32>
        %parallel_loop3A_586 = arith.addf %parallel_loop3A_574, %parallel_loop3A_585 : vector<16xf32>
        %parallel_loop3A_587 = tpu.vector_load_idx %arg12[%add3A_562, %parallel_loop3A_582] : memref<32x128xf32, #tpu.memory_space<vmem>>[vector<16xi32>, vector<16xi32>], vector<16xf32>,
        %parallel_loop3A_588 = tpu.vector_load_idx %arg16[%add3A_562, %parallel_loop3A_582] : memref<32x128xf32, #tpu.memory_space<vmem>>[vector<16xi32>, vector<16xi32>], vector<16xf32>,
        %parallel_loop3A_589 = arith.mulf %parallel_loop3A_587, %parallel_loop3A_588 : vector<16xf32>
        %parallel_loop3A_590 = arith.addf %parallel_loop3A_575, %parallel_loop3A_589 : vector<16xf32>
        %parallel_loop3A_591 = arith.constant 2 : i32
        %parallel_loop3A_592 = vector.broadcast %parallel_loop3A_591 : i32 to vector<16xi32>
        %parallel_loop3A_593 = arith.addi %parallel_loop3A_576, %parallel_loop3A_592 : vector<16xi32>
        %parallel_loop3A_594 = arith.constant 127 : i32
        %parallel_loop3A_595 = vector.broadcast %parallel_loop3A_594 : i32 to vector<16xi32>
        %parallel_loop3A_596 = arith.andi %parallel_loop3A_593, %parallel_loop3A_595 : vector<16xi32>
        scf.yield %parallel_loop3A_586, %parallel_loop3A_590, %parallel_loop3A_596 : vector<16xf32>, vector<16xf32>, vector<16xi32>
      } {sc.loop_unroll_factor = 4 : i64, sc.parallel_access}
      %add3A_567 = arith.addf %parallel_loop3A_566#0, %parallel_loop3A_566#1 : vector<16xf32>
      %mul3A_568 = arith.constant 16 : i32
      %mul3A_569 = arith.muli %scan3A_558, %mul3A_568 : i32
      %add3A_570 = arith.constant 352 : i32
      %add3A_571 = arith.addi %add3A_570, %mul3A_569 : i32
      %swap3A = arith.index_cast %add3A_571 : i32 to index
      %swap3A_572 = tpu.vector_load %arg17[%swap3A] {strides = array<i32>} : memref<512xf32, #tpu.memory_space<vmem>>, vector<16xf32>,
      tpu.vector_store %arg17[%swap3A], %add3A_567 {strides = array<i32>} : memref<512xf32, #tpu.memory_space<vmem>>, vector<16xf32>,
    }
    %scan3A_437 = arith.constant 2 : i32
    %add3A_438 = arith.constant 352 : i32
    %add3A_439 = arith.addi %mul3A_2, %add3A_438 : i32
    %dma_start3A_440 = arith.constant 352 : i32
    %dma_start3A_441 = tpu.memref_slice %arg17[%dma_start3A_440] : memref<512xf32, #tpu.memory_space<vmem>> -> memref<32xf32, #tpu.memory_space<vmem>>
    %dma_start3A_442 = tpu.memref_slice %arg6[%add3A_439] : memref<16384xf32, #tpu.memory_space<hbm>> -> memref<32xf32, #tpu.memory_space<hbm>>
    %dma_start3A_443 = tpu.memref_slice %arg6[%add3A_439] : memref<16384xf32, #tpu.memory_space<hbm>> -> memref<32xf32, #tpu.memory_space<hbm>>
    %dma_start3A_444 = arith.constant 352 : i32
    %dma_start3A_445 = tpu.memref_slice %arg17[%dma_start3A_444] : memref<512xf32, #tpu.memory_space<vmem>> -> memref<32xf32, #tpu.memory_space<vmem>>
    tpu.enqueue_dma source(%dma_start3A_445 : memref<32xf32, #tpu.memory_space<vmem>>) target(%dma_start3A_443 : memref<32xf32, #tpu.memory_space<hbm>>) target_semaphore(%arg27 : memref<!tpu.dma_semaphore, #tpu.memory_space<semaphore_mem>>)
    %dma_wait3A_446 = arith.constant 384 : i32
    %dma_wait3A_447 = tpu.memref_slice %arg7[%dma_wait3A_446] : memref<512xi32, #tpu.memory_space<vmem>> -> memref<32xi32, #tpu.memory_space<vmem>>
    %dma_wait3A_448 = arith.constant 0 : i32
    %dma_wait3A_449 = arith.constant 0 : i32
    %dma_wait3A_450 = tpu.memref_slice %arg4[%dma_wait3A_448, %dma_wait3A_449] : memref<1000000x128xf32, #tpu.memory_space<hbm>> -> memref<1000000x128xf32, #tpu.memory_space<hbm>>
    tpu.wait_indirect_dma semaphore(%arg18 : memref<!tpu.dma_semaphore, #tpu.memory_space<semaphore_mem>>) src(%dma_wait3A_450 : memref<1000000x128xf32, #tpu.memory_space<hbm>>) dst(%arg9 : memref<32x128xf32, #tpu.memory_space<vmem>>)
    %dma_wait3A_451 = arith.constant 384 : i32
    %dma_wait3A_452 = tpu.memref_slice %arg8[%dma_wait3A_451] : memref<512xi32, #tpu.memory_space<vmem>> -> memref<32xi32, #tpu.memory_space<vmem>>
    %dma_wait3A_453 = arith.constant 0 : i32
    %dma_wait3A_454 = arith.constant 0 : i32
    %dma_wait3A_455 = tpu.memref_slice %arg5[%dma_wait3A_453, %dma_wait3A_454] : memref<100000x128xf32, #tpu.memory_space<hbm>> -> memref<100000x128xf32, #tpu.memory_space<hbm>>
    tpu.wait_indirect_dma semaphore(%arg22 : memref<!tpu.dma_semaphore, #tpu.memory_space<semaphore_mem>>) src(%dma_wait3A_455 : memref<100000x128xf32, #tpu.memory_space<hbm>>) dst(%arg13 : memref<32x128xf32, #tpu.memory_space<vmem>>)
    %dma_start3A_456 = arith.constant 480 : i32
    %dma_start3A_457 = tpu.memref_slice %arg7[%dma_start3A_456] : memref<512xi32, #tpu.memory_space<vmem>> -> memref<32xi32, #tpu.memory_space<vmem>>
    %dma_start3A_458 = arith.constant 0 : i32
    %dma_start3A_459 = arith.constant 0 : i32
    %dma_start3A_460 = tpu.memref_slice %arg4[%dma_start3A_458, %dma_start3A_459] : memref<1000000x128xf32, #tpu.memory_space<hbm>> -> memref<1000000x128xf32, #tpu.memory_space<hbm>>
    tpu.enqueue_indirect_dma source(%dma_start3A_460 : memref<1000000x128xf32, #tpu.memory_space<hbm>>) target(%arg12 : memref<32x128xf32, #tpu.memory_space<vmem>>) offsets(%dma_start3A_457 : memref<32xi32, #tpu.memory_space<vmem>>) semaphore(%arg21 : memref<!tpu.dma_semaphore, #tpu.memory_space<semaphore_mem>>)
    %dma_start3A_461 = arith.constant 480 : i32
    %dma_start3A_462 = tpu.memref_slice %arg8[%dma_start3A_461] : memref<512xi32, #tpu.memory_space<vmem>> -> memref<32xi32, #tpu.memory_space<vmem>>
    %dma_start3A_463 = arith.constant 0 : i32
    %dma_start3A_464 = arith.constant 0 : i32
    %dma_start3A_465 = tpu.memref_slice %arg5[%dma_start3A_463, %dma_start3A_464] : memref<100000x128xf32, #tpu.memory_space<hbm>> -> memref<100000x128xf32, #tpu.memory_space<hbm>>
    tpu.enqueue_indirect_dma source(%dma_start3A_465 : memref<100000x128xf32, #tpu.memory_space<hbm>>) target(%arg16 : memref<32x128xf32, #tpu.memory_space<vmem>>) offsets(%dma_start3A_462 : memref<32xi32, #tpu.memory_space<vmem>>) semaphore(%arg25 : memref<!tpu.dma_semaphore, #tpu.memory_space<semaphore_mem>>)
    %scan3A_466 = arith.constant 0 : i32
    %scan3A_467 = arith.constant 0 : i32
    %scan3A_468 = arith.constant 2 : i32
    %scan3A_469 = arith.addi %scan3A_467, %scan3A_468 : i32
    %scan3A_470 = arith.constant 1 : i32
    scf.for %scan3A_558 = %scan3A_467 to %scan3A_469 step %scan3A_470  : i32 {
      %mul3A_559 = arith.constant 16 : i32
      %mul3A_560 = arith.muli %scan3A_558, %mul3A_559 : i32
      %add3A_561 = vector.broadcast %mul3A_560 : i32 to vector<16xi32>
      %add3A_562 = arith.addi %add3A_561, %iota3A : vector<16xi32>
      %broadcast_in_dim3A = arith.constant 0.000000e+00 : f32
      %broadcast_in_dim3A_563 = vector.broadcast %broadcast_in_dim3A : f32 to vector<16xf32>
      %parallel_loop3A = arith.constant 0 : i32
      %parallel_loop3A_564 = arith.constant 128 : i32
      %parallel_loop3A_565 = arith.constant 2 : i32
      %parallel_loop3A_566:3 = scf.for %parallel_loop3A_573 = %parallel_loop3A to %parallel_loop3A_564 step %parallel_loop3A_565 iter_args(%parallel_loop3A_574 = %broadcast_in_dim3A_563, %parallel_loop3A_575 = %broadcast_in_dim3A_563, %parallel_loop3A_576 = %iota3A) -> (vector<16xf32>, vector<16xf32>, vector<16xi32>)  : i32 {
        %parallel_loop3A_577 = arith.constant 1 : i32
        %parallel_loop3A_578 = vector.broadcast %parallel_loop3A_577 : i32 to vector<16xi32>
        %parallel_loop3A_579 = arith.addi %parallel_loop3A_576, %parallel_loop3A_578 : vector<16xi32>
        %parallel_loop3A_580 = arith.constant 127 : i32
        %parallel_loop3A_581 = vector.broadcast %parallel_loop3A_580 : i32 to vector<16xi32>
        %parallel_loop3A_582 = arith.andi %parallel_loop3A_579, %parallel_loop3A_581 : vector<16xi32>
        %parallel_loop3A_583 = tpu.vector_load_idx %arg9[%add3A_562, %parallel_loop3A_576] : memref<32x128xf32, #tpu.memory_space<vmem>>[vector<16xi32>, vector<16xi32>], vector<16xf32>,
        %parallel_loop3A_584 = tpu.vector_load_idx %arg13[%add3A_562, %parallel_loop3A_576] : memref<32x128xf32, #tpu.memory_space<vmem>>[vector<16xi32>, vector<16xi32>], vector<16xf32>,
        %parallel_loop3A_585 = arith.mulf %parallel_loop3A_583, %parallel_loop3A_584 : vector<16xf32>
        %parallel_loop3A_586 = arith.addf %parallel_loop3A_574, %parallel_loop3A_585 : vector<16xf32>
        %parallel_loop3A_587 = tpu.vector_load_idx %arg9[%add3A_562, %parallel_loop3A_582] : memref<32x128xf32, #tpu.memory_space<vmem>>[vector<16xi32>, vector<16xi32>], vector<16xf32>,
        %parallel_loop3A_588 = tpu.vector_load_idx %arg13[%add3A_562, %parallel_loop3A_582] : memref<32x128xf32, #tpu.memory_space<vmem>>[vector<16xi32>, vector<16xi32>], vector<16xf32>,
        %parallel_loop3A_589 = arith.mulf %parallel_loop3A_587, %parallel_loop3A_588 : vector<16xf32>
        %parallel_loop3A_590 = arith.addf %parallel_loop3A_575, %parallel_loop3A_589 : vector<16xf32>
        %parallel_loop3A_591 = arith.constant 2 : i32
        %parallel_loop3A_592 = vector.broadcast %parallel_loop3A_591 : i32 to vector<16xi32>
        %parallel_loop3A_593 = arith.addi %parallel_loop3A_576, %parallel_loop3A_592 : vector<16xi32>
        %parallel_loop3A_594 = arith.constant 127 : i32
        %parallel_loop3A_595 = vector.broadcast %parallel_loop3A_594 : i32 to vector<16xi32>
        %parallel_loop3A_596 = arith.andi %parallel_loop3A_593, %parallel_loop3A_595 : vector<16xi32>
        scf.yield %parallel_loop3A_586, %parallel_loop3A_590, %parallel_loop3A_596 : vector<16xf32>, vector<16xf32>, vector<16xi32>
      } {sc.loop_unroll_factor = 4 : i64, sc.parallel_access}
      %add3A_567 = arith.addf %parallel_loop3A_566#0, %parallel_loop3A_566#1 : vector<16xf32>
      %mul3A_568 = arith.constant 16 : i32
      %mul3A_569 = arith.muli %scan3A_558, %mul3A_568 : i32
      %add3A_570 = arith.constant 384 : i32
      %add3A_571 = arith.addi %add3A_570, %mul3A_569 : i32
      %swap3A = arith.index_cast %add3A_571 : i32 to index
      %swap3A_572 = tpu.vector_load %arg17[%swap3A] {strides = array<i32>} : memref<512xf32, #tpu.memory_space<vmem>>, vector<16xf32>,
      tpu.vector_store %arg17[%swap3A], %add3A_567 {strides = array<i32>} : memref<512xf32, #tpu.memory_space<vmem>>, vector<16xf32>,
    }
    %scan3A_471 = arith.constant 2 : i32
    %add3A_472 = arith.constant 384 : i32
    %add3A_473 = arith.addi %mul3A_2, %add3A_472 : i32
    %dma_start3A_474 = arith.constant 384 : i32
    %dma_start3A_475 = tpu.memref_slice %arg17[%dma_start3A_474] : memref<512xf32, #tpu.memory_space<vmem>> -> memref<32xf32, #tpu.memory_space<vmem>>
    %dma_start3A_476 = tpu.memref_slice %arg6[%add3A_473] : memref<16384xf32, #tpu.memory_space<hbm>> -> memref<32xf32, #tpu.memory_space<hbm>>
    %dma_start3A_477 = tpu.memref_slice %arg6[%add3A_473] : memref<16384xf32, #tpu.memory_space<hbm>> -> memref<32xf32, #tpu.memory_space<hbm>>
    %dma_start3A_478 = arith.constant 384 : i32
    %dma_start3A_479 = tpu.memref_slice %arg17[%dma_start3A_478] : memref<512xf32, #tpu.memory_space<vmem>> -> memref<32xf32, #tpu.memory_space<vmem>>
    tpu.enqueue_dma source(%dma_start3A_479 : memref<32xf32, #tpu.memory_space<vmem>>) target(%dma_start3A_477 : memref<32xf32, #tpu.memory_space<hbm>>) target_semaphore(%arg27 : memref<!tpu.dma_semaphore, #tpu.memory_space<semaphore_mem>>)
    %dma_wait3A_480 = arith.constant 416 : i32
    %dma_wait3A_481 = tpu.memref_slice %arg7[%dma_wait3A_480] : memref<512xi32, #tpu.memory_space<vmem>> -> memref<32xi32, #tpu.memory_space<vmem>>
    %dma_wait3A_482 = arith.constant 0 : i32
    %dma_wait3A_483 = arith.constant 0 : i32
    %dma_wait3A_484 = tpu.memref_slice %arg4[%dma_wait3A_482, %dma_wait3A_483] : memref<1000000x128xf32, #tpu.memory_space<hbm>> -> memref<1000000x128xf32, #tpu.memory_space<hbm>>
    tpu.wait_indirect_dma semaphore(%arg19 : memref<!tpu.dma_semaphore, #tpu.memory_space<semaphore_mem>>) src(%dma_wait3A_484 : memref<1000000x128xf32, #tpu.memory_space<hbm>>) dst(%arg10 : memref<32x128xf32, #tpu.memory_space<vmem>>)
    %dma_wait3A_485 = arith.constant 416 : i32
    %dma_wait3A_486 = tpu.memref_slice %arg8[%dma_wait3A_485] : memref<512xi32, #tpu.memory_space<vmem>> -> memref<32xi32, #tpu.memory_space<vmem>>
    %dma_wait3A_487 = arith.constant 0 : i32
    %dma_wait3A_488 = arith.constant 0 : i32
    %dma_wait3A_489 = tpu.memref_slice %arg5[%dma_wait3A_487, %dma_wait3A_488] : memref<100000x128xf32, #tpu.memory_space<hbm>> -> memref<100000x128xf32, #tpu.memory_space<hbm>>
    tpu.wait_indirect_dma semaphore(%arg23 : memref<!tpu.dma_semaphore, #tpu.memory_space<semaphore_mem>>) src(%dma_wait3A_489 : memref<100000x128xf32, #tpu.memory_space<hbm>>) dst(%arg14 : memref<32x128xf32, #tpu.memory_space<vmem>>)
    %scan3A_490 = arith.constant 0 : i32
    %scan3A_491 = arith.constant 0 : i32
    %scan3A_492 = arith.constant 2 : i32
    %scan3A_493 = arith.addi %scan3A_491, %scan3A_492 : i32
    %scan3A_494 = arith.constant 1 : i32
    scf.for %scan3A_558 = %scan3A_491 to %scan3A_493 step %scan3A_494  : i32 {
      %mul3A_559 = arith.constant 16 : i32
      %mul3A_560 = arith.muli %scan3A_558, %mul3A_559 : i32
      %add3A_561 = vector.broadcast %mul3A_560 : i32 to vector<16xi32>
      %add3A_562 = arith.addi %add3A_561, %iota3A : vector<16xi32>
      %broadcast_in_dim3A = arith.constant 0.000000e+00 : f32
      %broadcast_in_dim3A_563 = vector.broadcast %broadcast_in_dim3A : f32 to vector<16xf32>
      %parallel_loop3A = arith.constant 0 : i32
      %parallel_loop3A_564 = arith.constant 128 : i32
      %parallel_loop3A_565 = arith.constant 2 : i32
      %parallel_loop3A_566:3 = scf.for %parallel_loop3A_573 = %parallel_loop3A to %parallel_loop3A_564 step %parallel_loop3A_565 iter_args(%parallel_loop3A_574 = %broadcast_in_dim3A_563, %parallel_loop3A_575 = %broadcast_in_dim3A_563, %parallel_loop3A_576 = %iota3A) -> (vector<16xf32>, vector<16xf32>, vector<16xi32>)  : i32 {
        %parallel_loop3A_577 = arith.constant 1 : i32
        %parallel_loop3A_578 = vector.broadcast %parallel_loop3A_577 : i32 to vector<16xi32>
        %parallel_loop3A_579 = arith.addi %parallel_loop3A_576, %parallel_loop3A_578 : vector<16xi32>
        %parallel_loop3A_580 = arith.constant 127 : i32
        %parallel_loop3A_581 = vector.broadcast %parallel_loop3A_580 : i32 to vector<16xi32>
        %parallel_loop3A_582 = arith.andi %parallel_loop3A_579, %parallel_loop3A_581 : vector<16xi32>
        %parallel_loop3A_583 = tpu.vector_load_idx %arg10[%add3A_562, %parallel_loop3A_576] : memref<32x128xf32, #tpu.memory_space<vmem>>[vector<16xi32>, vector<16xi32>], vector<16xf32>,
        %parallel_loop3A_584 = tpu.vector_load_idx %arg14[%add3A_562, %parallel_loop3A_576] : memref<32x128xf32, #tpu.memory_space<vmem>>[vector<16xi32>, vector<16xi32>], vector<16xf32>,
        %parallel_loop3A_585 = arith.mulf %parallel_loop3A_583, %parallel_loop3A_584 : vector<16xf32>
        %parallel_loop3A_586 = arith.addf %parallel_loop3A_574, %parallel_loop3A_585 : vector<16xf32>
        %parallel_loop3A_587 = tpu.vector_load_idx %arg10[%add3A_562, %parallel_loop3A_582] : memref<32x128xf32, #tpu.memory_space<vmem>>[vector<16xi32>, vector<16xi32>], vector<16xf32>,
        %parallel_loop3A_588 = tpu.vector_load_idx %arg14[%add3A_562, %parallel_loop3A_582] : memref<32x128xf32, #tpu.memory_space<vmem>>[vector<16xi32>, vector<16xi32>], vector<16xf32>,
        %parallel_loop3A_589 = arith.mulf %parallel_loop3A_587, %parallel_loop3A_588 : vector<16xf32>
        %parallel_loop3A_590 = arith.addf %parallel_loop3A_575, %parallel_loop3A_589 : vector<16xf32>
        %parallel_loop3A_591 = arith.constant 2 : i32
        %parallel_loop3A_592 = vector.broadcast %parallel_loop3A_591 : i32 to vector<16xi32>
        %parallel_loop3A_593 = arith.addi %parallel_loop3A_576, %parallel_loop3A_592 : vector<16xi32>
        %parallel_loop3A_594 = arith.constant 127 : i32
        %parallel_loop3A_595 = vector.broadcast %parallel_loop3A_594 : i32 to vector<16xi32>
        %parallel_loop3A_596 = arith.andi %parallel_loop3A_593, %parallel_loop3A_595 : vector<16xi32>
        scf.yield %parallel_loop3A_586, %parallel_loop3A_590, %parallel_loop3A_596 : vector<16xf32>, vector<16xf32>, vector<16xi32>
      } {sc.loop_unroll_factor = 4 : i64, sc.parallel_access}
      %add3A_567 = arith.addf %parallel_loop3A_566#0, %parallel_loop3A_566#1 : vector<16xf32>
      %mul3A_568 = arith.constant 16 : i32
      %mul3A_569 = arith.muli %scan3A_558, %mul3A_568 : i32
      %add3A_570 = arith.constant 416 : i32
      %add3A_571 = arith.addi %add3A_570, %mul3A_569 : i32
      %swap3A = arith.index_cast %add3A_571 : i32 to index
      %swap3A_572 = tpu.vector_load %arg17[%swap3A] {strides = array<i32>} : memref<512xf32, #tpu.memory_space<vmem>>, vector<16xf32>,
      tpu.vector_store %arg17[%swap3A], %add3A_567 {strides = array<i32>} : memref<512xf32, #tpu.memory_space<vmem>>, vector<16xf32>,
    }
    %scan3A_495 = arith.constant 2 : i32
    %add3A_496 = arith.constant 416 : i32
    %add3A_497 = arith.addi %mul3A_2, %add3A_496 : i32
    %dma_start3A_498 = arith.constant 416 : i32
    %dma_start3A_499 = tpu.memref_slice %arg17[%dma_start3A_498] : memref<512xf32, #tpu.memory_space<vmem>> -> memref<32xf32, #tpu.memory_space<vmem>>
    %dma_start3A_500 = tpu.memref_slice %arg6[%add3A_497] : memref<16384xf32, #tpu.memory_space<hbm>> -> memref<32xf32, #tpu.memory_space<hbm>>
    %dma_start3A_501 = tpu.memref_slice %arg6[%add3A_497] : memref<16384xf32, #tpu.memory_space<hbm>> -> memref<32xf32, #tpu.memory_space<hbm>>
    %dma_start3A_502 = arith.constant 416 : i32
    %dma_start3A_503 = tpu.memref_slice %arg17[%dma_start3A_502] : memref<512xf32, #tpu.memory_space<vmem>> -> memref<32xf32, #tpu.memory_space<vmem>>
    tpu.enqueue_dma source(%dma_start3A_503 : memref<32xf32, #tpu.memory_space<vmem>>) target(%dma_start3A_501 : memref<32xf32, #tpu.memory_space<hbm>>) target_semaphore(%arg27 : memref<!tpu.dma_semaphore, #tpu.memory_space<semaphore_mem>>)
    %dma_wait3A_504 = arith.constant 448 : i32
    %dma_wait3A_505 = tpu.memref_slice %arg7[%dma_wait3A_504] : memref<512xi32, #tpu.memory_space<vmem>> -> memref<32xi32, #tpu.memory_space<vmem>>
    %dma_wait3A_506 = arith.constant 0 : i32
    %dma_wait3A_507 = arith.constant 0 : i32
    %dma_wait3A_508 = tpu.memref_slice %arg4[%dma_wait3A_506, %dma_wait3A_507] : memref<1000000x128xf32, #tpu.memory_space<hbm>> -> memref<1000000x128xf32, #tpu.memory_space<hbm>>
    tpu.wait_indirect_dma semaphore(%arg20 : memref<!tpu.dma_semaphore, #tpu.memory_space<semaphore_mem>>) src(%dma_wait3A_508 : memref<1000000x128xf32, #tpu.memory_space<hbm>>) dst(%arg11 : memref<32x128xf32, #tpu.memory_space<vmem>>)
    %dma_wait3A_509 = arith.constant 448 : i32
    %dma_wait3A_510 = tpu.memref_slice %arg8[%dma_wait3A_509] : memref<512xi32, #tpu.memory_space<vmem>> -> memref<32xi32, #tpu.memory_space<vmem>>
    %dma_wait3A_511 = arith.constant 0 : i32
    %dma_wait3A_512 = arith.constant 0 : i32
    %dma_wait3A_513 = tpu.memref_slice %arg5[%dma_wait3A_511, %dma_wait3A_512] : memref<100000x128xf32, #tpu.memory_space<hbm>> -> memref<100000x128xf32, #tpu.memory_space<hbm>>
    tpu.wait_indirect_dma semaphore(%arg24 : memref<!tpu.dma_semaphore, #tpu.memory_space<semaphore_mem>>) src(%dma_wait3A_513 : memref<100000x128xf32, #tpu.memory_space<hbm>>) dst(%arg15 : memref<32x128xf32, #tpu.memory_space<vmem>>)
    %scan3A_514 = arith.constant 0 : i32
    %scan3A_515 = arith.constant 0 : i32
    %scan3A_516 = arith.constant 2 : i32
    %scan3A_517 = arith.addi %scan3A_515, %scan3A_516 : i32
    %scan3A_518 = arith.constant 1 : i32
    scf.for %scan3A_558 = %scan3A_515 to %scan3A_517 step %scan3A_518  : i32 {
      %mul3A_559 = arith.constant 16 : i32
      %mul3A_560 = arith.muli %scan3A_558, %mul3A_559 : i32
      %add3A_561 = vector.broadcast %mul3A_560 : i32 to vector<16xi32>
      %add3A_562 = arith.addi %add3A_561, %iota3A : vector<16xi32>
      %broadcast_in_dim3A = arith.constant 0.000000e+00 : f32
      %broadcast_in_dim3A_563 = vector.broadcast %broadcast_in_dim3A : f32 to vector<16xf32>
      %parallel_loop3A = arith.constant 0 : i32
      %parallel_loop3A_564 = arith.constant 128 : i32
      %parallel_loop3A_565 = arith.constant 2 : i32
      %parallel_loop3A_566:3 = scf.for %parallel_loop3A_573 = %parallel_loop3A to %parallel_loop3A_564 step %parallel_loop3A_565 iter_args(%parallel_loop3A_574 = %broadcast_in_dim3A_563, %parallel_loop3A_575 = %broadcast_in_dim3A_563, %parallel_loop3A_576 = %iota3A) -> (vector<16xf32>, vector<16xf32>, vector<16xi32>)  : i32 {
        %parallel_loop3A_577 = arith.constant 1 : i32
        %parallel_loop3A_578 = vector.broadcast %parallel_loop3A_577 : i32 to vector<16xi32>
        %parallel_loop3A_579 = arith.addi %parallel_loop3A_576, %parallel_loop3A_578 : vector<16xi32>
        %parallel_loop3A_580 = arith.constant 127 : i32
        %parallel_loop3A_581 = vector.broadcast %parallel_loop3A_580 : i32 to vector<16xi32>
        %parallel_loop3A_582 = arith.andi %parallel_loop3A_579, %parallel_loop3A_581 : vector<16xi32>
        %parallel_loop3A_583 = tpu.vector_load_idx %arg11[%add3A_562, %parallel_loop3A_576] : memref<32x128xf32, #tpu.memory_space<vmem>>[vector<16xi32>, vector<16xi32>], vector<16xf32>,
        %parallel_loop3A_584 = tpu.vector_load_idx %arg15[%add3A_562, %parallel_loop3A_576] : memref<32x128xf32, #tpu.memory_space<vmem>>[vector<16xi32>, vector<16xi32>], vector<16xf32>,
        %parallel_loop3A_585 = arith.mulf %parallel_loop3A_583, %parallel_loop3A_584 : vector<16xf32>
        %parallel_loop3A_586 = arith.addf %parallel_loop3A_574, %parallel_loop3A_585 : vector<16xf32>
        %parallel_loop3A_587 = tpu.vector_load_idx %arg11[%add3A_562, %parallel_loop3A_582] : memref<32x128xf32, #tpu.memory_space<vmem>>[vector<16xi32>, vector<16xi32>], vector<16xf32>,
        %parallel_loop3A_588 = tpu.vector_load_idx %arg15[%add3A_562, %parallel_loop3A_582] : memref<32x128xf32, #tpu.memory_space<vmem>>[vector<16xi32>, vector<16xi32>], vector<16xf32>,
        %parallel_loop3A_589 = arith.mulf %parallel_loop3A_587, %parallel_loop3A_588 : vector<16xf32>
        %parallel_loop3A_590 = arith.addf %parallel_loop3A_575, %parallel_loop3A_589 : vector<16xf32>
        %parallel_loop3A_591 = arith.constant 2 : i32
        %parallel_loop3A_592 = vector.broadcast %parallel_loop3A_591 : i32 to vector<16xi32>
        %parallel_loop3A_593 = arith.addi %parallel_loop3A_576, %parallel_loop3A_592 : vector<16xi32>
        %parallel_loop3A_594 = arith.constant 127 : i32
        %parallel_loop3A_595 = vector.broadcast %parallel_loop3A_594 : i32 to vector<16xi32>
        %parallel_loop3A_596 = arith.andi %parallel_loop3A_593, %parallel_loop3A_595 : vector<16xi32>
        scf.yield %parallel_loop3A_586, %parallel_loop3A_590, %parallel_loop3A_596 : vector<16xf32>, vector<16xf32>, vector<16xi32>
      } {sc.loop_unroll_factor = 4 : i64, sc.parallel_access}
      %add3A_567 = arith.addf %parallel_loop3A_566#0, %parallel_loop3A_566#1 : vector<16xf32>
      %mul3A_568 = arith.constant 16 : i32
      %mul3A_569 = arith.muli %scan3A_558, %mul3A_568 : i32
      %add3A_570 = arith.constant 448 : i32
      %add3A_571 = arith.addi %add3A_570, %mul3A_569 : i32
      %swap3A = arith.index_cast %add3A_571 : i32 to index
      %swap3A_572 = tpu.vector_load %arg17[%swap3A] {strides = array<i32>} : memref<512xf32, #tpu.memory_space<vmem>>, vector<16xf32>,
      tpu.vector_store %arg17[%swap3A], %add3A_567 {strides = array<i32>} : memref<512xf32, #tpu.memory_space<vmem>>, vector<16xf32>,
    }
    %scan3A_519 = arith.constant 2 : i32
    %add3A_520 = arith.constant 448 : i32
    %add3A_521 = arith.addi %mul3A_2, %add3A_520 : i32
    %dma_start3A_522 = arith.constant 448 : i32
    %dma_start3A_523 = tpu.memref_slice %arg17[%dma_start3A_522] : memref<512xf32, #tpu.memory_space<vmem>> -> memref<32xf32, #tpu.memory_space<vmem>>
    %dma_start3A_524 = tpu.memref_slice %arg6[%add3A_521] : memref<16384xf32, #tpu.memory_space<hbm>> -> memref<32xf32, #tpu.memory_space<hbm>>
    %dma_start3A_525 = tpu.memref_slice %arg6[%add3A_521] : memref<16384xf32, #tpu.memory_space<hbm>> -> memref<32xf32, #tpu.memory_space<hbm>>
    %dma_start3A_526 = arith.constant 448 : i32
    %dma_start3A_527 = tpu.memref_slice %arg17[%dma_start3A_526] : memref<512xf32, #tpu.memory_space<vmem>> -> memref<32xf32, #tpu.memory_space<vmem>>
    tpu.enqueue_dma source(%dma_start3A_527 : memref<32xf32, #tpu.memory_space<vmem>>) target(%dma_start3A_525 : memref<32xf32, #tpu.memory_space<hbm>>) target_semaphore(%arg27 : memref<!tpu.dma_semaphore, #tpu.memory_space<semaphore_mem>>)
    %dma_wait3A_528 = arith.constant 480 : i32
    %dma_wait3A_529 = tpu.memref_slice %arg7[%dma_wait3A_528] : memref<512xi32, #tpu.memory_space<vmem>> -> memref<32xi32, #tpu.memory_space<vmem>>
    %dma_wait3A_530 = arith.constant 0 : i32
    %dma_wait3A_531 = arith.constant 0 : i32
    %dma_wait3A_532 = tpu.memref_slice %arg4[%dma_wait3A_530, %dma_wait3A_531] : memref<1000000x128xf32, #tpu.memory_space<hbm>> -> memref<1000000x128xf32, #tpu.memory_space<hbm>>
    tpu.wait_indirect_dma semaphore(%arg21 : memref<!tpu.dma_semaphore, #tpu.memory_space<semaphore_mem>>) src(%dma_wait3A_532 : memref<1000000x128xf32, #tpu.memory_space<hbm>>) dst(%arg12 : memref<32x128xf32, #tpu.memory_space<vmem>>)
    %dma_wait3A_533 = arith.constant 480 : i32
    %dma_wait3A_534 = tpu.memref_slice %arg8[%dma_wait3A_533] : memref<512xi32, #tpu.memory_space<vmem>> -> memref<32xi32, #tpu.memory_space<vmem>>
    %dma_wait3A_535 = arith.constant 0 : i32
    %dma_wait3A_536 = arith.constant 0 : i32
    %dma_wait3A_537 = tpu.memref_slice %arg5[%dma_wait3A_535, %dma_wait3A_536] : memref<100000x128xf32, #tpu.memory_space<hbm>> -> memref<100000x128xf32, #tpu.memory_space<hbm>>
    tpu.wait_indirect_dma semaphore(%arg25 : memref<!tpu.dma_semaphore, #tpu.memory_space<semaphore_mem>>) src(%dma_wait3A_537 : memref<100000x128xf32, #tpu.memory_space<hbm>>) dst(%arg16 : memref<32x128xf32, #tpu.memory_space<vmem>>)
    %scan3A_538 = arith.constant 0 : i32
    %scan3A_539 = arith.constant 0 : i32
    %scan3A_540 = arith.constant 2 : i32
    %scan3A_541 = arith.addi %scan3A_539, %scan3A_540 : i32
    %scan3A_542 = arith.constant 1 : i32
    scf.for %scan3A_558 = %scan3A_539 to %scan3A_541 step %scan3A_542  : i32 {
      %mul3A_559 = arith.constant 16 : i32
      %mul3A_560 = arith.muli %scan3A_558, %mul3A_559 : i32
      %add3A_561 = vector.broadcast %mul3A_560 : i32 to vector<16xi32>
      %add3A_562 = arith.addi %add3A_561, %iota3A : vector<16xi32>
      %broadcast_in_dim3A = arith.constant 0.000000e+00 : f32
      %broadcast_in_dim3A_563 = vector.broadcast %broadcast_in_dim3A : f32 to vector<16xf32>
      %parallel_loop3A = arith.constant 0 : i32
      %parallel_loop3A_564 = arith.constant 128 : i32
      %parallel_loop3A_565 = arith.constant 2 : i32
      %parallel_loop3A_566:3 = scf.for %parallel_loop3A_573 = %parallel_loop3A to %parallel_loop3A_564 step %parallel_loop3A_565 iter_args(%parallel_loop3A_574 = %broadcast_in_dim3A_563, %parallel_loop3A_575 = %broadcast_in_dim3A_563, %parallel_loop3A_576 = %iota3A) -> (vector<16xf32>, vector<16xf32>, vector<16xi32>)  : i32 {
        %parallel_loop3A_577 = arith.constant 1 : i32
        %parallel_loop3A_578 = vector.broadcast %parallel_loop3A_577 : i32 to vector<16xi32>
        %parallel_loop3A_579 = arith.addi %parallel_loop3A_576, %parallel_loop3A_578 : vector<16xi32>
        %parallel_loop3A_580 = arith.constant 127 : i32
        %parallel_loop3A_581 = vector.broadcast %parallel_loop3A_580 : i32 to vector<16xi32>
        %parallel_loop3A_582 = arith.andi %parallel_loop3A_579, %parallel_loop3A_581 : vector<16xi32>
        %parallel_loop3A_583 = tpu.vector_load_idx %arg12[%add3A_562, %parallel_loop3A_576] : memref<32x128xf32, #tpu.memory_space<vmem>>[vector<16xi32>, vector<16xi32>], vector<16xf32>,
        %parallel_loop3A_584 = tpu.vector_load_idx %arg16[%add3A_562, %parallel_loop3A_576] : memref<32x128xf32, #tpu.memory_space<vmem>>[vector<16xi32>, vector<16xi32>], vector<16xf32>,
        %parallel_loop3A_585 = arith.mulf %parallel_loop3A_583, %parallel_loop3A_584 : vector<16xf32>
        %parallel_loop3A_586 = arith.addf %parallel_loop3A_574, %parallel_loop3A_585 : vector<16xf32>
        %parallel_loop3A_587 = tpu.vector_load_idx %arg12[%add3A_562, %parallel_loop3A_582] : memref<32x128xf32, #tpu.memory_space<vmem>>[vector<16xi32>, vector<16xi32>], vector<16xf32>,
        %parallel_loop3A_588 = tpu.vector_load_idx %arg16[%add3A_562, %parallel_loop3A_582] : memref<32x128xf32, #tpu.memory_space<vmem>>[vector<16xi32>, vector<16xi32>], vector<16xf32>,
        %parallel_loop3A_589 = arith.mulf %parallel_loop3A_587, %parallel_loop3A_588 : vector<16xf32>
        %parallel_loop3A_590 = arith.addf %parallel_loop3A_575, %parallel_loop3A_589 : vector<16xf32>
        %parallel_loop3A_591 = arith.constant 2 : i32
        %parallel_loop3A_592 = vector.broadcast %parallel_loop3A_591 : i32 to vector<16xi32>
        %parallel_loop3A_593 = arith.addi %parallel_loop3A_576, %parallel_loop3A_592 : vector<16xi32>
        %parallel_loop3A_594 = arith.constant 127 : i32
        %parallel_loop3A_595 = vector.broadcast %parallel_loop3A_594 : i32 to vector<16xi32>
        %parallel_loop3A_596 = arith.andi %parallel_loop3A_593, %parallel_loop3A_595 : vector<16xi32>
        scf.yield %parallel_loop3A_586, %parallel_loop3A_590, %parallel_loop3A_596 : vector<16xf32>, vector<16xf32>, vector<16xi32>
      } {sc.loop_unroll_factor = 4 : i64, sc.parallel_access}
      %add3A_567 = arith.addf %parallel_loop3A_566#0, %parallel_loop3A_566#1 : vector<16xf32>
      %mul3A_568 = arith.constant 16 : i32
      %mul3A_569 = arith.muli %scan3A_558, %mul3A_568 : i32
      %add3A_570 = arith.constant 480 : i32
      %add3A_571 = arith.addi %add3A_570, %mul3A_569 : i32
      %swap3A = arith.index_cast %add3A_571 : i32 to index
      %swap3A_572 = tpu.vector_load %arg17[%swap3A] {strides = array<i32>} : memref<512xf32, #tpu.memory_space<vmem>>, vector<16xf32>,
      tpu.vector_store %arg17[%swap3A], %add3A_567 {strides = array<i32>} : memref<512xf32, #tpu.memory_space<vmem>>, vector<16xf32>,
    }
    %scan3A_543 = arith.constant 2 : i32
    %add3A_544 = arith.constant 480 : i32
    %add3A_545 = arith.addi %mul3A_2, %add3A_544 : i32
    %dma_start3A_546 = arith.constant 480 : i32
    %dma_start3A_547 = tpu.memref_slice %arg17[%dma_start3A_546] : memref<512xf32, #tpu.memory_space<vmem>> -> memref<32xf32, #tpu.memory_space<vmem>>
    %dma_start3A_548 = tpu.memref_slice %arg6[%add3A_545] : memref<16384xf32, #tpu.memory_space<hbm>> -> memref<32xf32, #tpu.memory_space<hbm>>
    %dma_start3A_549 = tpu.memref_slice %arg6[%add3A_545] : memref<16384xf32, #tpu.memory_space<hbm>> -> memref<32xf32, #tpu.memory_space<hbm>>
    %dma_start3A_550 = arith.constant 480 : i32
    %dma_start3A_551 = tpu.memref_slice %arg17[%dma_start3A_550] : memref<512xf32, #tpu.memory_space<vmem>> -> memref<32xf32, #tpu.memory_space<vmem>>
    tpu.enqueue_dma source(%dma_start3A_551 : memref<32xf32, #tpu.memory_space<vmem>>) target(%dma_start3A_549 : memref<32xf32, #tpu.memory_space<hbm>>) target_semaphore(%arg27 : memref<!tpu.dma_semaphore, #tpu.memory_space<semaphore_mem>>)
    %scan3A_552 = arith.constant 0 : i32
    %scan3A_553 = arith.constant 0 : i32
    %scan3A_554 = arith.constant 16 : i32
    %scan3A_555 = arith.addi %scan3A_553, %scan3A_554 : i32
    %scan3A_556 = arith.constant 1 : i32
    scf.for %scan3A_558 = %scan3A_553 to %scan3A_555 step %scan3A_556  : i32 {
      %mul3A_559 = arith.constant 32 : i32
      %mul3A_560 = arith.muli %scan3A_558, %mul3A_559 : i32
      %mul3A_561 = arith.constant 32 : i32
      %mul3A_562 = arith.muli %scan3A_558, %mul3A_561 : i32
      %add3A_563 = arith.addi %mul3A_2, %mul3A_562 : i32
      %dma_wait3A_564 = tpu.memref_slice %arg17[%mul3A_560] : memref<512xf32, #tpu.memory_space<vmem>> -> memref<32xf32, #tpu.memory_space<vmem>>
      %dma_wait3A_565 = tpu.memref_slice %arg6[%add3A_563] : memref<16384xf32, #tpu.memory_space<hbm>> -> memref<32xf32, #tpu.memory_space<hbm>>
      %dma_wait3A_566 = tpu.memref_slice %arg6[%add3A_563] : memref<16384xf32, #tpu.memory_space<hbm>> -> memref<32xf32, #tpu.memory_space<hbm>>
      %dma_wait3A_567 = tpu.memref_slice %arg17[%mul3A_560] : memref<512xf32, #tpu.memory_space<vmem>> -> memref<32xf32, #tpu.memory_space<vmem>>
      tpu.wait_dma2 semaphore(%arg27 : memref<!tpu.dma_semaphore, #tpu.memory_space<semaphore_mem>>) src(%dma_wait3A_567 : memref<32xf32, #tpu.memory_space<vmem>>) dst(%dma_wait3A_566 : memref<32xf32, #tpu.memory_space<hbm>>)
    }
    %scan3A_557 = arith.constant 16 : i32
    return
  }
}

</mosaic_0001>

<sc_bundles>
// kernel: kernel.3.cloned.1.call-start
scs
__scs_entry_jumppad:
0x0: {  	(pc) =	sbr.rel $0x88, $3  }
0x1: {  	(tag) =	ssettag $0x0;
	lr =	simm.s32 $0x1  }
0x2: {  	[smem:$0x3F9D] =	sst lr;
	_ =	strace $0xD0000000  }
0x3: {  	_ = 	snop  }
0x4: {  	_ = 	snop  }
0x5: {  	_ = 	snop  }
0x6: {  	_ = 	snop  }
0x7: {  	_ = 	snop  }
__scs_overlays_trampoline_lowered:
0x8: {  	[smem:$0x3FAC] =	sst s0  }
0x9: {  	[smem:$0x3FAD] =	sst s1  }
0xa: {  	[smem:$0x3FAE] =	sst s2  }
0xb: {  	[smem:$0x3FAF] =	sst s3  }
0xc: {  	[smem:$0x3FB0] =	sst s4  }
0xd: {  	[smem:$0x3FB1] =	sst s5  }
0xe: {  	[smem:$0x3FB2] =	sst s6  }
0xf: {  	[smem:$0x3FB3] =	sst s7  }
0x10: {  	[smem:$0x3FB4] =	sst s8  }
0x11: {  	[smem:$0x3FB5] =	sst s9;
	s0 =	simm.s32 @!p0 $0x0  }
0x12: {  	s1 =	sld [smem:$0x3F9B];
	s0 =	simm.s32 @p0 $0x1  }
0x13: {  	[smem:$0x3FB6] =	sst s0;
	s0 =	simm.s32 @!p1 $0x0  }
0x14: {  	s2 =	sld [smem:$0x3F9A];
	s0 =	simm.s32 @p1 $0x1  }
0x15: {  	[smem:$0x3FB7] =	sst s0;
	s0 =	simm.s32 @!p2 $0x0  }
0x16: {  	s3 =	sld [smem:$0x3FDB];
	s0 =	simm.s32 @p2 $0x1  }
0x17: {  	s4 =	simm.s32 $0x1BF5;
	[smem:$0x3FB9] =	sst s0  }
0x18: {  	s0 =	sld [smem:$0x3F9C];
	_ =	swait.ge [sflag:s4], $0x0  }
0x19: {  	s7 =	sld [smem:$0x3F9D]  }
0x1a: {  	s8 =	sadd.s32 $0xFFFFE003, lr  }
0x1b: {  	s9 =	sadd.s32 $0xFFFFFEF7, lr;
	s5 =	simm.s32 $0xFFFFFFFF;
	p2 =	slt.u32 s8, $0xFFFFF086  }
0x1c: {  	p1 =	slt.u32 s9, $0xF7A;
	s5 =	simm.s32 @!p2 $0x0  }
0x1d: {  	s5 =	simm.s32 @p1 $0x1;
	p0 =	seq.s32 s7, s2  }
0x1e: {  	s7 =	smul.u32 @!p0 $0xF7A, s2;
	p2 =	seq.s32 @!p0 s5, $0x0  }
0x1f: {  	s9 =	smul.u32 $0xF7A, s1;
	s8 =	simm.s32 @!p0 $0x1BF5;
	p2 =	por !p2, p0  }
0x20: {  	[sflag:s8] =	ssyncset.s32 @!p0 $0xFFFFF086;
	s6 =	sadd.s32 @!p0 s3, s7;
	s7 =	simm.s32 @!p0 $0x108  }
0x21: {  	s3 =	sadd.s32 s3, s9;
	s6 =	sadd.s32 @!p0 $0x88, s6;
	s7 =	simm.s32 @p2 $0x1082  }
0x22: {  	[simem:s7], [sflag:s8] =	dma.local @!p0 [hbm:s6], $0xF7A  }
0x23: {  	s9 =	sor.u32 $0xD0000000, s2;
	s6 =	simm.s32 $0x108;
	_ =	swait.ge @!p0 [sflag:s8], $0x0  }
0x24: {  	s3 =	sadd.s32 $0x88, s3;
	s6 =	simm.s32 @!p1 $0x1082;
	[sflag:s4] =	ssyncset.s32 $0xFFFFF086  }
0x25: {  	[simem:s6], [sflag:s4] =	dma.local [hbm:s3], $0xF7A  }
0x26: {  	[smem:$0x3F9D] =	sst s1;
	(tag) =	ssettag s2;
	_ =	strace s9  }
0x27: {  	s1 =	sld [smem:$0x3FAD]  }
0x28: {  	s2 =	sld [smem:$0x3FAE]  }
0x29: {  	s4 =	sld [smem:$0x3FB0]  }
0x2a: {  	p0 =	seq.s32 s5, $0x0;
	s5 =	sld [smem:$0x3FB1]  }
0x2b: {  	s6 =	sld [smem:$0x3FB2]  }
0x2c: {  	s7 =	sld [smem:$0x3FB3]  }
0x2d: {  	s3 =	simm.s32 $0x108;
	s8 =	sld [smem:$0x3FB4]  }
0x2e: {  	s3 =	simm.s32 @!p0 $0x1082;
	s9 =	sld [smem:$0x3FB5]  }
0x2f: {  	lr =	sadd.s32 s0, s3;
	s0 =	sld [smem:$0x3FAC]  }
0x30: {  	s3 =	sld [smem:$0x3FAF]  }
0x31: {  	[smem:$0x3FB8] =	sst s10  }
0x32: {  	s10 =	sld [smem:$0x3FB6];
	_ =	sdelay $0x3  }
0x33: {  	p0 =	seq.s32 s10, $0x1;
	s10 =	sld [smem:$0x3FB8];
	_ =	sdelay $0x3  }
0x34: {  	[smem:$0x3FB8] =	sst s10  }
0x35: {  	s10 =	sld [smem:$0x3FB7];
	_ =	sdelay $0x3  }
0x36: {  	p1 =	seq.s32 s10, $0x1;
	s10 =	sld [smem:$0x3FB8];
	_ =	sdelay $0x3  }
0x37: {  	[smem:$0x3FB8] =	sst s10  }
0x38: {  	s10 =	sld [smem:$0x3FB9]  }
0x39: {  	_ = 	snop;
	(pc) =	sbr.ind lr, $3  }
0x3a: {  	_ = 	snop  }
0x3b: {  	_ = 	snop  }
0x3c: {  	p2 =	seq.s32 s10, $0x1;
	s10 =	sld [smem:$0x3FB8]  }
0x3d: {  	_ =	shalt  }
0x3e: {  	_ =	shalt  }
0x3f: {  	_ =	shalt  }
0x40: {  	_ =	shalt  }
0x41: {  	_ =	shalt  }
0x42: {  	_ =	shalt  }
0x43: {  	_ =	shalt  }
0x44: {  	_ =	shalt  }
0x45: {  	_ =	shalt  }
0x46: {  	_ =	shalt  }
0x47: {  	_ =	shalt  }
0x48: {  	_ =	shalt  }
0x49: {  	_ =	shalt  }
0x4a: {  	_ =	shalt  }
0x4b: {  	_ =	shalt  }
0x4c: {  	_ =	shalt  }
0x4d: {  	_ =	shalt  }
0x4e: {  	_ =	shalt  }
0x4f: {  	_ =	shalt  }
0x50: {  	_ =	shalt  }
0x51: {  	_ =	shalt  }
0x52: {  	_ =	shalt  }
0x53: {  	_ =	shalt  }
0x54: {  	_ =	shalt  }
0x55: {  	_ =	shalt  }
0x56: {  	_ =	shalt  }
0x57: {  	_ =	shalt  }
0x58: {  	_ =	shalt  }
0x59: {  	_ =	shalt  }
0x5a: {  	_ =	shalt  }
0x5b: {  	_ =	shalt  }
0x5c: {  	_ =	shalt  }
0x5d: {  	_ =	shalt  }
0x5e: {  	_ =	shalt  }
0x5f: {  	_ =	shalt  }
0x60: {  	_ =	shalt  }
0x61: {  	_ =	shalt  }
0x62: {  	_ =	shalt  }
0x63: {  	_ =	shalt  }
0x64: {  	_ =	shalt  }
0x65: {  	_ =	shalt  }
0x66: {  	_ =	shalt  }
0x67: {  	_ =	shalt  }
0x68: {  	_ =	shalt  }
0x69: {  	_ =	shalt  }
0x6a: {  	_ =	shalt  }
0x6b: {  	_ =	shalt  }
0x6c: {  	_ =	shalt  }
0x6d: {  	_ =	shalt  }
0x6e: {  	_ =	shalt  }
0x6f: {  	_ =	shalt  }
0x70: {  	_ =	shalt  }
0x71: {  	_ =	shalt  }
0x72: {  	_ =	shalt  }
0x73: {  	_ =	shalt  }
0x74: {  	_ =	shalt  }
0x75: {  	_ =	shalt  }
0x76: {  	_ =	shalt  }
0x77: {  	_ =	shalt  }
0x78: {  	_ =	shalt  }
0x79: {  	_ =	shalt  }
0x7a: {  	_ =	shalt  }
0x7b: {  	_ =	shalt  }
0x7c: {  	_ =	shalt  }
0x7d: {  	_ =	shalt  }
0x7e: {  	_ =	shalt  }
0x7f: {  	_ =	shalt  }
0x80: {  	_ =	shalt  }
0x81: {  	_ =	shalt  }
0x82: {  	_ =	shalt  }
0x83: {  	_ =	shalt  }
0x84: {  	_ =	shalt  }
0x85: {  	_ =	shalt  }
0x86: {  	_ =	shalt  }
0x87: {  	_ =	shalt  }
.Lfunc_end0:
.L_simem_size_0:
called_computation_lowered:
.L_overlay_start_0:
0x88: {  	s2 =	sld [smem:$0x3FD9]  }
0x89: {  	s3 =	sld [smem:$0x3FFE];
	_ =	sdelay $0x1  }
0x8a: {  	s1 =	srdreg.scid  }
0x8b: {  	s0 =	sand.u32 $0x1, s1  }
0x8c: {  	s18 =	sshll.u32 s0, $0xA;
	s2 =	sadd.s32 s3, s2  }
0x8d: {  	s2 =	sadd.s32 s2, s18  }
0x8e: {  	[smem:$0x3FC4] =	sst s2  }
0x8f: {  	_ = 	snop  }
0x90: {  	s2 =	sld [smem:$0x3FC9]  }
0x91: {  	s19 =	sld [smem:$0x3FC8]  }
0x92: {  	s4 =	sld [smem:$0x3FC7]  }
0x93: {  	s5 =	sld [smem:$0x3FC6]  }
0x94: {  	s6 =	sld [smem:$0x3FD0];
	(tm) =	ssettm $0x1  }
0x95: {  	s7 =	sld [smem:$0x3FFB];
	_ =	sdelay $0x3  }
0x96: {  	_ =	strace s7  }
0x97: {  	s7 =	sld [smem:$0x3FFC];
	_ =	sdelay $0x3  }
0x98: {  	_ =	strace s7  }
0x99: {  	s7 =	sld [smem:$0x3FFD];
	_ =	sdelay $0x3  }
0x9a: {  	_ =	strace s7  }
0x9b: {  	_ =	strace $0x8FFFFFFF  }
0x9c: {  	s20 =	sld [smem:$0x3FDB];
	_ =	sdelay $0x1  }
0x9d: {  	s8 =	simm.s32 $_scs_section_size  }
0x9e: {  	s9 =	simm.s32 $_size__tile_overlayer_lowered;
	s10 =	simm.s32 $_tile_overlayer_lowered  }
0x9f: {  	s23 =	simm.s32 $0x1BFF;
	s22 =	sshll.u32 s10, $0x1;
	s7 =	sadd.s32 s8, s20  }
0xa0: {  	s11 =	simm.s32 $0x0;
	s21 =	sshll.u32 s9, $0x1;
	s9 =	sadd.s32 s22, s7  }
0xa1: {  	[timem:s11], [sflag:s23] =	dma.local [hbm:s9], s21  }
0xa2: {  	_ =	swait.ge [sflag:s23], s21  }
0xa3: {  	s8 =	ssub.s32 $0x0, s21;
	[sflag:s23] =	ssyncset.done $0x0  }
0xa4: {  	[sflag:s23] =	ssyncadd.s32 s8;
	_ =	sdelay $0x1  }
0xa5: {  	s24 =	simm.s32 $0x1B8B  }
0xa6: {  	_ =	swait.ge [sflag:s24], $0x1  }
0xa7: {  	[sflag:s24] =	ssyncset.done $0x0  }
0xa8: {  	s25 =	simm.s32 $0x1B8E;
	[sflag:s24] =	ssyncadd.s32 $0xFFFFFFFF  }
0xa9: {  	s26 =	simm.s32 $execute0_lowered;
	[smem:$0x3FD2] =	sst s25  }
0xaa: {  	s8 =	sshll.u32 s26, $0x1;
	_ =	strace $0x80000046;
	[dreg:$0x1] =	wrdreg $0xFFFFFFFF  }
0xab: {  	s28 =	simm.s32 $_size_execute0_lowered;
	s7 =	sadd.s32 s7, s8;
	[dreg:$0x0] =	wrdreg $0x0  }
0xac: {  	s8 =	sshll.u32 s28, $0x1;
	[dreg:$0x2] =	wrdreg s7  }
0xad: {  	[dreg:$0x3] =	wrdreg s8  }
0xae: {  	[dreg:$0x4] =	wrdreg $0xC0  }
0xaf: {  	_ =	task [dreg:s11], $0x5FFFF  }
0xb0: {  	[dreg:$0x1] =	wrdreg $0xFFFFFFFF  }
0xb1: {  	[dreg:$0x0] =	wrdreg $0x60  }
0xb2: {  	[dreg:$0x2] =	wrdreg s2  }
0xb3: {  	[dreg:$0x3] =	wrdreg s19  }
0xb4: {  	[dreg:$0x4] =	wrdreg s4  }
0xb5: {  	[dreg:$0x5] =	wrdreg s5  }
0xb6: {  	[dreg:$0x6] =	wrdreg s6  }
0xb7: {  	[dreg:$0x7] =	wrdreg $0x9  }
0xb8: {  	_ =	task.clear_ibuf [dreg:s11], $0x8FFFF;
	_ =	strace $0x90000046  }
0xb9: {  	s29 =	simm.s32 $0x9;
	_ =	strace $0x80000048  }
0xba: {  	_ =	swait.ge [sflag:s29], $0x1  }
0xbb: {  	[sflag:s29] =	ssyncadd.s32 $0xFFFFFFFF  }
0xbc: {  	_ =	strace $0x90000048  }
0xbd: {  	_ =	sfence  }
0xbe: {  	s30 =	sld [smem:$0x0];
	_ =	sdelay $0x2  }
0xbf: {  	s31 =	sshll.u32 s1, $0xD;
	s1 =	sshrl.u32 s1, $0x2  }
0xc0: {  	s3 =	sand.u32 $0x4000, s31;
	s1 =	sadd.s32 s1, s30  }
0xc1: {  	s0 =	sor.u32 s3, s0;
	s1 =	sshll.u32 s1, $0x11  }
0xc2: {  	s0 =	sor.u32 s1, s0  }
0xc3: {  	s0 =	sadd.s32 $0x8F2B, s0  }
0xc4: {  	[sflag:s0] =	ssyncadd.remote.s32 $0x1  }
0xc5: {  	_ =	sfence.sel $0xFFFF  }
0xc6: {  	[dreg:$0x0] =	wrdreg $0xFFFFFFFF;
	(pc) =	sbr.abs _section_cstart, $3  }
0xc7: {  	[dreg:$0x1] =	wrdreg $0xFFFFFFFF  }
0xc8: {  	_ =	task.clear_ibuf [dreg:s11], $0x2FFFF;
	_ =	strace $0x9FFFFFFF  }
0xc9: {  	(tm) =	ssettm $0x7FFFFFFF  }
tec
execute0_lowered:
.L_overlay_start_1:
0x0: {  	(tag) =	ssettag $0x1  }
0x1: {  	s0 =	rddreg [dreg:$0x0]  }
0x2: {  	s3 =	rddreg [dreg:$0x1]  }
0x3: {  	s1 =	rddreg [dreg:$0x2]  }
0x4: {  	s2 =	rddreg [dreg:$0x3]  }
0x5: {  	s5 =	rddreg [dreg:$0x4];
	s6 =	srdreg.scid;
	s4 =	simm.s32 $0x0  }
0x6: {  	s8 =	stileid.u32;
	s28 =	simm.s32 $0x400;
	s6 =	sand.u32 $0x1, s6  }
0x7: {  	s8 =	sshll.u32 s8, $0x7;
	s7 =	ssub.s32 $0x2, s6;
	s6 =	sshll.u32 s6, $0x6  }
0x8: {  	s29 =	simm.s32 $0x4400;
	[smem:$0x7FF] =	sst s4;
	s6 =	sor.u32 s6, s8  }
0x9: {  	s30 =	simm.s32 $0x1400;
	_ =	strace $0x80000047;
	s0 =	sadd.s32 s0, s6  }
0xa: {  	s5 =	sadd.s32 s5, s6;
	s14 =	sadd.s32 s3, s6;
	[dreg:$0x6] =	wrdreg s0  }
0xb: {  	s31 =	simm.s32 $0x2400;
	[dreg:$0x7] =	wrdreg s14;
	s15 =	sadd.s32 $0x4, s5  }
0xc: {  	s10 =	simm.s32 $0x6;
	s16 =	sadd.s32 $0x8, s5;
	[dreg:$0x8] =	wrdreg s15  }
0xd: {  	s11 =	simm.s32 $0x3;
	s17 =	sadd.s32 $0xC, s5;
	[dreg:$0x9] =	wrdreg s16  }
0xe: {  	s12 =	simm.s32 $0x7;
	s18 =	sadd.s32 $0x10, s5;
	[dreg:$0xa] =	wrdreg s17  }
0xf: {  	s13 =	simm.s32 $0x4;
	s19 =	sadd.s32 $0x14, s5;
	[dreg:$0xb] =	wrdreg s18  }
0x10: {  	s9 =	sshrl.u32 s7, $0x1;
	s20 =	sadd.s32 $0x18, s5;
	[dreg:$0xc] =	wrdreg s19  }
0x11: {  	s8 =	simm.s32 $0x7400;
	s21 =	sadd.s32 $0x1C, s5;
	[dreg:$0xd] =	wrdreg s20  }
0x12: {  	s7 =	ssub.s32 s7, s9;
	s22 =	sadd.s32 $0x20, s5;
	[dreg:$0xe] =	wrdreg s21  }
0x13: {  	s3 =	simm.s32 $0x6400;
	s23 =	sadd.s32 $0x24, s5;
	[dreg:$0xf] =	wrdreg s22  }
0x14: {  	s6 =	simm.s32 $0x5;
	s24 =	sadd.s32 $0x28, s5;
	[dreg:$0x10] =	wrdreg s23  }
0x15: {  	s9 =	simm.s32 $0x2;
	s25 =	sadd.s32 $0x2C, s5;
	[dreg:$0x11] =	wrdreg s24  }
0x16: {  	s26 =	sadd.s32 $0x30, s5;
	s0 =	simm.s32 $0x5400;
	[dreg:$0x12] =	wrdreg s25  }
0x17: {  	s14 =	simm.s32 $0x8;
	[dreg:$0x13] =	wrdreg s26;
	s20 =	sadd.s32 $0x34, s5  }
0x18: {  	s21 =	sadd.s32 $0x38, s5;
	s22 =	sadd.s32 $0x3C, s5;
	s23 =	smax.u32 s7, $0x1  }
0x19: {  	s25 =	simm.s32 $0x9;
	s26 =	simm.s32 $0x20;
	s24 =	simm.s32 $0x1  }
0x1a: {  	s7 =	simm.s32 $0x3400;
	s15 =	simm.s32 $0xA;
	s16 =	simm.s32 $0x0  }
.LBB2_1:
0x1b: {  	s17 =	rddreg [dreg:$0x6]  }
0x1c: {  	[tilespmem:s4], [sflag:$0x9] =	stream.linear.gather [hbm4b:s17+s4], $0x200, $0x38;
	[tilespmem:$0x8600] =	vst v63  }
0x1d: {  	s19 =	rddreg [dreg:$0x7];
	s18 =	simm.s32 $0x200  }
0x1e: {  	[tilespmem:s18], [sflag:$0x9] =	stream.linear.gather [hbm4b:s19+s4], $0x200, $0x38;
	[tilespmem:$0x8600] =	vst v63  }
0x1f: {  	_ =	swait.ge [sflag:s25], $0x200  }
0x20: {  	[sflag:s25] =	ssyncset.done $0x0  }
0x21: {  	[sflag:s25] =	ssyncadd.s32 $0xFFFFFE00  }
0x22: {  	_ =	swait.ge [sflag:s25], $0x200  }
0x23: {  	[sflag:s25] =	ssyncset.done $0x0  }
0x24: {  	[sflag:s25] =	ssyncadd.s32 $0xFFFFFE00  }
0x25: {  	[tilespmem:s28], [sflag:$0x1] =	stream.indirect.gather [hbm4b:s1+s26], $0x80, s4, s26, $0xb8;
	[tilespmem:$0x8600] =	vst v63  }
0x26: {  	_ = 	snop  }
0x27: {  	[tilespmem:s29], [sflag:$0x5] =	stream.indirect.gather [hbm4b:s2+s26], $0x80, s18, s26, $0xb8;
	[tilespmem:$0x8600] =	vst v63  }
0x28: {  	_ = 	snop  }
0x29: {  	[tilespmem:s30], [sflag:$0x2] =	stream.indirect.gather [hbm4b:s1+s26], $0x80, s26, s26, $0xb8;
	[tilespmem:$0x8600] =	vst v63  }
0x2a: {  	s19 =	simm.s32 $0x220  }
0x2b: {  	[tilespmem:s0], [sflag:$0x6] =	stream.indirect.gather [hbm4b:s2+s26], $0x80, s19, s26, $0xb8;
	[tilespmem:$0x8600] =	vst v63  }
0x2c: {  	s18 =	simm.s32 $0x40  }
0x2d: {  	[tilespmem:s31], [sflag:$0x3] =	stream.indirect.gather [hbm4b:s1+s26], $0x80, s18, s26, $0xb8;
	[tilespmem:$0x8600] =	vst v63  }
0x2e: {  	s19 =	simm.s32 $0x240  }
0x2f: {  	[tilespmem:s3], [sflag:$0x7] =	stream.indirect.gather [hbm4b:s2+s26], $0x80, s19, s26, $0xb8;
	[tilespmem:$0x8600] =	vst v63  }
0x30: {  	_ =	swait.ge [sflag:s24], $0x1000  }
0x31: {  	[sflag:s24] =	ssyncset.done $0x0  }
0x32: {  	[sflag:s24] =	ssyncadd.s32 $0xFFFFF000  }
0x33: {  	_ =	swait.ge [sflag:s6], $0x1000  }
0x34: {  	[sflag:s6] =	ssyncset.done $0x0  }
0x35: {  	s18 =	simm.s32 $0x60;
	[sflag:s6] =	ssyncadd.s32 $0xFFFFF000  }
0x36: {  	[tilespmem:s7], [sflag:$0x4] =	stream.indirect.gather [hbm4b:s1+s26], $0x80, s18, s26, $0xb8;
	[tilespmem:$0x8600] =	vst v63  }
0x37: {  	p1 =	por $0x1, $0x1;
	s17 =	simm.s32 $0x0;
	s19 =	simm.s32 $0x260  }
0x38: {  	[tilespmem:s8], [sflag:$0x8] =	stream.indirect.gather [hbm4b:s2+s26], $0x80, s19, s26, $0xb8;
	[tilespmem:$0x8600] =	vst v63  }
.LBB2_2:
0x39: {  	v9 =	vlaneseq.u32  }
0x3a: {  	v0 =	vmov s17;
	v1 =	vmul.u32 $0x80, v9  }
0x3b: {  	v0 =	vshll.u32 v0, $0x7;
	v2 =	vadd.s32 $0x1, v9  }
0x3c: {  	v2 =	vand.u32 $0x7F, v2;
	v0 =	vor.u32 v1, v0  }
0x3d: {  	v2 =	vor.u32 v0, v2  }
0x3e: {  	v4 =	vadd.s32 $0x3, v9;
	v1 =	vadd.s32 $0x5, v9;
	v6 =	vor.u32 v0, v9  }
0x3f: {  	v7 =	vadd.s32 $0x4, v9;
	v4 =	vand.u32 $0x7F, v4;
	v1 =	vand.u32 $0x7F, v1  }
0x40: {  	v11 =	vor.u32 v0, v4;
	v5 =	vor.u32 v0, v1;
	v1 =	vadd.s32 $0x2, v9  }
0x41: {  	v7 =	vand.u32 $0x7F, v7;
	v1 =	vand.u32 $0x7F, v1  }
0x42: {  	v8 =	vor.u32 v0, v7;
	v3 =	vor.u32 v0, v1;
	v1 =	vld.idx.msk [tilespmem:v2+s28+$0x0], $0xffff  }
0x43: {  	v13 =	vld.idx.msk [tilespmem:v6+s28+$0x0], $0xffff  }
0x44: {  	v15 =	vld.idx.msk [tilespmem:v6+s29+$0x0], $0xffff  }
0x45: {  	v12 =	vadd.s32 $0x6, v9;
	v14 =	vld.idx.msk [tilespmem:v11+s29+$0x0], $0xffff  }
0x46: {  	v12 =	vand.u32 $0x7F, v12;
	v16 =	vld.idx.msk [tilespmem:v11+s28+$0x0], $0xffff  }
0x47: {  	v17 =	vor.u32 v0, v12;
	v6 =	vadd.s32 $0x7, v9;
	v11 =	vadd.s32 $0x8, v9;
	v9 =	vld.idx.msk [tilespmem:v8+s28+$0x0], $0xffff  }
0x48: {  	v4 =	vld.idx.msk [tilespmem:v5+s29+$0x0], $0xffff  }
0x49: {  	v10 =	vimm.f32 $0.0e+00;
	v5 =	vld.idx.msk [tilespmem:v5+s28+$0x0], $0xffff;
	v6 =	vand.u32 $0x7F, v6  }
0x4a: {  	p0 =	por p1, p1;
	s18 =	simm.s32 $0x0;
	v12 =	vimm.f32 $0.0e+00;
	v11 =	vand.u32 $0x7F, v11;
	v6 =	vor.u32 v0, v6;
	v7 =	vld.idx.msk [tilespmem:v3+s29+$0x0], $0xffff  }
.LBB2_3:
0x4b: {  	v18 =	vadd.s32 $0x1, v11;
	v19 =	vadd.s32 $0x2, v11;
	v20 =	vadd.s32 $0x5, v11;
	s18 =	sadd.s32 $0x8, s18;
	v21 =	vld.idx.msk [tilespmem:v2+s29+$0x0], $0xffff  }
0x4c: {  	v13 =	vmul.f32 v15, v13;
	v2 =	vand.u32 $0x7F, v18;
	v18 =	vand.u32 $0x7F, v19;
	p1 =	slt.u32 s18, $0x78;
	v15 =	vld.idx.msk [tilespmem:v17+s28+$0x0], $0xffff  }
0x4d: {  	v19 =	vand.u32 $0x7F, v20;
	v20 =	vadd.s32 $0x7, v11;
	v2 =	vor.u32 v0, v2;
	v17 =	vld.idx.msk [tilespmem:v17+s29+$0x0], $0xffff  }
0x4e: {  	v22 =	vor.u32 v0, v11;
	v19 =	vor.u32 v0, v19;
	v20 =	vand.u32 $0x7F, v20;
	v23 =	vld.idx.msk [tilespmem:v3+s28+$0x0], $0xffff  }
0x4f: {  	v24 =	vadd.s32 $0x3, v11;
	v3 =	vor.u32 v0, v18;
	v14 =	vmul.f32 v14, v16;
	v16 =	vld.idx.msk [tilespmem:v8+s29+$0x0], $0xffff  }
0x50: {  	v18 =	vor.u32 v0, v20;
	v8 =	vand.u32 $0x7F, v24;
	v20 =	vld.idx.msk [tilespmem:v6+s28+$0x0], $0xffff  }
0x51: {  	v25 =	vmul.f32 v4, v5;
	v24 =	vor.u32 v0, v8;
	v8 =	vadd.s32 $0x4, v11;
	v26 =	vld.idx.msk [tilespmem:v6+s29+$0x0], $0xffff;
	v6 =	vmovc v18  }
0x52: {  	v4 =	vand.u32 $0x7F, v8;
	v18 =	vmul.f32 v21, v1;
	v1 =	vld.idx.msk [tilespmem:v2+s28+$0x0], $0xffff  }
0x53: {  	v8 =	vor.u32 v0, v4;
	v21 =	vmul.f32 v17, v15;
	v4 =	vld.idx.msk [tilespmem:v19+s29+$0x0], $0xffff  }
0x54: {  	v10 =	vadd.f32 v13, v10;
	v12 =	vadd.f32 v18, v12;
	v7 =	vmul.f32 v7, v23;
	v5 =	vld.idx.msk [tilespmem:v19+s28+$0x0], $0xffff  }
0x55: {  	v17 =	vadd.s32 $0x6, v11;
	v9 =	vmul.f32 v16, v9;
	v13 =	vld.idx.msk [tilespmem:v22+s28+$0x0], $0xffff  }
.Ltmp0:
0x56: {  	v16 =	vand.u32 $0x7F, v17;
	v10 =	vadd.f32 v7, v10;
	v12 =	vadd.f32 v14, v12;
	v15 =	vld.idx.msk [tilespmem:v22+s29+$0x0], $0xffff;
	(pc) =	sbr.rel @p1 .LBB2_3-.Ltmp0, $4  }
0x57: {  	v17 =	vor.u32 v0, v16;
	v18 =	vmul.f32 v26, v20;
	v7 =	vld.idx.msk [tilespmem:v3+s29+$0x0], $0xffff  }
0x58: {  	v10 =	vadd.f32 v9, v10;
	v12 =	vadd.f32 v25, v12;
	v14 =	vld.idx.msk [tilespmem:v24+s29+$0x0], $0xffff  }
0x59: {  	v11 =	vadd.s32 $0x8, v11;
	v16 =	vld.idx.msk [tilespmem:v24+s28+$0x0], $0xffff  }
0x5a: {  	v11 =	vand.u32 $0x7F, v11;
	v10 =	vadd.f32 v21, v10;
	v12 =	vadd.f32 v18, v12;
	v9 =	vld.idx.msk [tilespmem:v8+s28+$0x0], $0xffff  }
0x5b: {  	_ =	sdelay $0x3  }
0x5c: {  	v0 =	vld.idx.msk [tilespmem:v2+s29+$0x0], $0xffff  }
0x5d: {  	v60 =	vld.idx.msk [tilespmem:v17+s28+$0x0], $0xffff  }
0x5e: {  	v3 =	vld.idx.msk [tilespmem:v3+s28+$0x0], $0xffff  }
0x5f: {  	v11 =	vld.idx.msk [tilespmem:v17+s29+$0x0], $0xffff  }
0x60: {  	v8 =	vld.idx.msk [tilespmem:v8+s29+$0x0], $0xffff;
	v13 =	vmul.f32 v15, v13  }
0x61: {  	v61 =	vld.idx.msk [tilespmem:v6+s28+$0x0], $0xffff;
	v0 =	vmul.f32 v0, v1  }
0x62: {  	v62 =	vld.idx.msk [tilespmem:v6+s29+$0x0], $0xffff;
	v10 =	vadd.f32 v13, v10  }
0x63: {  	v14 =	vmul.f32 v14, v16;
	v3 =	vmul.f32 v7, v3;
	v0 =	vadd.f32 v0, v12  }
0x64: {  	v4 =	vmul.f32 v4, v5  }
0x65: {  	v63 =	vmul.f32 v8, v9;
	v3 =	vadd.f32 v3, v10;
	v0 =	vadd.f32 v14, v0  }
0x66: {  	v2 =	vmul.f32 v11, v60  }
0x67: {  	v1 =	vmul.f32 v62, v61;
	v3 =	vadd.f32 v63, v3;
	v0 =	vadd.f32 v4, v0;
	_ =	sdelay $0x1  }
.Ltmp1:
0x68: {  	v2 =	vadd.f32 v2, v3;
	v0 =	vadd.f32 v1, v0;
	(pc) =	sbr.rel @p0 .LBB2_2-.Ltmp1, $3  }
0x69: {  	_ = 	snop  }
0x6a: {  	v0 =	vadd.f32 v0, v2;
	_ =	sdelay $0x1  }
0x6b: {  	p1 =	por $0x0, $0x0;
	[tilespmem:s17+$0x8400] =	vst v0;
	s17 =	simm.s32 $0x10  }
0x6c: {  	s17 =	simm.s32 $0x0;
	s18 =	simm.s32 $0x8400  }
0x6d: {  	[hbm4b:s5+s17] =	stream.linear.scatter [tilespmem:s18], [sflag:$0xA], $0x20, $0x38;
	[tilespmem:$0x8600] =	vst v63  }
0x6e: {  	_ =	swait.ge [sflag:s9], $0x1000  }
0x6f: {  	[sflag:s9] =	ssyncset.done $0x0  }
0x70: {  	[sflag:s9] =	ssyncadd.s32 $0xFFFFF000  }
0x71: {  	_ =	swait.ge [sflag:s10], $0x1000  }
0x72: {  	[sflag:s10] =	ssyncset.done $0x0  }
0x73: {  	s19 =	simm.s32 $0x80;
	[sflag:s10] =	ssyncadd.s32 $0xFFFFF000  }
0x74: {  	[tilespmem:s28], [sflag:$0x1] =	stream.indirect.gather [hbm4b:s1+s26], $0x80, s19, s26, $0xb8;
	[tilespmem:$0x8600] =	vst v63  }
0x75: {  	p1 =	por $0x1, $0x1;
	s19 =	simm.s32 $0x280  }
0x76: {  	[tilespmem:s29], [sflag:$0x5] =	stream.indirect.gather [hbm4b:s2+s26], $0x80, s19, s26, $0xb8;
	[tilespmem:$0x8600] =	vst v63  }
.LBB2_6:
0x77: {  	v9 =	vlaneseq.u32  }
0x78: {  	v0 =	vmov s17;
	v1 =	vmul.u32 $0x80, v9  }
0x79: {  	v0 =	vshll.u32 v0, $0x7;
	v2 =	vadd.s32 $0x1, v9  }
0x7a: {  	v2 =	vand.u32 $0x7F, v2;
	v0 =	vor.u32 v1, v0  }
0x7b: {  	v2 =	vor.u32 v0, v2  }
0x7c: {  	v4 =	vadd.s32 $0x3, v9;
	v1 =	vadd.s32 $0x5, v9;
	v6 =	vor.u32 v0, v9  }
0x7d: {  	v7 =	vadd.s32 $0x4, v9;
	v4 =	vand.u32 $0x7F, v4;
	v1 =	vand.u32 $0x7F, v1  }
0x7e: {  	v11 =	vor.u32 v0, v4;
	v5 =	vor.u32 v0, v1;
	v1 =	vadd.s32 $0x2, v9  }
0x7f: {  	v7 =	vand.u32 $0x7F, v7;
	v1 =	vand.u32 $0x7F, v1  }
0x80: {  	v8 =	vor.u32 v0, v7;
	v3 =	vor.u32 v0, v1;
	v1 =	vld.idx.msk [tilespmem:v2+s30+$0x0], $0xffff  }
0x81: {  	v13 =	vld.idx.msk [tilespmem:v6+s30+$0x0], $0xffff  }
0x82: {  	v15 =	vld.idx.msk [tilespmem:v6+s0+$0x0], $0xffff  }
0x83: {  	v12 =	vadd.s32 $0x6, v9;
	v14 =	vld.idx.msk [tilespmem:v11+s0+$0x0], $0xffff  }
0x84: {  	v12 =	vand.u32 $0x7F, v12;
	v16 =	vld.idx.msk [tilespmem:v11+s30+$0x0], $0xffff  }
0x85: {  	v17 =	vor.u32 v0, v12;
	v6 =	vadd.s32 $0x7, v9;
	v11 =	vadd.s32 $0x8, v9;
	v9 =	vld.idx.msk [tilespmem:v8+s30+$0x0], $0xffff  }
0x86: {  	v4 =	vld.idx.msk [tilespmem:v5+s0+$0x0], $0xffff  }
0x87: {  	v10 =	vimm.f32 $0.0e+00;
	v5 =	vld.idx.msk [tilespmem:v5+s30+$0x0], $0xffff;
	v6 =	vand.u32 $0x7F, v6  }
0x88: {  	p0 =	por p1, p1;
	s18 =	simm.s32 $0x0;
	v12 =	vimm.f32 $0.0e+00;
	v11 =	vand.u32 $0x7F, v11;
	v6 =	vor.u32 v0, v6;
	v7 =	vld.idx.msk [tilespmem:v3+s0+$0x0], $0xffff  }
.LBB2_7:
0x89: {  	v18 =	vadd.s32 $0x1, v11;
	v19 =	vadd.s32 $0x2, v11;
	v20 =	vadd.s32 $0x5, v11;
	s18 =	sadd.s32 $0x8, s18;
	v21 =	vld.idx.msk [tilespmem:v2+s0+$0x0], $0xffff  }
0x8a: {  	v13 =	vmul.f32 v15, v13;
	v2 =	vand.u32 $0x7F, v18;
	v18 =	vand.u32 $0x7F, v19;
	p1 =	slt.u32 s18, $0x78;
	v15 =	vld.idx.msk [tilespmem:v17+s30+$0x0], $0xffff  }
0x8b: {  	v19 =	vand.u32 $0x7F, v20;
	v20 =	vadd.s32 $0x7, v11;
	v2 =	vor.u32 v0, v2;
	v17 =	vld.idx.msk [tilespmem:v17+s0+$0x0], $0xffff  }
0x8c: {  	v22 =	vor.u32 v0, v11;
	v19 =	vor.u32 v0, v19;
	v20 =	vand.u32 $0x7F, v20;
	v23 =	vld.idx.msk [tilespmem:v3+s30+$0x0], $0xffff  }
0x8d: {  	v24 =	vadd.s32 $0x3, v11;
	v3 =	vor.u32 v0, v18;
	v14 =	vmul.f32 v14, v16;
	v16 =	vld.idx.msk [tilespmem:v8+s0+$0x0], $0xffff  }
0x8e: {  	v18 =	vor.u32 v0, v20;
	v8 =	vand.u32 $0x7F, v24;
	v20 =	vld.idx.msk [tilespmem:v6+s30+$0x0], $0xffff  }
0x8f: {  	v25 =	vmul.f32 v4, v5;
	v24 =	vor.u32 v0, v8;
	v8 =	vadd.s32 $0x4, v11;
	v26 =	vld.idx.msk [tilespmem:v6+s0+$0x0], $0xffff;
	v6 =	vmovc v18  }
0x90: {  	v4 =	vand.u32 $0x7F, v8;
	v18 =	vmul.f32 v21, v1;
	v1 =	vld.idx.msk [tilespmem:v2+s30+$0x0], $0xffff  }
0x91: {  	v8 =	vor.u32 v0, v4;
	v21 =	vmul.f32 v17, v15;
	v4 =	vld.idx.msk [tilespmem:v19+s0+$0x0], $0xffff  }
0x92: {  	v10 =	vadd.f32 v13, v10;
	v12 =	vadd.f32 v18, v12;
	v7 =	vmul.f32 v7, v23;
	v5 =	vld.idx.msk [tilespmem:v19+s30+$0x0], $0xffff  }
0x93: {  	v17 =	vadd.s32 $0x6, v11;
	v9 =	vmul.f32 v16, v9;
	v13 =	vld.idx.msk [tilespmem:v22+s30+$0x0], $0xffff  }
.Ltmp2:
0x94: {  	v16 =	vand.u32 $0x7F, v17;
	v10 =	vadd.f32 v7, v10;
	v12 =	vadd.f32 v14, v12;
	v15 =	vld.idx.msk [tilespmem:v22+s0+$0x0], $0xffff;
	(pc) =	sbr.rel @p1 .LBB2_7-.Ltmp2, $4  }
0x95: {  	v17 =	vor.u32 v0, v16;
	v18 =	vmul.f32 v26, v20;
	v7 =	vld.idx.msk [tilespmem:v3+s0+$0x0], $0xffff  }
0x96: {  	v10 =	vadd.f32 v9, v10;
	v12 =	vadd.f32 v25, v12;
	v14 =	vld.idx.msk [tilespmem:v24+s0+$0x0], $0xffff  }
0x97: {  	v11 =	vadd.s32 $0x8, v11;
	v16 =	vld.idx.msk [tilespmem:v24+s30+$0x0], $0xffff  }
0x98: {  	v11 =	vand.u32 $0x7F, v11;
	v10 =	vadd.f32 v21, v10;
	v12 =	vadd.f32 v18, v12;
	v9 =	vld.idx.msk [tilespmem:v8+s30+$0x0], $0xffff  }
0x99: {  	_ =	sdelay $0x3  }
0x9a: {  	v0 =	vld.idx.msk [tilespmem:v2+s0+$0x0], $0xffff  }
0x9b: {  	v60 =	vld.idx.msk [tilespmem:v17+s30+$0x0], $0xffff  }
0x9c: {  	v3 =	vld.idx.msk [tilespmem:v3+s30+$0x0], $0xffff  }
0x9d: {  	v11 =	vld.idx.msk [tilespmem:v17+s0+$0x0], $0xffff  }
0x9e: {  	v8 =	vld.idx.msk [tilespmem:v8+s0+$0x0], $0xffff;
	v13 =	vmul.f32 v15, v13  }
0x9f: {  	v61 =	vld.idx.msk [tilespmem:v6+s30+$0x0], $0xffff;
	v0 =	vmul.f32 v0, v1  }
0xa0: {  	v62 =	vld.idx.msk [tilespmem:v6+s0+$0x0], $0xffff;
	v10 =	vadd.f32 v13, v10  }
0xa1: {  	v14 =	vmul.f32 v14, v16;
	v3 =	vmul.f32 v7, v3;
	v0 =	vadd.f32 v0, v12  }
0xa2: {  	v4 =	vmul.f32 v4, v5  }
0xa3: {  	v63 =	vmul.f32 v8, v9;
	v3 =	vadd.f32 v3, v10;
	v0 =	vadd.f32 v14, v0  }
0xa4: {  	v2 =	vmul.f32 v11, v60  }
0xa5: {  	v1 =	vmul.f32 v62, v61;
	v3 =	vadd.f32 v63, v3;
	v0 =	vadd.f32 v4, v0;
	_ =	sdelay $0x1  }
.Ltmp3:
0xa6: {  	v2 =	vadd.f32 v2, v3;
	v0 =	vadd.f32 v1, v0;
	(pc) =	sbr.rel @p0 .LBB2_6-.Ltmp3, $3  }
0xa7: {  	_ = 	snop  }
0xa8: {  	v0 =	vadd.f32 v0, v2;
	_ =	sdelay $0x1  }
0xa9: {  	p1 =	por $0x0, $0x0;
	[tilespmem:s17+$0x8420] =	vst v0;
	s17 =	simm.s32 $0x10  }
0xaa: {  	s17 =	simm.s32 $0x0;
	s18 =	rddreg [dreg:$0x8];
	s19 =	simm.s32 $0x8420  }
0xab: {  	[hbm4b:s18+s17] =	stream.linear.scatter [tilespmem:s19], [sflag:$0xA], $0x20, $0x38;
	[tilespmem:$0x8600] =	vst v63  }
0xac: {  	_ =	swait.ge [sflag:s11], $0x1000  }
0xad: {  	[sflag:s11] =	ssyncset.done $0x0  }
0xae: {  	[sflag:s11] =	ssyncadd.s32 $0xFFFFF000  }
0xaf: {  	_ =	swait.ge [sflag:s12], $0x1000  }
0xb0: {  	[sflag:s12] =	ssyncset.done $0x0  }
0xb1: {  	s19 =	simm.s32 $0xA0;
	[sflag:s12] =	ssyncadd.s32 $0xFFFFF000  }
0xb2: {  	[tilespmem:s30], [sflag:$0x2] =	stream.indirect.gather [hbm4b:s1+s26], $0x80, s19, s26, $0xb8;
	[tilespmem:$0x8600] =	vst v63  }
0xb3: {  	p1 =	por $0x1, $0x1;
	s19 =	simm.s32 $0x2A0  }
0xb4: {  	[tilespmem:s0], [sflag:$0x6] =	stream.indirect.gather [hbm4b:s2+s26], $0x80, s19, s26, $0xb8;
	[tilespmem:$0x8600] =	vst v63  }
.LBB2_10:
0xb5: {  	v9 =	vlaneseq.u32  }
0xb6: {  	v0 =	vmov s17;
	v1 =	vmul.u32 $0x80, v9  }
0xb7: {  	v0 =	vshll.u32 v0, $0x7;
	v2 =	vadd.s32 $0x1, v9  }
0xb8: {  	v2 =	vand.u32 $0x7F, v2;
	v0 =	vor.u32 v1, v0  }
0xb9: {  	v2 =	vor.u32 v0, v2  }
0xba: {  	v4 =	vadd.s32 $0x3, v9;
	v1 =	vadd.s32 $0x5, v9;
	v6 =	vor.u32 v0, v9  }
0xbb: {  	v7 =	vadd.s32 $0x4, v9;
	v4 =	vand.u32 $0x7F, v4;
	v1 =	vand.u32 $0x7F, v1  }
0xbc: {  	v11 =	vor.u32 v0, v4;
	v5 =	vor.u32 v0, v1;
	v1 =	vadd.s32 $0x2, v9  }
0xbd: {  	v7 =	vand.u32 $0x7F, v7;
	v1 =	vand.u32 $0x7F, v1  }
0xbe: {  	v8 =	vor.u32 v0, v7;
	v3 =	vor.u32 v0, v1;
	v1 =	vld.idx.msk [tilespmem:v2+s31+$0x0], $0xffff  }
0xbf: {  	v13 =	vld.idx.msk [tilespmem:v6+s31+$0x0], $0xffff  }
0xc0: {  	v15 =	vld.idx.msk [tilespmem:v6+s3+$0x0], $0xffff  }
0xc1: {  	v12 =	vadd.s32 $0x6, v9;
	v14 =	vld.idx.msk [tilespmem:v11+s3+$0x0], $0xffff  }
0xc2: {  	v12 =	vand.u32 $0x7F, v12;
	v16 =	vld.idx.msk [tilespmem:v11+s31+$0x0], $0xffff  }
0xc3: {  	v17 =	vor.u32 v0, v12;
	v6 =	vadd.s32 $0x7, v9;
	v11 =	vadd.s32 $0x8, v9;
	v9 =	vld.idx.msk [tilespmem:v8+s31+$0x0], $0xffff  }
0xc4: {  	v4 =	vld.idx.msk [tilespmem:v5+s3+$0x0], $0xffff  }
0xc5: {  	v10 =	vimm.f32 $0.0e+00;
	v5 =	vld.idx.msk [tilespmem:v5+s31+$0x0], $0xffff;
	v6 =	vand.u32 $0x7F, v6  }
0xc6: {  	p0 =	por p1, p1;
	s18 =	simm.s32 $0x0;
	v12 =	vimm.f32 $0.0e+00;
	v11 =	vand.u32 $0x7F, v11;
	v6 =	vor.u32 v0, v6;
	v7 =	vld.idx.msk [tilespmem:v3+s3+$0x0], $0xffff  }
.LBB2_11:
0xc7: {  	v18 =	vadd.s32 $0x1, v11;
	v19 =	vadd.s32 $0x2, v11;
	v20 =	vadd.s32 $0x5, v11;
	s18 =	sadd.s32 $0x8, s18;
	v21 =	vld.idx.msk [tilespmem:v2+s3+$0x0], $0xffff  }
0xc8: {  	v13 =	vmul.f32 v15, v13;
	v2 =	vand.u32 $0x7F, v18;
	v18 =	vand.u32 $0x7F, v19;
	p1 =	slt.u32 s18, $0x78;
	v15 =	vld.idx.msk [tilespmem:v17+s31+$0x0], $0xffff  }
0xc9: {  	v19 =	vand.u32 $0x7F, v20;
	v20 =	vadd.s32 $0x7, v11;
	v2 =	vor.u32 v0, v2;
	v17 =	vld.idx.msk [tilespmem:v17+s3+$0x0], $0xffff  }
0xca: {  	v22 =	vor.u32 v0, v11;
	v19 =	vor.u32 v0, v19;
	v20 =	vand.u32 $0x7F, v20;
	v23 =	vld.idx.msk [tilespmem:v3+s31+$0x0], $0xffff  }
0xcb: {  	v24 =	vadd.s32 $0x3, v11;
	v3 =	vor.u32 v0, v18;
	v14 =	vmul.f32 v14, v16;
	v16 =	vld.idx.msk [tilespmem:v8+s3+$0x0], $0xffff  }
0xcc: {  	v18 =	vor.u32 v0, v20;
	v8 =	vand.u32 $0x7F, v24;
	v20 =	vld.idx.msk [tilespmem:v6+s31+$0x0], $0xffff  }
0xcd: {  	v25 =	vmul.f32 v4, v5;
	v24 =	vor.u32 v0, v8;
	v8 =	vadd.s32 $0x4, v11;
	v26 =	vld.idx.msk [tilespmem:v6+s3+$0x0], $0xffff;
	v6 =	vmovc v18  }
0xce: {  	v4 =	vand.u32 $0x7F, v8;
	v18 =	vmul.f32 v21, v1;
	v1 =	vld.idx.msk [tilespmem:v2+s31+$0x0], $0xffff  }
0xcf: {  	v8 =	vor.u32 v0, v4;
	v21 =	vmul.f32 v17, v15;
	v4 =	vld.idx.msk [tilespmem:v19+s3+$0x0], $0xffff  }
0xd0: {  	v10 =	vadd.f32 v13, v10;
	v12 =	vadd.f32 v18, v12;
	v7 =	vmul.f32 v7, v23;
	v5 =	vld.idx.msk [tilespmem:v19+s31+$0x0], $0xffff  }
0xd1: {  	v17 =	vadd.s32 $0x6, v11;
	v9 =	vmul.f32 v16, v9;
	v13 =	vld.idx.msk [tilespmem:v22+s31+$0x0], $0xffff  }
.Ltmp4:
0xd2: {  	v16 =	vand.u32 $0x7F, v17;
	v10 =	vadd.f32 v7, v10;
	v12 =	vadd.f32 v14, v12;
	v15 =	vld.idx.msk [tilespmem:v22+s3+$0x0], $0xffff;
	(pc) =	sbr.rel @p1 .LBB2_11-.Ltmp4, $4  }
0xd3: {  	v17 =	vor.u32 v0, v16;
	v18 =	vmul.f32 v26, v20;
	v7 =	vld.idx.msk [tilespmem:v3+s3+$0x0], $0xffff  }
0xd4: {  	v10 =	vadd.f32 v9, v10;
	v12 =	vadd.f32 v25, v12;
	v14 =	vld.idx.msk [tilespmem:v24+s3+$0x0], $0xffff  }
0xd5: {  	v11 =	vadd.s32 $0x8, v11;
	v16 =	vld.idx.msk [tilespmem:v24+s31+$0x0], $0xffff  }
0xd6: {  	v11 =	vand.u32 $0x7F, v11;
	v10 =	vadd.f32 v21, v10;
	v12 =	vadd.f32 v18, v12;
	v9 =	vld.idx.msk [tilespmem:v8+s31+$0x0], $0xffff  }
0xd7: {  	_ =	sdelay $0x3  }
0xd8: {  	v0 =	vld.idx.msk [tilespmem:v2+s3+$0x0], $0xffff  }
0xd9: {  	v60 =	vld.idx.msk [tilespmem:v17+s31+$0x0], $0xffff  }
0xda: {  	v3 =	vld.idx.msk [tilespmem:v3+s31+$0x0], $0xffff  }
0xdb: {  	v11 =	vld.idx.msk [tilespmem:v17+s3+$0x0], $0xffff  }
0xdc: {  	v8 =	vld.idx.msk [tilespmem:v8+s3+$0x0], $0xffff;
	v13 =	vmul.f32 v15, v13  }
0xdd: {  	v61 =	vld.idx.msk [tilespmem:v6+s31+$0x0], $0xffff;
	v0 =	vmul.f32 v0, v1  }
0xde: {  	v62 =	vld.idx.msk [tilespmem:v6+s3+$0x0], $0xffff;
	v10 =	vadd.f32 v13, v10  }
0xdf: {  	v14 =	vmul.f32 v14, v16;
	v3 =	vmul.f32 v7, v3;
	v0 =	vadd.f32 v0, v12  }
0xe0: {  	v4 =	vmul.f32 v4, v5  }
0xe1: {  	v63 =	vmul.f32 v8, v9;
	v3 =	vadd.f32 v3, v10;
	v0 =	vadd.f32 v14, v0  }
0xe2: {  	v2 =	vmul.f32 v11, v60  }
0xe3: {  	v1 =	vmul.f32 v62, v61;
	v3 =	vadd.f32 v63, v3;
	v0 =	vadd.f32 v4, v0;
	_ =	sdelay $0x1  }
.Ltmp5:
0xe4: {  	v2 =	vadd.f32 v2, v3;
	v0 =	vadd.f32 v1, v0;
	(pc) =	sbr.rel @p0 .LBB2_10-.Ltmp5, $3  }
0xe5: {  	_ = 	snop  }
0xe6: {  	v0 =	vadd.f32 v0, v2;
	_ =	sdelay $0x1  }
0xe7: {  	p1 =	por $0x0, $0x0;
	[tilespmem:s17+$0x8440] =	vst v0;
	s17 =	simm.s32 $0x10  }
0xe8: {  	s17 =	simm.s32 $0x0;
	s18 =	rddreg [dreg:$0x9];
	s19 =	simm.s32 $0x8440  }
0xe9: {  	[hbm4b:s18+s17] =	stream.linear.scatter [tilespmem:s19], [sflag:$0xA], $0x20, $0x38;
	[tilespmem:$0x8600] =	vst v63  }
0xea: {  	_ =	swait.ge [sflag:s13], $0x1000  }
0xeb: {  	[sflag:s13] =	ssyncset.done $0x0  }
0xec: {  	[sflag:s13] =	ssyncadd.s32 $0xFFFFF000  }
0xed: {  	_ =	swait.ge [sflag:s14], $0x1000  }
0xee: {  	[sflag:s14] =	ssyncset.done $0x0  }
0xef: {  	s19 =	simm.s32 $0xC0;
	[sflag:s14] =	ssyncadd.s32 $0xFFFFF000  }
0xf0: {  	[tilespmem:s31], [sflag:$0x3] =	stream.indirect.gather [hbm4b:s1+s26], $0x80, s19, s26, $0xb8;
	[tilespmem:$0x8600] =	vst v63  }
0xf1: {  	p1 =	por $0x1, $0x1;
	s19 =	simm.s32 $0x2C0  }
0xf2: {  	[tilespmem:s3], [sflag:$0x7] =	stream.indirect.gather [hbm4b:s2+s26], $0x80, s19, s26, $0xb8;
	[tilespmem:$0x8600] =	vst v63  }
.LBB2_14:
0xf3: {  	v9 =	vlaneseq.u32  }
0xf4: {  	v0 =	vmov s17;
	v1 =	vmul.u32 $0x80, v9  }
0xf5: {  	v0 =	vshll.u32 v0, $0x7;
	v2 =	vadd.s32 $0x1, v9  }
0xf6: {  	v2 =	vand.u32 $0x7F, v2;
	v0 =	vor.u32 v1, v0  }
0xf7: {  	v2 =	vor.u32 v0, v2  }
0xf8: {  	v4 =	vadd.s32 $0x3, v9;
	v1 =	vadd.s32 $0x5, v9;
	v6 =	vor.u32 v0, v9  }
0xf9: {  	v7 =	vadd.s32 $0x4, v9;
	v4 =	vand.u32 $0x7F, v4;
	v1 =	vand.u32 $0x7F, v1  }
0xfa: {  	v11 =	vor.u32 v0, v4;
	v5 =	vor.u32 v0, v1;
	v1 =	vadd.s32 $0x2, v9  }
0xfb: {  	v7 =	vand.u32 $0x7F, v7;
	v1 =	vand.u32 $0x7F, v1  }
0xfc: {  	v8 =	vor.u32 v0, v7;
	v3 =	vor.u32 v0, v1;
	v1 =	vld.idx.msk [tilespmem:v2+s7+$0x0], $0xffff  }
0xfd: {  	v13 =	vld.idx.msk [tilespmem:v6+s7+$0x0], $0xffff  }
0xfe: {  	v15 =	vld.idx.msk [tilespmem:v6+s8+$0x0], $0xffff  }
0xff: {  	v12 =	vadd.s32 $0x6, v9;
	v14 =	vld.idx.msk [tilespmem:v11+s8+$0x0], $0xffff  }
0x100: {  	v12 =	vand.u32 $0x7F, v12;
	v16 =	vld.idx.msk [tilespmem:v11+s7+$0x0], $0xffff  }
0x101: {  	v17 =	vor.u32 v0, v12;
	v6 =	vadd.s32 $0x7, v9;
	v11 =	vadd.s32 $0x8, v9;
	v9 =	vld.idx.msk [tilespmem:v8+s7+$0x0], $0xffff  }
0x102: {  	v4 =	vld.idx.msk [tilespmem:v5+s8+$0x0], $0xffff  }
0x103: {  	v10 =	vimm.f32 $0.0e+00;
	v5 =	vld.idx.msk [tilespmem:v5+s7+$0x0], $0xffff;
	v6 =	vand.u32 $0x7F, v6  }
0x104: {  	p0 =	por p1, p1;
	s18 =	simm.s32 $0x0;
	v12 =	vimm.f32 $0.0e+00;
	v11 =	vand.u32 $0x7F, v11;
	v6 =	vor.u32 v0, v6;
	v7 =	vld.idx.msk [tilespmem:v3+s8+$0x0], $0xffff  }
.LBB2_15:
0x105: {  	v18 =	vadd.s32 $0x1, v11;
	v19 =	vadd.s32 $0x2, v11;
	v20 =	vadd.s32 $0x5, v11;
	s18 =	sadd.s32 $0x8, s18;
	v21 =	vld.idx.msk [tilespmem:v2+s8+$0x0], $0xffff  }
0x106: {  	v13 =	vmul.f32 v15, v13;
	v2 =	vand.u32 $0x7F, v18;
	v18 =	vand.u32 $0x7F, v19;
	p1 =	slt.u32 s18, $0x78;
	v15 =	vld.idx.msk [tilespmem:v17+s7+$0x0], $0xffff  }
0x107: {  	v19 =	vand.u32 $0x7F, v20;
	v20 =	vadd.s32 $0x7, v11;
	v2 =	vor.u32 v0, v2;
	v17 =	vld.idx.msk [tilespmem:v17+s8+$0x0], $0xffff  }
0x108: {  	v22 =	vor.u32 v0, v11;
	v19 =	vor.u32 v0, v19;
	v20 =	vand.u32 $0x7F, v20;
	v23 =	vld.idx.msk [tilespmem:v3+s7+$0x0], $0xffff  }
0x109: {  	v24 =	vadd.s32 $0x3, v11;
	v3 =	vor.u32 v0, v18;
	v14 =	vmul.f32 v14, v16;
	v16 =	vld.idx.msk [tilespmem:v8+s8+$0x0], $0xffff  }
0x10a: {  	v18 =	vor.u32 v0, v20;
	v8 =	vand.u32 $0x7F, v24;
	v20 =	vld.idx.msk [tilespmem:v6+s7+$0x0], $0xffff  }
0x10b: {  	v25 =	vmul.f32 v4, v5;
	v24 =	vor.u32 v0, v8;
	v8 =	vadd.s32 $0x4, v11;
	v26 =	vld.idx.msk [tilespmem:v6+s8+$0x0], $0xffff;
	v6 =	vmovc v18  }
0x10c: {  	v4 =	vand.u32 $0x7F, v8;
	v18 =	vmul.f32 v21, v1;
	v1 =	vld.idx.msk [tilespmem:v2+s7+$0x0], $0xffff  }
0x10d: {  	v8 =	vor.u32 v0, v4;
	v21 =	vmul.f32 v17, v15;
	v4 =	vld.idx.msk [tilespmem:v19+s8+$0x0], $0xffff  }
0x10e: {  	v10 =	vadd.f32 v13, v10;
	v12 =	vadd.f32 v18, v12;
	v7 =	vmul.f32 v7, v23;
	v5 =	vld.idx.msk [tilespmem:v19+s7+$0x0], $0xffff  }
0x10f: {  	v17 =	vadd.s32 $0x6, v11;
	v9 =	vmul.f32 v16, v9;
	v13 =	vld.idx.msk [tilespmem:v22+s7+$0x0], $0xffff  }
.Ltmp6:
0x110: {  	v16 =	vand.u32 $0x7F, v17;
	v10 =	vadd.f32 v7, v10;
	v12 =	vadd.f32 v14, v12;
	v15 =	vld.idx.msk [tilespmem:v22+s8+$0x0], $0xffff;
	(pc) =	sbr.rel @p1 .LBB2_15-.Ltmp6, $4  }
0x111: {  	v17 =	vor.u32 v0, v16;
	v18 =	vmul.f32 v26, v20;
	v7 =	vld.idx.msk [tilespmem:v3+s8+$0x0], $0xffff  }
0x112: {  	v10 =	vadd.f32 v9, v10;
	v12 =	vadd.f32 v25, v12;
	v14 =	vld.idx.msk [tilespmem:v24+s8+$0x0], $0xffff  }
0x113: {  	v11 =	vadd.s32 $0x8, v11;
	v16 =	vld.idx.msk [tilespmem:v24+s7+$0x0], $0xffff  }
0x114: {  	v11 =	vand.u32 $0x7F, v11;
	v10 =	vadd.f32 v21, v10;
	v12 =	vadd.f32 v18, v12;
	v9 =	vld.idx.msk [tilespmem:v8+s7+$0x0], $0xffff  }
0x115: {  	_ =	sdelay $0x3  }
0x116: {  	v0 =	vld.idx.msk [tilespmem:v2+s8+$0x0], $0xffff  }
0x117: {  	v60 =	vld.idx.msk [tilespmem:v17+s7+$0x0], $0xffff  }
0x118: {  	v3 =	vld.idx.msk [tilespmem:v3+s7+$0x0], $0xffff  }
0x119: {  	v11 =	vld.idx.msk [tilespmem:v17+s8+$0x0], $0xffff  }
0x11a: {  	v8 =	vld.idx.msk [tilespmem:v8+s8+$0x0], $0xffff;
	v13 =	vmul.f32 v15, v13  }
0x11b: {  	v61 =	vld.idx.msk [tilespmem:v6+s7+$0x0], $0xffff;
	v0 =	vmul.f32 v0, v1  }
0x11c: {  	v62 =	vld.idx.msk [tilespmem:v6+s8+$0x0], $0xffff;
	v10 =	vadd.f32 v13, v10  }
0x11d: {  	v14 =	vmul.f32 v14, v16;
	v3 =	vmul.f32 v7, v3;
	v0 =	vadd.f32 v0, v12  }
0x11e: {  	v4 =	vmul.f32 v4, v5  }
0x11f: {  	v63 =	vmul.f32 v8, v9;
	v3 =	vadd.f32 v3, v10;
	v0 =	vadd.f32 v14, v0  }
0x120: {  	v2 =	vmul.f32 v11, v60  }
0x121: {  	v1 =	vmul.f32 v62, v61;
	v3 =	vadd.f32 v63, v3;
	v0 =	vadd.f32 v4, v0;
	_ =	sdelay $0x1  }
.Ltmp7:
0x122: {  	v2 =	vadd.f32 v2, v3;
	v0 =	vadd.f32 v1, v0;
	(pc) =	sbr.rel @p0 .LBB2_14-.Ltmp7, $3  }
0x123: {  	_ = 	snop  }
0x124: {  	v0 =	vadd.f32 v0, v2;
	_ =	sdelay $0x1  }
0x125: {  	p1 =	por $0x0, $0x0;
	[tilespmem:s17+$0x8460] =	vst v0;
	s17 =	simm.s32 $0x10  }
0x126: {  	s17 =	simm.s32 $0x0;
	s18 =	rddreg [dreg:$0xa];
	s19 =	simm.s32 $0x8460  }
0x127: {  	[hbm4b:s18+s17] =	stream.linear.scatter [tilespmem:s19], [sflag:$0xA], $0x20, $0x38;
	[tilespmem:$0x8600] =	vst v63  }
0x128: {  	_ =	swait.ge [sflag:s24], $0x1000  }
0x129: {  	[sflag:s24] =	ssyncset.done $0x0  }
0x12a: {  	[sflag:s24] =	ssyncadd.s32 $0xFFFFF000  }
0x12b: {  	_ =	swait.ge [sflag:s6], $0x1000  }
0x12c: {  	[sflag:s6] =	ssyncset.done $0x0  }
0x12d: {  	s19 =	simm.s32 $0xE0;
	[sflag:s6] =	ssyncadd.s32 $0xFFFFF000  }
0x12e: {  	[tilespmem:s7], [sflag:$0x4] =	stream.indirect.gather [hbm4b:s1+s26], $0x80, s19, s26, $0xb8;
	[tilespmem:$0x8600] =	vst v63  }
0x12f: {  	p1 =	por $0x1, $0x1;
	s19 =	simm.s32 $0x2E0  }
0x130: {  	[tilespmem:s8], [sflag:$0x8] =	stream.indirect.gather [hbm4b:s2+s26], $0x80, s19, s26, $0xb8;
	[tilespmem:$0x8600] =	vst v63  }
.LBB2_18:
0x131: {  	v9 =	vlaneseq.u32  }
0x132: {  	v0 =	vmov s17;
	v1 =	vmul.u32 $0x80, v9  }
0x133: {  	v0 =	vshll.u32 v0, $0x7;
	v2 =	vadd.s32 $0x1, v9  }
0x134: {  	v2 =	vand.u32 $0x7F, v2;
	v0 =	vor.u32 v1, v0  }
0x135: {  	v2 =	vor.u32 v0, v2  }
0x136: {  	v4 =	vadd.s32 $0x3, v9;
	v1 =	vadd.s32 $0x5, v9;
	v6 =	vor.u32 v0, v9  }
0x137: {  	v7 =	vadd.s32 $0x4, v9;
	v4 =	vand.u32 $0x7F, v4;
	v1 =	vand.u32 $0x7F, v1  }
0x138: {  	v11 =	vor.u32 v0, v4;
	v5 =	vor.u32 v0, v1;
	v1 =	vadd.s32 $0x2, v9  }
0x139: {  	v7 =	vand.u32 $0x7F, v7;
	v1 =	vand.u32 $0x7F, v1  }
0x13a: {  	v8 =	vor.u32 v0, v7;
	v3 =	vor.u32 v0, v1;
	v1 =	vld.idx.msk [tilespmem:v2+s28+$0x0], $0xffff  }
0x13b: {  	v13 =	vld.idx.msk [tilespmem:v6+s28+$0x0], $0xffff  }
0x13c: {  	v15 =	vld.idx.msk [tilespmem:v6+s29+$0x0], $0xffff  }
0x13d: {  	v12 =	vadd.s32 $0x6, v9;
	v14 =	vld.idx.msk [tilespmem:v11+s29+$0x0], $0xffff  }
0x13e: {  	v12 =	vand.u32 $0x7F, v12;
	v16 =	vld.idx.msk [tilespmem:v11+s28+$0x0], $0xffff  }
0x13f: {  	v17 =	vor.u32 v0, v12;
	v6 =	vadd.s32 $0x7, v9;
	v11 =	vadd.s32 $0x8, v9;
	v9 =	vld.idx.msk [tilespmem:v8+s28+$0x0], $0xffff  }
0x140: {  	v4 =	vld.idx.msk [tilespmem:v5+s29+$0x0], $0xffff  }
0x141: {  	v10 =	vimm.f32 $0.0e+00;
	v5 =	vld.idx.msk [tilespmem:v5+s28+$0x0], $0xffff;
	v6 =	vand.u32 $0x7F, v6  }
0x142: {  	p0 =	por p1, p1;
	s18 =	simm.s32 $0x0;
	v12 =	vimm.f32 $0.0e+00;
	v11 =	vand.u32 $0x7F, v11;
	v6 =	vor.u32 v0, v6;
	v7 =	vld.idx.msk [tilespmem:v3+s29+$0x0], $0xffff  }
.LBB2_19:
0x143: {  	v18 =	vadd.s32 $0x1, v11;
	v19 =	vadd.s32 $0x2, v11;
	v20 =	vadd.s32 $0x5, v11;
	s18 =	sadd.s32 $0x8, s18;
	v21 =	vld.idx.msk [tilespmem:v2+s29+$0x0], $0xffff  }
0x144: {  	v13 =	vmul.f32 v15, v13;
	v2 =	vand.u32 $0x7F, v18;
	v18 =	vand.u32 $0x7F, v19;
	p1 =	slt.u32 s18, $0x78;
	v15 =	vld.idx.msk [tilespmem:v17+s28+$0x0], $0xffff  }
0x145: {  	v19 =	vand.u32 $0x7F, v20;
	v20 =	vadd.s32 $0x7, v11;
	v2 =	vor.u32 v0, v2;
	v17 =	vld.idx.msk [tilespmem:v17+s29+$0x0], $0xffff  }
0x146: {  	v22 =	vor.u32 v0, v11;
	v19 =	vor.u32 v0, v19;
	v20 =	vand.u32 $0x7F, v20;
	v23 =	vld.idx.msk [tilespmem:v3+s28+$0x0], $0xffff  }
0x147: {  	v24 =	vadd.s32 $0x3, v11;
	v3 =	vor.u32 v0, v18;
	v14 =	vmul.f32 v14, v16;
	v16 =	vld.idx.msk [tilespmem:v8+s29+$0x0], $0xffff  }
0x148: {  	v18 =	vor.u32 v0, v20;
	v8 =	vand.u32 $0x7F, v24;
	v20 =	vld.idx.msk [tilespmem:v6+s28+$0x0], $0xffff  }
0x149: {  	v25 =	vmul.f32 v4, v5;
	v24 =	vor.u32 v0, v8;
	v8 =	vadd.s32 $0x4, v11;
	v26 =	vld.idx.msk [tilespmem:v6+s29+$0x0], $0xffff;
	v6 =	vmovc v18  }
0x14a: {  	v4 =	vand.u32 $0x7F, v8;
	v18 =	vmul.f32 v21, v1;
	v1 =	vld.idx.msk [tilespmem:v2+s28+$0x0], $0xffff  }
0x14b: {  	v8 =	vor.u32 v0, v4;
	v21 =	vmul.f32 v17, v15;
	v4 =	vld.idx.msk [tilespmem:v19+s29+$0x0], $0xffff  }
0x14c: {  	v10 =	vadd.f32 v13, v10;
	v12 =	vadd.f32 v18, v12;
	v7 =	vmul.f32 v7, v23;
	v5 =	vld.idx.msk [tilespmem:v19+s28+$0x0], $0xffff  }
0x14d: {  	v17 =	vadd.s32 $0x6, v11;
	v9 =	vmul.f32 v16, v9;
	v13 =	vld.idx.msk [tilespmem:v22+s28+$0x0], $0xffff  }
.Ltmp8:
0x14e: {  	v16 =	vand.u32 $0x7F, v17;
	v10 =	vadd.f32 v7, v10;
	v12 =	vadd.f32 v14, v12;
	v15 =	vld.idx.msk [tilespmem:v22+s29+$0x0], $0xffff;
	(pc) =	sbr.rel @p1 .LBB2_19-.Ltmp8, $4  }
0x14f: {  	v17 =	vor.u32 v0, v16;
	v18 =	vmul.f32 v26, v20;
	v7 =	vld.idx.msk [tilespmem:v3+s29+$0x0], $0xffff  }
0x150: {  	v10 =	vadd.f32 v9, v10;
	v12 =	vadd.f32 v25, v12;
	v14 =	vld.idx.msk [tilespmem:v24+s29+$0x0], $0xffff  }
0x151: {  	v11 =	vadd.s32 $0x8, v11;
	v16 =	vld.idx.msk [tilespmem:v24+s28+$0x0], $0xffff  }
0x152: {  	v11 =	vand.u32 $0x7F, v11;
	v10 =	vadd.f32 v21, v10;
	v12 =	vadd.f32 v18, v12;
	v9 =	vld.idx.msk [tilespmem:v8+s28+$0x0], $0xffff  }
0x153: {  	_ =	sdelay $0x3  }
0x154: {  	v0 =	vld.idx.msk [tilespmem:v2+s29+$0x0], $0xffff  }
0x155: {  	v60 =	vld.idx.msk [tilespmem:v17+s28+$0x0], $0xffff  }
0x156: {  	v3 =	vld.idx.msk [tilespmem:v3+s28+$0x0], $0xffff  }
0x157: {  	v11 =	vld.idx.msk [tilespmem:v17+s29+$0x0], $0xffff  }
0x158: {  	v8 =	vld.idx.msk [tilespmem:v8+s29+$0x0], $0xffff;
	v13 =	vmul.f32 v15, v13  }
0x159: {  	v61 =	vld.idx.msk [tilespmem:v6+s28+$0x0], $0xffff;
	v0 =	vmul.f32 v0, v1  }
0x15a: {  	v62 =	vld.idx.msk [tilespmem:v6+s29+$0x0], $0xffff;
	v10 =	vadd.f32 v13, v10  }
0x15b: {  	v14 =	vmul.f32 v14, v16;
	v3 =	vmul.f32 v7, v3;
	v0 =	vadd.f32 v0, v12  }
0x15c: {  	v4 =	vmul.f32 v4, v5  }
0x15d: {  	v63 =	vmul.f32 v8, v9;
	v3 =	vadd.f32 v3, v10;
	v0 =	vadd.f32 v14, v0  }
0x15e: {  	v2 =	vmul.f32 v11, v60  }
0x15f: {  	v1 =	vmul.f32 v62, v61;
	v3 =	vadd.f32 v63, v3;
	v0 =	vadd.f32 v4, v0;
	_ =	sdelay $0x1  }
.Ltmp9:
0x160: {  	v2 =	vadd.f32 v2, v3;
	v0 =	vadd.f32 v1, v0;
	(pc) =	sbr.rel @p0 .LBB2_18-.Ltmp9, $3  }
0x161: {  	_ = 	snop  }
0x162: {  	v0 =	vadd.f32 v0, v2;
	_ =	sdelay $0x1  }
0x163: {  	p1 =	por $0x0, $0x0;
	[tilespmem:s17+$0x8480] =	vst v0;
	s17 =	simm.s32 $0x10  }
0x164: {  	s17 =	simm.s32 $0x0;
	s18 =	rddreg [dreg:$0xb];
	s19 =	simm.s32 $0x8480  }
0x165: {  	[hbm4b:s18+s17] =	stream.linear.scatter [tilespmem:s19], [sflag:$0xA], $0x20, $0x38;
	[tilespmem:$0x8600] =	vst v63  }
0x166: {  	_ =	swait.ge [sflag:s9], $0x1000  }
0x167: {  	[sflag:s9] =	ssyncset.done $0x0  }
0x168: {  	[sflag:s9] =	ssyncadd.s32 $0xFFFFF000  }
0x169: {  	_ =	swait.ge [sflag:s10], $0x1000  }
0x16a: {  	[sflag:s10] =	ssyncset.done $0x0  }
0x16b: {  	s19 =	simm.s32 $0x100;
	[sflag:s10] =	ssyncadd.s32 $0xFFFFF000  }
0x16c: {  	[tilespmem:s28], [sflag:$0x1] =	stream.indirect.gather [hbm4b:s1+s26], $0x80, s19, s26, $0xb8;
	[tilespmem:$0x8600] =	vst v63  }
0x16d: {  	p1 =	por $0x1, $0x1;
	s19 =	simm.s32 $0x300  }
0x16e: {  	[tilespmem:s29], [sflag:$0x5] =	stream.indirect.gather [hbm4b:s2+s26], $0x80, s19, s26, $0xb8;
	[tilespmem:$0x8600] =	vst v63  }
.LBB2_22:
0x16f: {  	v9 =	vlaneseq.u32  }
0x170: {  	v0 =	vmov s17;
	v1 =	vmul.u32 $0x80, v9  }
0x171: {  	v0 =	vshll.u32 v0, $0x7;
	v2 =	vadd.s32 $0x1, v9  }
0x172: {  	v2 =	vand.u32 $0x7F, v2;
	v0 =	vor.u32 v1, v0  }
0x173: {  	v2 =	vor.u32 v0, v2  }
0x174: {  	v4 =	vadd.s32 $0x3, v9;
	v1 =	vadd.s32 $0x5, v9;
	v6 =	vor.u32 v0, v9  }
0x175: {  	v7 =	vadd.s32 $0x4, v9;
	v4 =	vand.u32 $0x7F, v4;
	v1 =	vand.u32 $0x7F, v1  }
0x176: {  	v11 =	vor.u32 v0, v4;
	v5 =	vor.u32 v0, v1;
	v1 =	vadd.s32 $0x2, v9  }
0x177: {  	v7 =	vand.u32 $0x7F, v7;
	v1 =	vand.u32 $0x7F, v1  }
0x178: {  	v8 =	vor.u32 v0, v7;
	v3 =	vor.u32 v0, v1;
	v1 =	vld.idx.msk [tilespmem:v2+s30+$0x0], $0xffff  }
0x179: {  	v13 =	vld.idx.msk [tilespmem:v6+s30+$0x0], $0xffff  }
0x17a: {  	v15 =	vld.idx.msk [tilespmem:v6+s0+$0x0], $0xffff  }
0x17b: {  	v12 =	vadd.s32 $0x6, v9;
	v14 =	vld.idx.msk [tilespmem:v11+s0+$0x0], $0xffff  }
0x17c: {  	v12 =	vand.u32 $0x7F, v12;
	v16 =	vld.idx.msk [tilespmem:v11+s30+$0x0], $0xffff  }
0x17d: {  	v17 =	vor.u32 v0, v12;
	v6 =	vadd.s32 $0x7, v9;
	v11 =	vadd.s32 $0x8, v9;
	v9 =	vld.idx.msk [tilespmem:v8+s30+$0x0], $0xffff  }
0x17e: {  	v4 =	vld.idx.msk [tilespmem:v5+s0+$0x0], $0xffff  }
0x17f: {  	v10 =	vimm.f32 $0.0e+00;
	v5 =	vld.idx.msk [tilespmem:v5+s30+$0x0], $0xffff;
	v6 =	vand.u32 $0x7F, v6  }
0x180: {  	p0 =	por p1, p1;
	s18 =	simm.s32 $0x0;
	v12 =	vimm.f32 $0.0e+00;
	v11 =	vand.u32 $0x7F, v11;
	v6 =	vor.u32 v0, v6;
	v7 =	vld.idx.msk [tilespmem:v3+s0+$0x0], $0xffff  }
.LBB2_23:
0x181: {  	v18 =	vadd.s32 $0x1, v11;
	v19 =	vadd.s32 $0x2, v11;
	v20 =	vadd.s32 $0x5, v11;
	s18 =	sadd.s32 $0x8, s18;
	v21 =	vld.idx.msk [tilespmem:v2+s0+$0x0], $0xffff  }
0x182: {  	v13 =	vmul.f32 v15, v13;
	v2 =	vand.u32 $0x7F, v18;
	v18 =	vand.u32 $0x7F, v19;
	p1 =	slt.u32 s18, $0x78;
	v15 =	vld.idx.msk [tilespmem:v17+s30+$0x0], $0xffff  }
0x183: {  	v19 =	vand.u32 $0x7F, v20;
	v20 =	vadd.s32 $0x7, v11;
	v2 =	vor.u32 v0, v2;
	v17 =	vld.idx.msk [tilespmem:v17+s0+$0x0], $0xffff  }
0x184: {  	v22 =	vor.u32 v0, v11;
	v19 =	vor.u32 v0, v19;
	v20 =	vand.u32 $0x7F, v20;
	v23 =	vld.idx.msk [tilespmem:v3+s30+$0x0], $0xffff  }
0x185: {  	v24 =	vadd.s32 $0x3, v11;
	v3 =	vor.u32 v0, v18;
	v14 =	vmul.f32 v14, v16;
	v16 =	vld.idx.msk [tilespmem:v8+s0+$0x0], $0xffff  }
0x186: {  	v18 =	vor.u32 v0, v20;
	v8 =	vand.u32 $0x7F, v24;
	v20 =	vld.idx.msk [tilespmem:v6+s30+$0x0], $0xffff  }
0x187: {  	v25 =	vmul.f32 v4, v5;
	v24 =	vor.u32 v0, v8;
	v8 =	vadd.s32 $0x4, v11;
	v26 =	vld.idx.msk [tilespmem:v6+s0+$0x0], $0xffff;
	v6 =	vmovc v18  }
0x188: {  	v4 =	vand.u32 $0x7F, v8;
	v18 =	vmul.f32 v21, v1;
	v1 =	vld.idx.msk [tilespmem:v2+s30+$0x0], $0xffff  }
0x189: {  	v8 =	vor.u32 v0, v4;
	v21 =	vmul.f32 v17, v15;
	v4 =	vld.idx.msk [tilespmem:v19+s0+$0x0], $0xffff  }
0x18a: {  	v10 =	vadd.f32 v13, v10;
	v12 =	vadd.f32 v18, v12;
	v7 =	vmul.f32 v7, v23;
	v5 =	vld.idx.msk [tilespmem:v19+s30+$0x0], $0xffff  }
0x18b: {  	v17 =	vadd.s32 $0x6, v11;
	v9 =	vmul.f32 v16, v9;
	v13 =	vld.idx.msk [tilespmem:v22+s30+$0x0], $0xffff  }
.Ltmp10:
0x18c: {  	v16 =	vand.u32 $0x7F, v17;
	v10 =	vadd.f32 v7, v10;
	v12 =	vadd.f32 v14, v12;
	v15 =	vld.idx.msk [tilespmem:v22+s0+$0x0], $0xffff;
	(pc) =	sbr.rel @p1 .LBB2_23-.Ltmp10, $4  }
0x18d: {  	v17 =	vor.u32 v0, v16;
	v18 =	vmul.f32 v26, v20;
	v7 =	vld.idx.msk [tilespmem:v3+s0+$0x0], $0xffff  }
0x18e: {  	v10 =	vadd.f32 v9, v10;
	v12 =	vadd.f32 v25, v12;
	v14 =	vld.idx.msk [tilespmem:v24+s0+$0x0], $0xffff  }
0x18f: {  	v11 =	vadd.s32 $0x8, v11;
	v16 =	vld.idx.msk [tilespmem:v24+s30+$0x0], $0xffff  }
0x190: {  	v11 =	vand.u32 $0x7F, v11;
	v10 =	vadd.f32 v21, v10;
	v12 =	vadd.f32 v18, v12;
	v9 =	vld.idx.msk [tilespmem:v8+s30+$0x0], $0xffff  }
0x191: {  	_ =	sdelay $0x3  }
0x192: {  	v0 =	vld.idx.msk [tilespmem:v2+s0+$0x0], $0xffff  }
0x193: {  	v60 =	vld.idx.msk [tilespmem:v17+s30+$0x0], $0xffff  }
0x194: {  	v3 =	vld.idx.msk [tilespmem:v3+s30+$0x0], $0xffff  }
0x195: {  	v11 =	vld.idx.msk [tilespmem:v17+s0+$0x0], $0xffff  }
0x196: {  	v8 =	vld.idx.msk [tilespmem:v8+s0+$0x0], $0xffff;
	v13 =	vmul.f32 v15, v13  }
0x197: {  	v61 =	vld.idx.msk [tilespmem:v6+s30+$0x0], $0xffff;
	v0 =	vmul.f32 v0, v1  }
0x198: {  	v62 =	vld.idx.msk [tilespmem:v6+s0+$0x0], $0xffff;
	v10 =	vadd.f32 v13, v10  }
0x199: {  	v14 =	vmul.f32 v14, v16;
	v3 =	vmul.f32 v7, v3;
	v0 =	vadd.f32 v0, v12  }
0x19a: {  	v4 =	vmul.f32 v4, v5  }
0x19b: {  	v63 =	vmul.f32 v8, v9;
	v3 =	vadd.f32 v3, v10;
	v0 =	vadd.f32 v14, v0  }
0x19c: {  	v2 =	vmul.f32 v11, v60  }
0x19d: {  	v1 =	vmul.f32 v62, v61;
	v3 =	vadd.f32 v63, v3;
	v0 =	vadd.f32 v4, v0;
	_ =	sdelay $0x1  }
.Ltmp11:
0x19e: {  	v2 =	vadd.f32 v2, v3;
	v0 =	vadd.f32 v1, v0;
	(pc) =	sbr.rel @p0 .LBB2_22-.Ltmp11, $3  }
0x19f: {  	_ = 	snop  }
0x1a0: {  	v0 =	vadd.f32 v0, v2;
	_ =	sdelay $0x1  }
0x1a1: {  	p1 =	por $0x0, $0x0;
	[tilespmem:s17+$0x84A0] =	vst v0;
	s17 =	simm.s32 $0x10  }
0x1a2: {  	s17 =	simm.s32 $0x0;
	s18 =	rddreg [dreg:$0xc];
	s19 =	simm.s32 $0x84A0  }
0x1a3: {  	[hbm4b:s18+s17] =	stream.linear.scatter [tilespmem:s19], [sflag:$0xA], $0x20, $0x38;
	[tilespmem:$0x8600] =	vst v63  }
0x1a4: {  	_ =	swait.ge [sflag:s11], $0x1000  }
0x1a5: {  	[sflag:s11] =	ssyncset.done $0x0  }
0x1a6: {  	[sflag:s11] =	ssyncadd.s32 $0xFFFFF000  }
0x1a7: {  	_ =	swait.ge [sflag:s12], $0x1000  }
0x1a8: {  	[sflag:s12] =	ssyncset.done $0x0  }
0x1a9: {  	s19 =	simm.s32 $0x120;
	[sflag:s12] =	ssyncadd.s32 $0xFFFFF000  }
0x1aa: {  	[tilespmem:s30], [sflag:$0x2] =	stream.indirect.gather [hbm4b:s1+s26], $0x80, s19, s26, $0xb8;
	[tilespmem:$0x8600] =	vst v63  }
0x1ab: {  	p1 =	por $0x1, $0x1;
	s19 =	simm.s32 $0x320  }
0x1ac: {  	[tilespmem:s0], [sflag:$0x6] =	stream.indirect.gather [hbm4b:s2+s26], $0x80, s19, s26, $0xb8;
	[tilespmem:$0x8600] =	vst v63  }
.LBB2_26:
0x1ad: {  	v9 =	vlaneseq.u32  }
0x1ae: {  	v0 =	vmov s17;
	v1 =	vmul.u32 $0x80, v9  }
0x1af: {  	v0 =	vshll.u32 v0, $0x7;
	v2 =	vadd.s32 $0x1, v9  }
0x1b0: {  	v2 =	vand.u32 $0x7F, v2;
	v0 =	vor.u32 v1, v0  }
0x1b1: {  	v2 =	vor.u32 v0, v2  }
0x1b2: {  	v4 =	vadd.s32 $0x3, v9;
	v1 =	vadd.s32 $0x5, v9;
	v6 =	vor.u32 v0, v9  }
0x1b3: {  	v7 =	vadd.s32 $0x4, v9;
	v4 =	vand.u32 $0x7F, v4;
	v1 =	vand.u32 $0x7F, v1  }
0x1b4: {  	v11 =	vor.u32 v0, v4;
	v5 =	vor.u32 v0, v1;
	v1 =	vadd.s32 $0x2, v9  }
0x1b5: {  	v7 =	vand.u32 $0x7F, v7;
	v1 =	vand.u32 $0x7F, v1  }
0x1b6: {  	v8 =	vor.u32 v0, v7;
	v3 =	vor.u32 v0, v1;
	v1 =	vld.idx.msk [tilespmem:v2+s31+$0x0], $0xffff  }
0x1b7: {  	v13 =	vld.idx.msk [tilespmem:v6+s31+$0x0], $0xffff  }
0x1b8: {  	v15 =	vld.idx.msk [tilespmem:v6+s3+$0x0], $0xffff  }
0x1b9: {  	v12 =	vadd.s32 $0x6, v9;
	v14 =	vld.idx.msk [tilespmem:v11+s3+$0x0], $0xffff  }
0x1ba: {  	v12 =	vand.u32 $0x7F, v12;
	v16 =	vld.idx.msk [tilespmem:v11+s31+$0x0], $0xffff  }
0x1bb: {  	v17 =	vor.u32 v0, v12;
	v6 =	vadd.s32 $0x7, v9;
	v11 =	vadd.s32 $0x8, v9;
	v9 =	vld.idx.msk [tilespmem:v8+s31+$0x0], $0xffff  }
0x1bc: {  	v4 =	vld.idx.msk [tilespmem:v5+s3+$0x0], $0xffff  }
0x1bd: {  	v10 =	vimm.f32 $0.0e+00;
	v5 =	vld.idx.msk [tilespmem:v5+s31+$0x0], $0xffff;
	v6 =	vand.u32 $0x7F, v6  }
0x1be: {  	p0 =	por p1, p1;
	s18 =	simm.s32 $0x0;
	v12 =	vimm.f32 $0.0e+00;
	v11 =	vand.u32 $0x7F, v11;
	v6 =	vor.u32 v0, v6;
	v7 =	vld.idx.msk [tilespmem:v3+s3+$0x0], $0xffff  }
.LBB2_27:
0x1bf: {  	v18 =	vadd.s32 $0x1, v11;
	v19 =	vadd.s32 $0x2, v11;
	v20 =	vadd.s32 $0x5, v11;
	s18 =	sadd.s32 $0x8, s18;
	v21 =	vld.idx.msk [tilespmem:v2+s3+$0x0], $0xffff  }
0x1c0: {  	v13 =	vmul.f32 v15, v13;
	v2 =	vand.u32 $0x7F, v18;
	v18 =	vand.u32 $0x7F, v19;
	p1 =	slt.u32 s18, $0x78;
	v15 =	vld.idx.msk [tilespmem:v17+s31+$0x0], $0xffff  }
0x1c1: {  	v19 =	vand.u32 $0x7F, v20;
	v20 =	vadd.s32 $0x7, v11;
	v2 =	vor.u32 v0, v2;
	v17 =	vld.idx.msk [tilespmem:v17+s3+$0x0], $0xffff  }
0x1c2: {  	v22 =	vor.u32 v0, v11;
	v19 =	vor.u32 v0, v19;
	v20 =	vand.u32 $0x7F, v20;
	v23 =	vld.idx.msk [tilespmem:v3+s31+$0x0], $0xffff  }
0x1c3: {  	v24 =	vadd.s32 $0x3, v11;
	v3 =	vor.u32 v0, v18;
	v14 =	vmul.f32 v14, v16;
	v16 =	vld.idx.msk [tilespmem:v8+s3+$0x0], $0xffff  }
0x1c4: {  	v18 =	vor.u32 v0, v20;
	v8 =	vand.u32 $0x7F, v24;
	v20 =	vld.idx.msk [tilespmem:v6+s31+$0x0], $0xffff  }
0x1c5: {  	v25 =	vmul.f32 v4, v5;
	v24 =	vor.u32 v0, v8;
	v8 =	vadd.s32 $0x4, v11;
	v26 =	vld.idx.msk [tilespmem:v6+s3+$0x0], $0xffff;
	v6 =	vmovc v18  }
0x1c6: {  	v4 =	vand.u32 $0x7F, v8;
	v18 =	vmul.f32 v21, v1;
	v1 =	vld.idx.msk [tilespmem:v2+s31+$0x0], $0xffff  }
0x1c7: {  	v8 =	vor.u32 v0, v4;
	v21 =	vmul.f32 v17, v15;
	v4 =	vld.idx.msk [tilespmem:v19+s3+$0x0], $0xffff  }
0x1c8: {  	v10 =	vadd.f32 v13, v10;
	v12 =	vadd.f32 v18, v12;
	v7 =	vmul.f32 v7, v23;
	v5 =	vld.idx.msk [tilespmem:v19+s31+$0x0], $0xffff  }
0x1c9: {  	v17 =	vadd.s32 $0x6, v11;
	v9 =	vmul.f32 v16, v9;
	v13 =	vld.idx.msk [tilespmem:v22+s31+$0x0], $0xffff  }
.Ltmp12:
0x1ca: {  	v16 =	vand.u32 $0x7F, v17;
	v10 =	vadd.f32 v7, v10;
	v12 =	vadd.f32 v14, v12;
	v15 =	vld.idx.msk [tilespmem:v22+s3+$0x0], $0xffff;
	(pc) =	sbr.rel @p1 .LBB2_27-.Ltmp12, $4  }
0x1cb: {  	v17 =	vor.u32 v0, v16;
	v18 =	vmul.f32 v26, v20;
	v7 =	vld.idx.msk [tilespmem:v3+s3+$0x0], $0xffff  }
0x1cc: {  	v10 =	vadd.f32 v9, v10;
	v12 =	vadd.f32 v25, v12;
	v14 =	vld.idx.msk [tilespmem:v24+s3+$0x0], $0xffff  }
0x1cd: {  	v11 =	vadd.s32 $0x8, v11;
	v16 =	vld.idx.msk [tilespmem:v24+s31+$0x0], $0xffff  }
0x1ce: {  	v11 =	vand.u32 $0x7F, v11;
	v10 =	vadd.f32 v21, v10;
	v12 =	vadd.f32 v18, v12;
	v9 =	vld.idx.msk [tilespmem:v8+s31+$0x0], $0xffff  }
0x1cf: {  	_ =	sdelay $0x3  }
0x1d0: {  	v0 =	vld.idx.msk [tilespmem:v2+s3+$0x0], $0xffff  }
0x1d1: {  	v60 =	vld.idx.msk [tilespmem:v17+s31+$0x0], $0xffff  }
0x1d2: {  	v3 =	vld.idx.msk [tilespmem:v3+s31+$0x0], $0xffff  }
0x1d3: {  	v11 =	vld.idx.msk [tilespmem:v17+s3+$0x0], $0xffff  }
0x1d4: {  	v8 =	vld.idx.msk [tilespmem:v8+s3+$0x0], $0xffff;
	v13 =	vmul.f32 v15, v13  }
0x1d5: {  	v61 =	vld.idx.msk [tilespmem:v6+s31+$0x0], $0xffff;
	v0 =	vmul.f32 v0, v1  }
0x1d6: {  	v62 =	vld.idx.msk [tilespmem:v6+s3+$0x0], $0xffff;
	v10 =	vadd.f32 v13, v10  }
0x1d7: {  	v14 =	vmul.f32 v14, v16;
	v3 =	vmul.f32 v7, v3;
	v0 =	vadd.f32 v0, v12  }
0x1d8: {  	v4 =	vmul.f32 v4, v5  }
0x1d9: {  	v63 =	vmul.f32 v8, v9;
	v3 =	vadd.f32 v3, v10;
	v0 =	vadd.f32 v14, v0  }
0x1da: {  	v2 =	vmul.f32 v11, v60  }
0x1db: {  	v1 =	vmul.f32 v62, v61;
	v3 =	vadd.f32 v63, v3;
	v0 =	vadd.f32 v4, v0;
	_ =	sdelay $0x1  }
.Ltmp13:
0x1dc: {  	v2 =	vadd.f32 v2, v3;
	v0 =	vadd.f32 v1, v0;
	(pc) =	sbr.rel @p0 .LBB2_26-.Ltmp13, $3  }
0x1dd: {  	_ = 	snop  }
0x1de: {  	v0 =	vadd.f32 v0, v2;
	_ =	sdelay $0x1  }
0x1df: {  	p1 =	por $0x0, $0x0;
	[tilespmem:s17+$0x84C0] =	vst v0;
	s17 =	simm.s32 $0x10  }
0x1e0: {  	s17 =	simm.s32 $0x0;
	s18 =	rddreg [dreg:$0xd];
	s19 =	simm.s32 $0x84C0  }
0x1e1: {  	[hbm4b:s18+s17] =	stream.linear.scatter [tilespmem:s19], [sflag:$0xA], $0x20, $0x38;
	[tilespmem:$0x8600] =	vst v63  }
0x1e2: {  	_ =	swait.ge [sflag:s13], $0x1000  }
0x1e3: {  	[sflag:s13] =	ssyncset.done $0x0  }
0x1e4: {  	[sflag:s13] =	ssyncadd.s32 $0xFFFFF000  }
0x1e5: {  	_ =	swait.ge [sflag:s14], $0x1000  }
0x1e6: {  	[sflag:s14] =	ssyncset.done $0x0  }
0x1e7: {  	s19 =	simm.s32 $0x140;
	[sflag:s14] =	ssyncadd.s32 $0xFFFFF000  }
0x1e8: {  	[tilespmem:s31], [sflag:$0x3] =	stream.indirect.gather [hbm4b:s1+s26], $0x80, s19, s26, $0xb8;
	[tilespmem:$0x8600] =	vst v63  }
0x1e9: {  	p1 =	por $0x1, $0x1;
	s19 =	simm.s32 $0x340  }
0x1ea: {  	[tilespmem:s3], [sflag:$0x7] =	stream.indirect.gather [hbm4b:s2+s26], $0x80, s19, s26, $0xb8;
	[tilespmem:$0x8600] =	vst v63  }
.LBB2_30:
0x1eb: {  	v9 =	vlaneseq.u32  }
0x1ec: {  	v0 =	vmov s17;
	v1 =	vmul.u32 $0x80, v9  }
0x1ed: {  	v0 =	vshll.u32 v0, $0x7;
	v2 =	vadd.s32 $0x1, v9  }
0x1ee: {  	v2 =	vand.u32 $0x7F, v2;
	v0 =	vor.u32 v1, v0  }
0x1ef: {  	v2 =	vor.u32 v0, v2  }
0x1f0: {  	v4 =	vadd.s32 $0x3, v9;
	v1 =	vadd.s32 $0x5, v9;
	v6 =	vor.u32 v0, v9  }
0x1f1: {  	v7 =	vadd.s32 $0x4, v9;
	v4 =	vand.u32 $0x7F, v4;
	v1 =	vand.u32 $0x7F, v1  }
0x1f2: {  	v11 =	vor.u32 v0, v4;
	v5 =	vor.u32 v0, v1;
	v1 =	vadd.s32 $0x2, v9  }
0x1f3: {  	v7 =	vand.u32 $0x7F, v7;
	v1 =	vand.u32 $0x7F, v1  }
0x1f4: {  	v8 =	vor.u32 v0, v7;
	v3 =	vor.u32 v0, v1;
	v1 =	vld.idx.msk [tilespmem:v2+s7+$0x0], $0xffff  }
0x1f5: {  	v13 =	vld.idx.msk [tilespmem:v6+s7+$0x0], $0xffff  }
0x1f6: {  	v15 =	vld.idx.msk [tilespmem:v6+s8+$0x0], $0xffff  }
0x1f7: {  	v12 =	vadd.s32 $0x6, v9;
	v14 =	vld.idx.msk [tilespmem:v11+s8+$0x0], $0xffff  }
0x1f8: {  	v12 =	vand.u32 $0x7F, v12;
	v16 =	vld.idx.msk [tilespmem:v11+s7+$0x0], $0xffff  }
0x1f9: {  	v17 =	vor.u32 v0, v12;
	v6 =	vadd.s32 $0x7, v9;
	v11 =	vadd.s32 $0x8, v9;
	v9 =	vld.idx.msk [tilespmem:v8+s7+$0x0], $0xffff  }
0x1fa: {  	v4 =	vld.idx.msk [tilespmem:v5+s8+$0x0], $0xffff  }
0x1fb: {  	v10 =	vimm.f32 $0.0e+00;
	v5 =	vld.idx.msk [tilespmem:v5+s7+$0x0], $0xffff;
	v6 =	vand.u32 $0x7F, v6  }
0x1fc: {  	p0 =	por p1, p1;
	s18 =	simm.s32 $0x0;
	v12 =	vimm.f32 $0.0e+00;
	v11 =	vand.u32 $0x7F, v11;
	v6 =	vor.u32 v0, v6;
	v7 =	vld.idx.msk [tilespmem:v3+s8+$0x0], $0xffff  }
.LBB2_31:
0x1fd: {  	v18 =	vadd.s32 $0x1, v11;
	v19 =	vadd.s32 $0x2, v11;
	v20 =	vadd.s32 $0x5, v11;
	s18 =	sadd.s32 $0x8, s18;
	v21 =	vld.idx.msk [tilespmem:v2+s8+$0x0], $0xffff  }
0x1fe: {  	v13 =	vmul.f32 v15, v13;
	v2 =	vand.u32 $0x7F, v18;
	v18 =	vand.u32 $0x7F, v19;
	p1 =	slt.u32 s18, $0x78;
	v15 =	vld.idx.msk [tilespmem:v17+s7+$0x0], $0xffff  }
0x1ff: {  	v19 =	vand.u32 $0x7F, v20;
	v20 =	vadd.s32 $0x7, v11;
	v2 =	vor.u32 v0, v2;
	v17 =	vld.idx.msk [tilespmem:v17+s8+$0x0], $0xffff  }
0x200: {  	v22 =	vor.u32 v0, v11;
	v19 =	vor.u32 v0, v19;
	v20 =	vand.u32 $0x7F, v20;
	v23 =	vld.idx.msk [tilespmem:v3+s7+$0x0], $0xffff  }
0x201: {  	v24 =	vadd.s32 $0x3, v11;
	v3 =	vor.u32 v0, v18;
	v14 =	vmul.f32 v14, v16;
	v16 =	vld.idx.msk [tilespmem:v8+s8+$0x0], $0xffff  }
0x202: {  	v18 =	vor.u32 v0, v20;
	v8 =	vand.u32 $0x7F, v24;
	v20 =	vld.idx.msk [tilespmem:v6+s7+$0x0], $0xffff  }
0x203: {  	v25 =	vmul.f32 v4, v5;
	v24 =	vor.u32 v0, v8;
	v8 =	vadd.s32 $0x4, v11;
	v26 =	vld.idx.msk [tilespmem:v6+s8+$0x0], $0xffff;
	v6 =	vmovc v18  }
0x204: {  	v4 =	vand.u32 $0x7F, v8;
	v18 =	vmul.f32 v21, v1;
	v1 =	vld.idx.msk [tilespmem:v2+s7+$0x0], $0xffff  }
0x205: {  	v8 =	vor.u32 v0, v4;
	v21 =	vmul.f32 v17, v15;
	v4 =	vld.idx.msk [tilespmem:v19+s8+$0x0], $0xffff  }
0x206: {  	v10 =	vadd.f32 v13, v10;
	v12 =	vadd.f32 v18, v12;
	v7 =	vmul.f32 v7, v23;
	v5 =	vld.idx.msk [tilespmem:v19+s7+$0x0], $0xffff  }
0x207: {  	v17 =	vadd.s32 $0x6, v11;
	v9 =	vmul.f32 v16, v9;
	v13 =	vld.idx.msk [tilespmem:v22+s7+$0x0], $0xffff  }
.Ltmp14:
0x208: {  	v16 =	vand.u32 $0x7F, v17;
	v10 =	vadd.f32 v7, v10;
	v12 =	vadd.f32 v14, v12;
	v15 =	vld.idx.msk [tilespmem:v22+s8+$0x0], $0xffff;
	(pc) =	sbr.rel @p1 .LBB2_31-.Ltmp14, $4  }
0x209: {  	v17 =	vor.u32 v0, v16;
	v18 =	vmul.f32 v26, v20;
	v7 =	vld.idx.msk [tilespmem:v3+s8+$0x0], $0xffff  }
0x20a: {  	v10 =	vadd.f32 v9, v10;
	v12 =	vadd.f32 v25, v12;
	v14 =	vld.idx.msk [tilespmem:v24+s8+$0x0], $0xffff  }
0x20b: {  	v11 =	vadd.s32 $0x8, v11;
	v16 =	vld.idx.msk [tilespmem:v24+s7+$0x0], $0xffff  }
0x20c: {  	v11 =	vand.u32 $0x7F, v11;
	v10 =	vadd.f32 v21, v10;
	v12 =	vadd.f32 v18, v12;
	v9 =	vld.idx.msk [tilespmem:v8+s7+$0x0], $0xffff  }
0x20d: {  	_ =	sdelay $0x3  }
0x20e: {  	v0 =	vld.idx.msk [tilespmem:v2+s8+$0x0], $0xffff  }
0x20f: {  	v60 =	vld.idx.msk [tilespmem:v17+s7+$0x0], $0xffff  }
0x210: {  	v3 =	vld.idx.msk [tilespmem:v3+s7+$0x0], $0xffff  }
0x211: {  	v11 =	vld.idx.msk [tilespmem:v17+s8+$0x0], $0xffff  }
0x212: {  	v8 =	vld.idx.msk [tilespmem:v8+s8+$0x0], $0xffff;
	v13 =	vmul.f32 v15, v13  }
0x213: {  	v61 =	vld.idx.msk [tilespmem:v6+s7+$0x0], $0xffff;
	v0 =	vmul.f32 v0, v1  }
0x214: {  	v62 =	vld.idx.msk [tilespmem:v6+s8+$0x0], $0xffff;
	v10 =	vadd.f32 v13, v10  }
0x215: {  	v14 =	vmul.f32 v14, v16;
	v3 =	vmul.f32 v7, v3;
	v0 =	vadd.f32 v0, v12  }
0x216: {  	v4 =	vmul.f32 v4, v5  }
0x217: {  	v63 =	vmul.f32 v8, v9;
	v3 =	vadd.f32 v3, v10;
	v0 =	vadd.f32 v14, v0  }
0x218: {  	v2 =	vmul.f32 v11, v60  }
0x219: {  	v1 =	vmul.f32 v62, v61;
	v3 =	vadd.f32 v63, v3;
	v0 =	vadd.f32 v4, v0;
	_ =	sdelay $0x1  }
.Ltmp15:
0x21a: {  	v2 =	vadd.f32 v2, v3;
	v0 =	vadd.f32 v1, v0;
	(pc) =	sbr.rel @p0 .LBB2_30-.Ltmp15, $3  }
0x21b: {  	_ = 	snop  }
0x21c: {  	v0 =	vadd.f32 v0, v2;
	_ =	sdelay $0x1  }
0x21d: {  	p1 =	por $0x0, $0x0;
	[tilespmem:s17+$0x84E0] =	vst v0;
	s17 =	simm.s32 $0x10  }
0x21e: {  	s17 =	simm.s32 $0x0;
	s18 =	rddreg [dreg:$0xe];
	s19 =	simm.s32 $0x84E0  }
0x21f: {  	[hbm4b:s18+s17] =	stream.linear.scatter [tilespmem:s19], [sflag:$0xA], $0x20, $0x38;
	[tilespmem:$0x8600] =	vst v63  }
0x220: {  	_ =	swait.ge [sflag:s24], $0x1000  }
0x221: {  	[sflag:s24] =	ssyncset.done $0x0  }
0x222: {  	[sflag:s24] =	ssyncadd.s32 $0xFFFFF000  }
0x223: {  	_ =	swait.ge [sflag:s6], $0x1000  }
0x224: {  	[sflag:s6] =	ssyncset.done $0x0  }
0x225: {  	s19 =	simm.s32 $0x160;
	[sflag:s6] =	ssyncadd.s32 $0xFFFFF000  }
0x226: {  	[tilespmem:s7], [sflag:$0x4] =	stream.indirect.gather [hbm4b:s1+s26], $0x80, s19, s26, $0xb8;
	[tilespmem:$0x8600] =	vst v63  }
0x227: {  	p1 =	por $0x1, $0x1;
	s19 =	simm.s32 $0x360  }
0x228: {  	[tilespmem:s8], [sflag:$0x8] =	stream.indirect.gather [hbm4b:s2+s26], $0x80, s19, s26, $0xb8;
	[tilespmem:$0x8600] =	vst v63  }
.LBB2_34:
0x229: {  	v9 =	vlaneseq.u32  }
0x22a: {  	v0 =	vmov s17;
	v1 =	vmul.u32 $0x80, v9  }
0x22b: {  	v0 =	vshll.u32 v0, $0x7;
	v2 =	vadd.s32 $0x1, v9  }
0x22c: {  	v2 =	vand.u32 $0x7F, v2;
	v0 =	vor.u32 v1, v0  }
0x22d: {  	v2 =	vor.u32 v0, v2  }
0x22e: {  	v4 =	vadd.s32 $0x3, v9;
	v1 =	vadd.s32 $0x5, v9;
	v6 =	vor.u32 v0, v9  }
0x22f: {  	v7 =	vadd.s32 $0x4, v9;
	v4 =	vand.u32 $0x7F, v4;
	v1 =	vand.u32 $0x7F, v1  }
0x230: {  	v11 =	vor.u32 v0, v4;
	v5 =	vor.u32 v0, v1;
	v1 =	vadd.s32 $0x2, v9  }
0x231: {  	v7 =	vand.u32 $0x7F, v7;
	v1 =	vand.u32 $0x7F, v1  }
0x232: {  	v8 =	vor.u32 v0, v7;
	v3 =	vor.u32 v0, v1;
	v1 =	vld.idx.msk [tilespmem:v2+s28+$0x0], $0xffff  }
0x233: {  	v13 =	vld.idx.msk [tilespmem:v6+s28+$0x0], $0xffff  }
0x234: {  	v15 =	vld.idx.msk [tilespmem:v6+s29+$0x0], $0xffff  }
0x235: {  	v12 =	vadd.s32 $0x6, v9;
	v14 =	vld.idx.msk [tilespmem:v11+s29+$0x0], $0xffff  }
0x236: {  	v12 =	vand.u32 $0x7F, v12;
	v16 =	vld.idx.msk [tilespmem:v11+s28+$0x0], $0xffff  }
0x237: {  	v17 =	vor.u32 v0, v12;
	v6 =	vadd.s32 $0x7, v9;
	v11 =	vadd.s32 $0x8, v9;
	v9 =	vld.idx.msk [tilespmem:v8+s28+$0x0], $0xffff  }
0x238: {  	v4 =	vld.idx.msk [tilespmem:v5+s29+$0x0], $0xffff  }
0x239: {  	v10 =	vimm.f32 $0.0e+00;
	v5 =	vld.idx.msk [tilespmem:v5+s28+$0x0], $0xffff;
	v6 =	vand.u32 $0x7F, v6  }
0x23a: {  	p0 =	por p1, p1;
	s18 =	simm.s32 $0x0;
	v12 =	vimm.f32 $0.0e+00;
	v11 =	vand.u32 $0x7F, v11;
	v6 =	vor.u32 v0, v6;
	v7 =	vld.idx.msk [tilespmem:v3+s29+$0x0], $0xffff  }
.LBB2_35:
0x23b: {  	v18 =	vadd.s32 $0x1, v11;
	v19 =	vadd.s32 $0x2, v11;
	v20 =	vadd.s32 $0x5, v11;
	s18 =	sadd.s32 $0x8, s18;
	v21 =	vld.idx.msk [tilespmem:v2+s29+$0x0], $0xffff  }
0x23c: {  	v13 =	vmul.f32 v15, v13;
	v2 =	vand.u32 $0x7F, v18;
	v18 =	vand.u32 $0x7F, v19;
	p1 =	slt.u32 s18, $0x78;
	v15 =	vld.idx.msk [tilespmem:v17+s28+$0x0], $0xffff  }
0x23d: {  	v19 =	vand.u32 $0x7F, v20;
	v20 =	vadd.s32 $0x7, v11;
	v2 =	vor.u32 v0, v2;
	v17 =	vld.idx.msk [tilespmem:v17+s29+$0x0], $0xffff  }
0x23e: {  	v22 =	vor.u32 v0, v11;
	v19 =	vor.u32 v0, v19;
	v20 =	vand.u32 $0x7F, v20;
	v23 =	vld.idx.msk [tilespmem:v3+s28+$0x0], $0xffff  }
0x23f: {  	v24 =	vadd.s32 $0x3, v11;
	v3 =	vor.u32 v0, v18;
	v14 =	vmul.f32 v14, v16;
	v16 =	vld.idx.msk [tilespmem:v8+s29+$0x0], $0xffff  }
0x240: {  	v18 =	vor.u32 v0, v20;
	v8 =	vand.u32 $0x7F, v24;
	v20 =	vld.idx.msk [tilespmem:v6+s28+$0x0], $0xffff  }
0x241: {  	v25 =	vmul.f32 v4, v5;
	v24 =	vor.u32 v0, v8;
	v8 =	vadd.s32 $0x4, v11;
	v26 =	vld.idx.msk [tilespmem:v6+s29+$0x0], $0xffff;
	v6 =	vmovc v18  }
0x242: {  	v4 =	vand.u32 $0x7F, v8;
	v18 =	vmul.f32 v21, v1;
	v1 =	vld.idx.msk [tilespmem:v2+s28+$0x0], $0xffff  }
0x243: {  	v8 =	vor.u32 v0, v4;
	v21 =	vmul.f32 v17, v15;
	v4 =	vld.idx.msk [tilespmem:v19+s29+$0x0], $0xffff  }
0x244: {  	v10 =	vadd.f32 v13, v10;
	v12 =	vadd.f32 v18, v12;
	v7 =	vmul.f32 v7, v23;
	v5 =	vld.idx.msk [tilespmem:v19+s28+$0x0], $0xffff  }
0x245: {  	v17 =	vadd.s32 $0x6, v11;
	v9 =	vmul.f32 v16, v9;
	v13 =	vld.idx.msk [tilespmem:v22+s28+$0x0], $0xffff  }
.Ltmp16:
0x246: {  	v16 =	vand.u32 $0x7F, v17;
	v10 =	vadd.f32 v7, v10;
	v12 =	vadd.f32 v14, v12;
	v15 =	vld.idx.msk [tilespmem:v22+s29+$0x0], $0xffff;
	(pc) =	sbr.rel @p1 .LBB2_35-.Ltmp16, $4  }
0x247: {  	v17 =	vor.u32 v0, v16;
	v18 =	vmul.f32 v26, v20;
	v7 =	vld.idx.msk [tilespmem:v3+s29+$0x0], $0xffff  }
0x248: {  	v10 =	vadd.f32 v9, v10;
	v12 =	vadd.f32 v25, v12;
	v14 =	vld.idx.msk [tilespmem:v24+s29+$0x0], $0xffff  }
0x249: {  	v11 =	vadd.s32 $0x8, v11;
	v16 =	vld.idx.msk [tilespmem:v24+s28+$0x0], $0xffff  }
0x24a: {  	v11 =	vand.u32 $0x7F, v11;
	v10 =	vadd.f32 v21, v10;
	v12 =	vadd.f32 v18, v12;
	v9 =	vld.idx.msk [tilespmem:v8+s28+$0x0], $0xffff  }
0x24b: {  	_ =	sdelay $0x3  }
0x24c: {  	v0 =	vld.idx.msk [tilespmem:v2+s29+$0x0], $0xffff  }
0x24d: {  	v60 =	vld.idx.msk [tilespmem:v17+s28+$0x0], $0xffff  }
0x24e: {  	v3 =	vld.idx.msk [tilespmem:v3+s28+$0x0], $0xffff  }
0x24f: {  	v11 =	vld.idx.msk [tilespmem:v17+s29+$0x0], $0xffff  }
0x250: {  	v8 =	vld.idx.msk [tilespmem:v8+s29+$0x0], $0xffff;
	v13 =	vmul.f32 v15, v13  }
0x251: {  	v61 =	vld.idx.msk [tilespmem:v6+s28+$0x0], $0xffff;
	v0 =	vmul.f32 v0, v1  }
0x252: {  	v62 =	vld.idx.msk [tilespmem:v6+s29+$0x0], $0xffff;
	v10 =	vadd.f32 v13, v10  }
0x253: {  	v14 =	vmul.f32 v14, v16;
	v3 =	vmul.f32 v7, v3;
	v0 =	vadd.f32 v0, v12  }
0x254: {  	v4 =	vmul.f32 v4, v5  }
0x255: {  	v63 =	vmul.f32 v8, v9;
	v3 =	vadd.f32 v3, v10;
	v0 =	vadd.f32 v14, v0  }
0x256: {  	v2 =	vmul.f32 v11, v60  }
0x257: {  	v1 =	vmul.f32 v62, v61;
	v3 =	vadd.f32 v63, v3;
	v0 =	vadd.f32 v4, v0;
	_ =	sdelay $0x1  }
.Ltmp17:
0x258: {  	v2 =	vadd.f32 v2, v3;
	v0 =	vadd.f32 v1, v0;
	(pc) =	sbr.rel @p0 .LBB2_34-.Ltmp17, $3  }
0x259: {  	_ = 	snop  }
0x25a: {  	v0 =	vadd.f32 v0, v2;
	_ =	sdelay $0x1  }
0x25b: {  	p1 =	por $0x0, $0x0;
	[tilespmem:s17+$0x8500] =	vst v0;
	s17 =	simm.s32 $0x10  }
0x25c: {  	s17 =	simm.s32 $0x0;
	s18 =	rddreg [dreg:$0xf];
	s19 =	simm.s32 $0x8500  }
0x25d: {  	[hbm4b:s18+s17] =	stream.linear.scatter [tilespmem:s19], [sflag:$0xA], $0x20, $0x38;
	[tilespmem:$0x8600] =	vst v63  }
0x25e: {  	_ =	swait.ge [sflag:s9], $0x1000  }
0x25f: {  	[sflag:s9] =	ssyncset.done $0x0  }
0x260: {  	[sflag:s9] =	ssyncadd.s32 $0xFFFFF000  }
0x261: {  	_ =	swait.ge [sflag:s10], $0x1000  }
0x262: {  	[sflag:s10] =	ssyncset.done $0x0  }
0x263: {  	s19 =	simm.s32 $0x180;
	[sflag:s10] =	ssyncadd.s32 $0xFFFFF000  }
0x264: {  	[tilespmem:s28], [sflag:$0x1] =	stream.indirect.gather [hbm4b:s1+s26], $0x80, s19, s26, $0xb8;
	[tilespmem:$0x8600] =	vst v63  }
0x265: {  	p1 =	por $0x1, $0x1;
	s19 =	simm.s32 $0x380  }
0x266: {  	[tilespmem:s29], [sflag:$0x5] =	stream.indirect.gather [hbm4b:s2+s26], $0x80, s19, s26, $0xb8;
	[tilespmem:$0x8600] =	vst v63  }
.LBB2_38:
0x267: {  	v9 =	vlaneseq.u32  }
0x268: {  	v0 =	vmov s17;
	v1 =	vmul.u32 $0x80, v9  }
0x269: {  	v0 =	vshll.u32 v0, $0x7;
	v2 =	vadd.s32 $0x1, v9  }
0x26a: {  	v2 =	vand.u32 $0x7F, v2;
	v0 =	vor.u32 v1, v0  }
0x26b: {  	v2 =	vor.u32 v0, v2  }
0x26c: {  	v4 =	vadd.s32 $0x3, v9;
	v1 =	vadd.s32 $0x5, v9;
	v6 =	vor.u32 v0, v9  }
0x26d: {  	v7 =	vadd.s32 $0x4, v9;
	v4 =	vand.u32 $0x7F, v4;
	v1 =	vand.u32 $0x7F, v1  }
0x26e: {  	v11 =	vor.u32 v0, v4;
	v5 =	vor.u32 v0, v1;
	v1 =	vadd.s32 $0x2, v9  }
0x26f: {  	v7 =	vand.u32 $0x7F, v7;
	v1 =	vand.u32 $0x7F, v1  }
0x270: {  	v8 =	vor.u32 v0, v7;
	v3 =	vor.u32 v0, v1;
	v1 =	vld.idx.msk [tilespmem:v2+s30+$0x0], $0xffff  }
0x271: {  	v13 =	vld.idx.msk [tilespmem:v6+s30+$0x0], $0xffff  }
0x272: {  	v15 =	vld.idx.msk [tilespmem:v6+s0+$0x0], $0xffff  }
0x273: {  	v12 =	vadd.s32 $0x6, v9;
	v14 =	vld.idx.msk [tilespmem:v11+s0+$0x0], $0xffff  }
0x274: {  	v12 =	vand.u32 $0x7F, v12;
	v16 =	vld.idx.msk [tilespmem:v11+s30+$0x0], $0xffff  }
0x275: {  	v17 =	vor.u32 v0, v12;
	v6 =	vadd.s32 $0x7, v9;
	v11 =	vadd.s32 $0x8, v9;
	v9 =	vld.idx.msk [tilespmem:v8+s30+$0x0], $0xffff  }
0x276: {  	v4 =	vld.idx.msk [tilespmem:v5+s0+$0x0], $0xffff  }
0x277: {  	v10 =	vimm.f32 $0.0e+00;
	v5 =	vld.idx.msk [tilespmem:v5+s30+$0x0], $0xffff;
	v6 =	vand.u32 $0x7F, v6  }
0x278: {  	p0 =	por p1, p1;
	s18 =	simm.s32 $0x0;
	v12 =	vimm.f32 $0.0e+00;
	v11 =	vand.u32 $0x7F, v11;
	v6 =	vor.u32 v0, v6;
	v7 =	vld.idx.msk [tilespmem:v3+s0+$0x0], $0xffff  }
.LBB2_39:
0x279: {  	v18 =	vadd.s32 $0x1, v11;
	v19 =	vadd.s32 $0x2, v11;
	v20 =	vadd.s32 $0x5, v11;
	s18 =	sadd.s32 $0x8, s18;
	v21 =	vld.idx.msk [tilespmem:v2+s0+$0x0], $0xffff  }
0x27a: {  	v13 =	vmul.f32 v15, v13;
	v2 =	vand.u32 $0x7F, v18;
	v18 =	vand.u32 $0x7F, v19;
	p1 =	slt.u32 s18, $0x78;
	v15 =	vld.idx.msk [tilespmem:v17+s30+$0x0], $0xffff  }
0x27b: {  	v19 =	vand.u32 $0x7F, v20;
	v20 =	vadd.s32 $0x7, v11;
	v2 =	vor.u32 v0, v2;
	v17 =	vld.idx.msk [tilespmem:v17+s0+$0x0], $0xffff  }
0x27c: {  	v22 =	vor.u32 v0, v11;
	v19 =	vor.u32 v0, v19;
	v20 =	vand.u32 $0x7F, v20;
	v23 =	vld.idx.msk [tilespmem:v3+s30+$0x0], $0xffff  }
0x27d: {  	v24 =	vadd.s32 $0x3, v11;
	v3 =	vor.u32 v0, v18;
	v14 =	vmul.f32 v14, v16;
	v16 =	vld.idx.msk [tilespmem:v8+s0+$0x0], $0xffff  }
0x27e: {  	v18 =	vor.u32 v0, v20;
	v8 =	vand.u32 $0x7F, v24;
	v20 =	vld.idx.msk [tilespmem:v6+s30+$0x0], $0xffff  }
0x27f: {  	v25 =	vmul.f32 v4, v5;
	v24 =	vor.u32 v0, v8;
	v8 =	vadd.s32 $0x4, v11;
	v26 =	vld.idx.msk [tilespmem:v6+s0+$0x0], $0xffff;
	v6 =	vmovc v18  }
0x280: {  	v4 =	vand.u32 $0x7F, v8;
	v18 =	vmul.f32 v21, v1;
	v1 =	vld.idx.msk [tilespmem:v2+s30+$0x0], $0xffff  }
0x281: {  	v8 =	vor.u32 v0, v4;
	v21 =	vmul.f32 v17, v15;
	v4 =	vld.idx.msk [tilespmem:v19+s0+$0x0], $0xffff  }
0x282: {  	v10 =	vadd.f32 v13, v10;
	v12 =	vadd.f32 v18, v12;
	v7 =	vmul.f32 v7, v23;
	v5 =	vld.idx.msk [tilespmem:v19+s30+$0x0], $0xffff  }
0x283: {  	v17 =	vadd.s32 $0x6, v11;
	v9 =	vmul.f32 v16, v9;
	v13 =	vld.idx.msk [tilespmem:v22+s30+$0x0], $0xffff  }
.Ltmp18:
0x284: {  	v16 =	vand.u32 $0x7F, v17;
	v10 =	vadd.f32 v7, v10;
	v12 =	vadd.f32 v14, v12;
	v15 =	vld.idx.msk [tilespmem:v22+s0+$0x0], $0xffff;
	(pc) =	sbr.rel @p1 .LBB2_39-.Ltmp18, $4  }
0x285: {  	v17 =	vor.u32 v0, v16;
	v18 =	vmul.f32 v26, v20;
	v7 =	vld.idx.msk [tilespmem:v3+s0+$0x0], $0xffff  }
0x286: {  	v10 =	vadd.f32 v9, v10;
	v12 =	vadd.f32 v25, v12;
	v14 =	vld.idx.msk [tilespmem:v24+s0+$0x0], $0xffff  }
0x287: {  	v11 =	vadd.s32 $0x8, v11;
	v16 =	vld.idx.msk [tilespmem:v24+s30+$0x0], $0xffff  }
0x288: {  	v11 =	vand.u32 $0x7F, v11;
	v10 =	vadd.f32 v21, v10;
	v12 =	vadd.f32 v18, v12;
	v9 =	vld.idx.msk [tilespmem:v8+s30+$0x0], $0xffff  }
0x289: {  	_ =	sdelay $0x3  }
0x28a: {  	v0 =	vld.idx.msk [tilespmem:v2+s0+$0x0], $0xffff  }
0x28b: {  	v60 =	vld.idx.msk [tilespmem:v17+s30+$0x0], $0xffff  }
0x28c: {  	v3 =	vld.idx.msk [tilespmem:v3+s30+$0x0], $0xffff  }
0x28d: {  	v11 =	vld.idx.msk [tilespmem:v17+s0+$0x0], $0xffff  }
0x28e: {  	v8 =	vld.idx.msk [tilespmem:v8+s0+$0x0], $0xffff;
	v13 =	vmul.f32 v15, v13  }
0x28f: {  	v61 =	vld.idx.msk [tilespmem:v6+s30+$0x0], $0xffff;
	v0 =	vmul.f32 v0, v1  }
0x290: {  	v62 =	vld.idx.msk [tilespmem:v6+s0+$0x0], $0xffff;
	v10 =	vadd.f32 v13, v10  }
0x291: {  	v14 =	vmul.f32 v14, v16;
	v3 =	vmul.f32 v7, v3;
	v0 =	vadd.f32 v0, v12  }
0x292: {  	v4 =	vmul.f32 v4, v5  }
0x293: {  	v63 =	vmul.f32 v8, v9;
	v3 =	vadd.f32 v3, v10;
	v0 =	vadd.f32 v14, v0  }
0x294: {  	v2 =	vmul.f32 v11, v60  }
0x295: {  	v1 =	vmul.f32 v62, v61;
	v3 =	vadd.f32 v63, v3;
	v0 =	vadd.f32 v4, v0;
	_ =	sdelay $0x1  }
.Ltmp19:
0x296: {  	v2 =	vadd.f32 v2, v3;
	v0 =	vadd.f32 v1, v0;
	(pc) =	sbr.rel @p0 .LBB2_38-.Ltmp19, $3  }
0x297: {  	_ = 	snop  }
0x298: {  	v0 =	vadd.f32 v0, v2;
	_ =	sdelay $0x1  }
0x299: {  	p1 =	por $0x0, $0x0;
	[tilespmem:s17+$0x8520] =	vst v0;
	s17 =	simm.s32 $0x10  }
0x29a: {  	s17 =	simm.s32 $0x0;
	s18 =	rddreg [dreg:$0x10];
	s19 =	simm.s32 $0x8520  }
0x29b: {  	[hbm4b:s18+s17] =	stream.linear.scatter [tilespmem:s19], [sflag:$0xA], $0x20, $0x38;
	[tilespmem:$0x8600] =	vst v63  }
0x29c: {  	_ =	swait.ge [sflag:s11], $0x1000  }
0x29d: {  	[sflag:s11] =	ssyncset.done $0x0  }
0x29e: {  	[sflag:s11] =	ssyncadd.s32 $0xFFFFF000  }
0x29f: {  	_ =	swait.ge [sflag:s12], $0x1000  }
0x2a0: {  	[sflag:s12] =	ssyncset.done $0x0  }
0x2a1: {  	s19 =	simm.s32 $0x1A0;
	[sflag:s12] =	ssyncadd.s32 $0xFFFFF000  }
0x2a2: {  	[tilespmem:s30], [sflag:$0x2] =	stream.indirect.gather [hbm4b:s1+s26], $0x80, s19, s26, $0xb8;
	[tilespmem:$0x8600] =	vst v63  }
0x2a3: {  	p1 =	por $0x1, $0x1;
	s19 =	simm.s32 $0x3A0  }
0x2a4: {  	[tilespmem:s0], [sflag:$0x6] =	stream.indirect.gather [hbm4b:s2+s26], $0x80, s19, s26, $0xb8;
	[tilespmem:$0x8600] =	vst v63  }
.LBB2_42:
0x2a5: {  	v9 =	vlaneseq.u32  }
0x2a6: {  	v0 =	vmov s17;
	v1 =	vmul.u32 $0x80, v9  }
0x2a7: {  	v0 =	vshll.u32 v0, $0x7;
	v2 =	vadd.s32 $0x1, v9  }
0x2a8: {  	v2 =	vand.u32 $0x7F, v2;
	v0 =	vor.u32 v1, v0  }
0x2a9: {  	v2 =	vor.u32 v0, v2  }
0x2aa: {  	v4 =	vadd.s32 $0x3, v9;
	v1 =	vadd.s32 $0x5, v9;
	v6 =	vor.u32 v0, v9  }
0x2ab: {  	v7 =	vadd.s32 $0x4, v9;
	v4 =	vand.u32 $0x7F, v4;
	v1 =	vand.u32 $0x7F, v1  }
0x2ac: {  	v11 =	vor.u32 v0, v4;
	v5 =	vor.u32 v0, v1;
	v1 =	vadd.s32 $0x2, v9  }
0x2ad: {  	v7 =	vand.u32 $0x7F, v7;
	v1 =	vand.u32 $0x7F, v1  }
0x2ae: {  	v8 =	vor.u32 v0, v7;
	v3 =	vor.u32 v0, v1;
	v1 =	vld.idx.msk [tilespmem:v2+s31+$0x0], $0xffff  }
0x2af: {  	v13 =	vld.idx.msk [tilespmem:v6+s31+$0x0], $0xffff  }
0x2b0: {  	v15 =	vld.idx.msk [tilespmem:v6+s3+$0x0], $0xffff  }
0x2b1: {  	v12 =	vadd.s32 $0x6, v9;
	v14 =	vld.idx.msk [tilespmem:v11+s3+$0x0], $0xffff  }
0x2b2: {  	v12 =	vand.u32 $0x7F, v12;
	v16 =	vld.idx.msk [tilespmem:v11+s31+$0x0], $0xffff  }
0x2b3: {  	v17 =	vor.u32 v0, v12;
	v6 =	vadd.s32 $0x7, v9;
	v11 =	vadd.s32 $0x8, v9;
	v9 =	vld.idx.msk [tilespmem:v8+s31+$0x0], $0xffff  }
0x2b4: {  	v4 =	vld.idx.msk [tilespmem:v5+s3+$0x0], $0xffff  }
0x2b5: {  	v10 =	vimm.f32 $0.0e+00;
	v5 =	vld.idx.msk [tilespmem:v5+s31+$0x0], $0xffff;
	v6 =	vand.u32 $0x7F, v6  }
0x2b6: {  	p0 =	por p1, p1;
	s18 =	simm.s32 $0x0;
	v12 =	vimm.f32 $0.0e+00;
	v11 =	vand.u32 $0x7F, v11;
	v6 =	vor.u32 v0, v6;
	v7 =	vld.idx.msk [tilespmem:v3+s3+$0x0], $0xffff  }
.LBB2_43:
0x2b7: {  	v18 =	vadd.s32 $0x1, v11;
	v19 =	vadd.s32 $0x2, v11;
	v20 =	vadd.s32 $0x5, v11;
	s18 =	sadd.s32 $0x8, s18;
	v21 =	vld.idx.msk [tilespmem:v2+s3+$0x0], $0xffff  }
0x2b8: {  	v13 =	vmul.f32 v15, v13;
	v2 =	vand.u32 $0x7F, v18;
	v18 =	vand.u32 $0x7F, v19;
	p1 =	slt.u32 s18, $0x78;
	v15 =	vld.idx.msk [tilespmem:v17+s31+$0x0], $0xffff  }
0x2b9: {  	v19 =	vand.u32 $0x7F, v20;
	v20 =	vadd.s32 $0x7, v11;
	v2 =	vor.u32 v0, v2;
	v17 =	vld.idx.msk [tilespmem:v17+s3+$0x0], $0xffff  }
0x2ba: {  	v22 =	vor.u32 v0, v11;
	v19 =	vor.u32 v0, v19;
	v20 =	vand.u32 $0x7F, v20;
	v23 =	vld.idx.msk [tilespmem:v3+s31+$0x0], $0xffff  }
0x2bb: {  	v24 =	vadd.s32 $0x3, v11;
	v3 =	vor.u32 v0, v18;
	v14 =	vmul.f32 v14, v16;
	v16 =	vld.idx.msk [tilespmem:v8+s3+$0x0], $0xffff  }
0x2bc: {  	v18 =	vor.u32 v0, v20;
	v8 =	vand.u32 $0x7F, v24;
	v20 =	vld.idx.msk [tilespmem:v6+s31+$0x0], $0xffff  }
0x2bd: {  	v25 =	vmul.f32 v4, v5;
	v24 =	vor.u32 v0, v8;
	v8 =	vadd.s32 $0x4, v11;
	v26 =	vld.idx.msk [tilespmem:v6+s3+$0x0], $0xffff;
	v6 =	vmovc v18  }
0x2be: {  	v4 =	vand.u32 $0x7F, v8;
	v18 =	vmul.f32 v21, v1;
	v1 =	vld.idx.msk [tilespmem:v2+s31+$0x0], $0xffff  }
0x2bf: {  	v8 =	vor.u32 v0, v4;
	v21 =	vmul.f32 v17, v15;
	v4 =	vld.idx.msk [tilespmem:v19+s3+$0x0], $0xffff  }
0x2c0: {  	v10 =	vadd.f32 v13, v10;
	v12 =	vadd.f32 v18, v12;
	v7 =	vmul.f32 v7, v23;
	v5 =	vld.idx.msk [tilespmem:v19+s31+$0x0], $0xffff  }
0x2c1: {  	v17 =	vadd.s32 $0x6, v11;
	v9 =	vmul.f32 v16, v9;
	v13 =	vld.idx.msk [tilespmem:v22+s31+$0x0], $0xffff  }
.Ltmp20:
0x2c2: {  	v16 =	vand.u32 $0x7F, v17;
	v10 =	vadd.f32 v7, v10;
	v12 =	vadd.f32 v14, v12;
	v15 =	vld.idx.msk [tilespmem:v22+s3+$0x0], $0xffff;
	(pc) =	sbr.rel @p1 .LBB2_43-.Ltmp20, $4  }
0x2c3: {  	v17 =	vor.u32 v0, v16;
	v18 =	vmul.f32 v26, v20;
	v7 =	vld.idx.msk [tilespmem:v3+s3+$0x0], $0xffff  }
0x2c4: {  	v10 =	vadd.f32 v9, v10;
	v12 =	vadd.f32 v25, v12;
	v14 =	vld.idx.msk [tilespmem:v24+s3+$0x0], $0xffff  }
0x2c5: {  	v11 =	vadd.s32 $0x8, v11;
	v16 =	vld.idx.msk [tilespmem:v24+s31+$0x0], $0xffff  }
0x2c6: {  	v11 =	vand.u32 $0x7F, v11;
	v10 =	vadd.f32 v21, v10;
	v12 =	vadd.f32 v18, v12;
	v9 =	vld.idx.msk [tilespmem:v8+s31+$0x0], $0xffff  }
0x2c7: {  	_ =	sdelay $0x3  }
0x2c8: {  	v0 =	vld.idx.msk [tilespmem:v2+s3+$0x0], $0xffff  }
0x2c9: {  	v60 =	vld.idx.msk [tilespmem:v17+s31+$0x0], $0xffff  }
0x2ca: {  	v3 =	vld.idx.msk [tilespmem:v3+s31+$0x0], $0xffff  }
0x2cb: {  	v11 =	vld.idx.msk [tilespmem:v17+s3+$0x0], $0xffff  }
0x2cc: {  	v8 =	vld.idx.msk [tilespmem:v8+s3+$0x0], $0xffff;
	v13 =	vmul.f32 v15, v13  }
0x2cd: {  	v61 =	vld.idx.msk [tilespmem:v6+s31+$0x0], $0xffff;
	v0 =	vmul.f32 v0, v1  }
0x2ce: {  	v62 =	vld.idx.msk [tilespmem:v6+s3+$0x0], $0xffff;
	v10 =	vadd.f32 v13, v10  }
0x2cf: {  	v14 =	vmul.f32 v14, v16;
	v3 =	vmul.f32 v7, v3;
	v0 =	vadd.f32 v0, v12  }
0x2d0: {  	v4 =	vmul.f32 v4, v5  }
0x2d1: {  	v63 =	vmul.f32 v8, v9;
	v3 =	vadd.f32 v3, v10;
	v0 =	vadd.f32 v14, v0  }
0x2d2: {  	v2 =	vmul.f32 v11, v60  }
0x2d3: {  	v1 =	vmul.f32 v62, v61;
	v3 =	vadd.f32 v63, v3;
	v0 =	vadd.f32 v4, v0;
	_ =	sdelay $0x1  }
.Ltmp21:
0x2d4: {  	v2 =	vadd.f32 v2, v3;
	v0 =	vadd.f32 v1, v0;
	(pc) =	sbr.rel @p0 .LBB2_42-.Ltmp21, $3  }
0x2d5: {  	_ = 	snop  }
0x2d6: {  	v0 =	vadd.f32 v0, v2;
	_ =	sdelay $0x1  }
0x2d7: {  	p1 =	por $0x0, $0x0;
	[tilespmem:s17+$0x8540] =	vst v0;
	s17 =	simm.s32 $0x10  }
0x2d8: {  	s17 =	simm.s32 $0x0;
	s18 =	rddreg [dreg:$0x11];
	s19 =	simm.s32 $0x8540  }
0x2d9: {  	[hbm4b:s18+s17] =	stream.linear.scatter [tilespmem:s19], [sflag:$0xA], $0x20, $0x38;
	[tilespmem:$0x8600] =	vst v63  }
0x2da: {  	_ =	swait.ge [sflag:s13], $0x1000  }
0x2db: {  	[sflag:s13] =	ssyncset.done $0x0  }
0x2dc: {  	[sflag:s13] =	ssyncadd.s32 $0xFFFFF000  }
0x2dd: {  	_ =	swait.ge [sflag:s14], $0x1000  }
0x2de: {  	[sflag:s14] =	ssyncset.done $0x0  }
0x2df: {  	s19 =	simm.s32 $0x1C0;
	[sflag:s14] =	ssyncadd.s32 $0xFFFFF000  }
0x2e0: {  	[tilespmem:s31], [sflag:$0x3] =	stream.indirect.gather [hbm4b:s1+s26], $0x80, s19, s26, $0xb8;
	[tilespmem:$0x8600] =	vst v63  }
0x2e1: {  	p1 =	por $0x1, $0x1;
	s19 =	simm.s32 $0x3C0  }
0x2e2: {  	[tilespmem:s3], [sflag:$0x7] =	stream.indirect.gather [hbm4b:s2+s26], $0x80, s19, s26, $0xb8;
	[tilespmem:$0x8600] =	vst v63  }
.LBB2_46:
0x2e3: {  	v9 =	vlaneseq.u32  }
0x2e4: {  	v0 =	vmov s17;
	v1 =	vmul.u32 $0x80, v9  }
0x2e5: {  	v0 =	vshll.u32 v0, $0x7;
	v2 =	vadd.s32 $0x1, v9  }
0x2e6: {  	v2 =	vand.u32 $0x7F, v2;
	v0 =	vor.u32 v1, v0  }
0x2e7: {  	v2 =	vor.u32 v0, v2  }
0x2e8: {  	v4 =	vadd.s32 $0x3, v9;
	v1 =	vadd.s32 $0x5, v9;
	v6 =	vor.u32 v0, v9  }
0x2e9: {  	v7 =	vadd.s32 $0x4, v9;
	v4 =	vand.u32 $0x7F, v4;
	v1 =	vand.u32 $0x7F, v1  }
0x2ea: {  	v11 =	vor.u32 v0, v4;
	v5 =	vor.u32 v0, v1;
	v1 =	vadd.s32 $0x2, v9  }
0x2eb: {  	v7 =	vand.u32 $0x7F, v7;
	v1 =	vand.u32 $0x7F, v1  }
0x2ec: {  	v8 =	vor.u32 v0, v7;
	v3 =	vor.u32 v0, v1;
	v1 =	vld.idx.msk [tilespmem:v2+s7+$0x0], $0xffff  }
0x2ed: {  	v13 =	vld.idx.msk [tilespmem:v6+s7+$0x0], $0xffff  }
0x2ee: {  	v15 =	vld.idx.msk [tilespmem:v6+s8+$0x0], $0xffff  }
0x2ef: {  	v12 =	vadd.s32 $0x6, v9;
	v14 =	vld.idx.msk [tilespmem:v11+s8+$0x0], $0xffff  }
0x2f0: {  	v12 =	vand.u32 $0x7F, v12;
	v16 =	vld.idx.msk [tilespmem:v11+s7+$0x0], $0xffff  }
0x2f1: {  	v17 =	vor.u32 v0, v12;
	v6 =	vadd.s32 $0x7, v9;
	v11 =	vadd.s32 $0x8, v9;
	v9 =	vld.idx.msk [tilespmem:v8+s7+$0x0], $0xffff  }
0x2f2: {  	v4 =	vld.idx.msk [tilespmem:v5+s8+$0x0], $0xffff  }
0x2f3: {  	v10 =	vimm.f32 $0.0e+00;
	v5 =	vld.idx.msk [tilespmem:v5+s7+$0x0], $0xffff;
	v6 =	vand.u32 $0x7F, v6  }
0x2f4: {  	p0 =	por p1, p1;
	s18 =	simm.s32 $0x0;
	v12 =	vimm.f32 $0.0e+00;
	v11 =	vand.u32 $0x7F, v11;
	v6 =	vor.u32 v0, v6;
	v7 =	vld.idx.msk [tilespmem:v3+s8+$0x0], $0xffff  }
.LBB2_47:
0x2f5: {  	v18 =	vadd.s32 $0x1, v11;
	v19 =	vadd.s32 $0x2, v11;
	v20 =	vadd.s32 $0x5, v11;
	s18 =	sadd.s32 $0x8, s18;
	v21 =	vld.idx.msk [tilespmem:v2+s8+$0x0], $0xffff  }
0x2f6: {  	v13 =	vmul.f32 v15, v13;
	v2 =	vand.u32 $0x7F, v18;
	v18 =	vand.u32 $0x7F, v19;
	p1 =	slt.u32 s18, $0x78;
	v15 =	vld.idx.msk [tilespmem:v17+s7+$0x0], $0xffff  }
0x2f7: {  	v19 =	vand.u32 $0x7F, v20;
	v20 =	vadd.s32 $0x7, v11;
	v2 =	vor.u32 v0, v2;
	v17 =	vld.idx.msk [tilespmem:v17+s8+$0x0], $0xffff  }
0x2f8: {  	v22 =	vor.u32 v0, v11;
	v19 =	vor.u32 v0, v19;
	v20 =	vand.u32 $0x7F, v20;
	v23 =	vld.idx.msk [tilespmem:v3+s7+$0x0], $0xffff  }
0x2f9: {  	v24 =	vadd.s32 $0x3, v11;
	v3 =	vor.u32 v0, v18;
	v14 =	vmul.f32 v14, v16;
	v16 =	vld.idx.msk [tilespmem:v8+s8+$0x0], $0xffff  }
0x2fa: {  	v18 =	vor.u32 v0, v20;
	v8 =	vand.u32 $0x7F, v24;
	v20 =	vld.idx.msk [tilespmem:v6+s7+$0x0], $0xffff  }
0x2fb: {  	v25 =	vmul.f32 v4, v5;
	v24 =	vor.u32 v0, v8;
	v8 =	vadd.s32 $0x4, v11;
	v26 =	vld.idx.msk [tilespmem:v6+s8+$0x0], $0xffff;
	v6 =	vmovc v18  }
0x2fc: {  	v4 =	vand.u32 $0x7F, v8;
	v18 =	vmul.f32 v21, v1;
	v1 =	vld.idx.msk [tilespmem:v2+s7+$0x0], $0xffff  }
0x2fd: {  	v8 =	vor.u32 v0, v4;
	v21 =	vmul.f32 v17, v15;
	v4 =	vld.idx.msk [tilespmem:v19+s8+$0x0], $0xffff  }
0x2fe: {  	v10 =	vadd.f32 v13, v10;
	v12 =	vadd.f32 v18, v12;
	v7 =	vmul.f32 v7, v23;
	v5 =	vld.idx.msk [tilespmem:v19+s7+$0x0], $0xffff  }
0x2ff: {  	v17 =	vadd.s32 $0x6, v11;
	v9 =	vmul.f32 v16, v9;
	v13 =	vld.idx.msk [tilespmem:v22+s7+$0x0], $0xffff  }
.Ltmp22:
0x300: {  	v16 =	vand.u32 $0x7F, v17;
	v10 =	vadd.f32 v7, v10;
	v12 =	vadd.f32 v14, v12;
	v15 =	vld.idx.msk [tilespmem:v22+s8+$0x0], $0xffff;
	(pc) =	sbr.rel @p1 .LBB2_47-.Ltmp22, $4  }
0x301: {  	v17 =	vor.u32 v0, v16;
	v18 =	vmul.f32 v26, v20;
	v7 =	vld.idx.msk [tilespmem:v3+s8+$0x0], $0xffff  }
0x302: {  	v10 =	vadd.f32 v9, v10;
	v12 =	vadd.f32 v25, v12;
	v14 =	vld.idx.msk [tilespmem:v24+s8+$0x0], $0xffff  }
0x303: {  	v11 =	vadd.s32 $0x8, v11;
	v16 =	vld.idx.msk [tilespmem:v24+s7+$0x0], $0xffff  }
0x304: {  	v11 =	vand.u32 $0x7F, v11;
	v10 =	vadd.f32 v21, v10;
	v12 =	vadd.f32 v18, v12;
	v9 =	vld.idx.msk [tilespmem:v8+s7+$0x0], $0xffff  }
0x305: {  	_ =	sdelay $0x3  }
0x306: {  	v0 =	vld.idx.msk [tilespmem:v2+s8+$0x0], $0xffff  }
0x307: {  	v60 =	vld.idx.msk [tilespmem:v17+s7+$0x0], $0xffff  }
0x308: {  	v3 =	vld.idx.msk [tilespmem:v3+s7+$0x0], $0xffff  }
0x309: {  	v11 =	vld.idx.msk [tilespmem:v17+s8+$0x0], $0xffff  }
0x30a: {  	v8 =	vld.idx.msk [tilespmem:v8+s8+$0x0], $0xffff;
	v13 =	vmul.f32 v15, v13  }
0x30b: {  	v61 =	vld.idx.msk [tilespmem:v6+s7+$0x0], $0xffff;
	v0 =	vmul.f32 v0, v1  }
0x30c: {  	v62 =	vld.idx.msk [tilespmem:v6+s8+$0x0], $0xffff;
	v10 =	vadd.f32 v13, v10  }
0x30d: {  	v14 =	vmul.f32 v14, v16;
	v3 =	vmul.f32 v7, v3;
	v0 =	vadd.f32 v0, v12  }
0x30e: {  	v4 =	vmul.f32 v4, v5  }
0x30f: {  	v63 =	vmul.f32 v8, v9;
	v3 =	vadd.f32 v3, v10;
	v0 =	vadd.f32 v14, v0  }
0x310: {  	v2 =	vmul.f32 v11, v60  }
0x311: {  	v1 =	vmul.f32 v62, v61;
	v3 =	vadd.f32 v63, v3;
	v0 =	vadd.f32 v4, v0;
	_ =	sdelay $0x1  }
.Ltmp23:
0x312: {  	v2 =	vadd.f32 v2, v3;
	v0 =	vadd.f32 v1, v0;
	(pc) =	sbr.rel @p0 .LBB2_46-.Ltmp23, $3  }
0x313: {  	_ = 	snop  }
0x314: {  	v0 =	vadd.f32 v0, v2;
	_ =	sdelay $0x1  }
0x315: {  	p1 =	por $0x0, $0x0;
	[tilespmem:s17+$0x8560] =	vst v0;
	s17 =	simm.s32 $0x10  }
0x316: {  	s17 =	simm.s32 $0x0;
	s18 =	rddreg [dreg:$0x12];
	s19 =	simm.s32 $0x8560  }
0x317: {  	[hbm4b:s18+s17] =	stream.linear.scatter [tilespmem:s19], [sflag:$0xA], $0x20, $0x38;
	[tilespmem:$0x8600] =	vst v63  }
0x318: {  	_ =	swait.ge [sflag:s24], $0x1000  }
0x319: {  	[sflag:s24] =	ssyncset.done $0x0  }
0x31a: {  	[sflag:s24] =	ssyncadd.s32 $0xFFFFF000  }
0x31b: {  	_ =	swait.ge [sflag:s6], $0x1000  }
0x31c: {  	[sflag:s6] =	ssyncset.done $0x0  }
0x31d: {  	s19 =	simm.s32 $0x1E0;
	[sflag:s6] =	ssyncadd.s32 $0xFFFFF000  }
0x31e: {  	[tilespmem:s7], [sflag:$0x4] =	stream.indirect.gather [hbm4b:s1+s26], $0x80, s19, s26, $0xb8;
	[tilespmem:$0x8600] =	vst v63  }
0x31f: {  	p1 =	por $0x1, $0x1;
	s19 =	simm.s32 $0x3E0  }
0x320: {  	[tilespmem:s8], [sflag:$0x8] =	stream.indirect.gather [hbm4b:s2+s26], $0x80, s19, s26, $0xb8;
	[tilespmem:$0x8600] =	vst v63  }
.LBB2_50:
0x321: {  	v9 =	vlaneseq.u32  }
0x322: {  	v0 =	vmov s17;
	v1 =	vmul.u32 $0x80, v9  }
0x323: {  	v0 =	vshll.u32 v0, $0x7;
	v2 =	vadd.s32 $0x1, v9  }
0x324: {  	v2 =	vand.u32 $0x7F, v2;
	v0 =	vor.u32 v1, v0  }
0x325: {  	v2 =	vor.u32 v0, v2  }
0x326: {  	v4 =	vadd.s32 $0x3, v9;
	v1 =	vadd.s32 $0x5, v9;
	v6 =	vor.u32 v0, v9  }
0x327: {  	v7 =	vadd.s32 $0x4, v9;
	v4 =	vand.u32 $0x7F, v4;
	v1 =	vand.u32 $0x7F, v1  }
0x328: {  	v11 =	vor.u32 v0, v4;
	v5 =	vor.u32 v0, v1;
	v1 =	vadd.s32 $0x2, v9  }
0x329: {  	v7 =	vand.u32 $0x7F, v7;
	v1 =	vand.u32 $0x7F, v1  }
0x32a: {  	v8 =	vor.u32 v0, v7;
	v3 =	vor.u32 v0, v1;
	v1 =	vld.idx.msk [tilespmem:v2+s28+$0x0], $0xffff  }
0x32b: {  	v13 =	vld.idx.msk [tilespmem:v6+s28+$0x0], $0xffff  }
0x32c: {  	v15 =	vld.idx.msk [tilespmem:v6+s29+$0x0], $0xffff  }
0x32d: {  	v12 =	vadd.s32 $0x6, v9;
	v14 =	vld.idx.msk [tilespmem:v11+s29+$0x0], $0xffff  }
0x32e: {  	v12 =	vand.u32 $0x7F, v12;
	v16 =	vld.idx.msk [tilespmem:v11+s28+$0x0], $0xffff  }
0x32f: {  	v17 =	vor.u32 v0, v12;
	v6 =	vadd.s32 $0x7, v9;
	v11 =	vadd.s32 $0x8, v9;
	v9 =	vld.idx.msk [tilespmem:v8+s28+$0x0], $0xffff  }
0x330: {  	v4 =	vld.idx.msk [tilespmem:v5+s29+$0x0], $0xffff  }
0x331: {  	v10 =	vimm.f32 $0.0e+00;
	v5 =	vld.idx.msk [tilespmem:v5+s28+$0x0], $0xffff;
	v6 =	vand.u32 $0x7F, v6  }
0x332: {  	p0 =	por p1, p1;
	s18 =	simm.s32 $0x0;
	v12 =	vimm.f32 $0.0e+00;
	v11 =	vand.u32 $0x7F, v11;
	v6 =	vor.u32 v0, v6;
	v7 =	vld.idx.msk [tilespmem:v3+s29+$0x0], $0xffff  }
.LBB2_51:
0x333: {  	v18 =	vadd.s32 $0x1, v11;
	v19 =	vadd.s32 $0x2, v11;
	v20 =	vadd.s32 $0x5, v11;
	s18 =	sadd.s32 $0x8, s18;
	v21 =	vld.idx.msk [tilespmem:v2+s29+$0x0], $0xffff  }
0x334: {  	v13 =	vmul.f32 v15, v13;
	v2 =	vand.u32 $0x7F, v18;
	v18 =	vand.u32 $0x7F, v19;
	p1 =	slt.u32 s18, $0x78;
	v15 =	vld.idx.msk [tilespmem:v17+s28+$0x0], $0xffff  }
0x335: {  	v19 =	vand.u32 $0x7F, v20;
	v20 =	vadd.s32 $0x7, v11;
	v2 =	vor.u32 v0, v2;
	v17 =	vld.idx.msk [tilespmem:v17+s29+$0x0], $0xffff  }
0x336: {  	v22 =	vor.u32 v0, v11;
	v19 =	vor.u32 v0, v19;
	v20 =	vand.u32 $0x7F, v20;
	v23 =	vld.idx.msk [tilespmem:v3+s28+$0x0], $0xffff  }
0x337: {  	v24 =	vadd.s32 $0x3, v11;
	v3 =	vor.u32 v0, v18;
	v14 =	vmul.f32 v14, v16;
	v16 =	vld.idx.msk [tilespmem:v8+s29+$0x0], $0xffff  }
0x338: {  	v18 =	vor.u32 v0, v20;
	v8 =	vand.u32 $0x7F, v24;
	v20 =	vld.idx.msk [tilespmem:v6+s28+$0x0], $0xffff  }
0x339: {  	v25 =	vmul.f32 v4, v5;
	v24 =	vor.u32 v0, v8;
	v8 =	vadd.s32 $0x4, v11;
	v26 =	vld.idx.msk [tilespmem:v6+s29+$0x0], $0xffff;
	v6 =	vmovc v18  }
0x33a: {  	v4 =	vand.u32 $0x7F, v8;
	v18 =	vmul.f32 v21, v1;
	v1 =	vld.idx.msk [tilespmem:v2+s28+$0x0], $0xffff  }
0x33b: {  	v8 =	vor.u32 v0, v4;
	v21 =	vmul.f32 v17, v15;
	v4 =	vld.idx.msk [tilespmem:v19+s29+$0x0], $0xffff  }
0x33c: {  	v10 =	vadd.f32 v13, v10;
	v12 =	vadd.f32 v18, v12;
	v7 =	vmul.f32 v7, v23;
	v5 =	vld.idx.msk [tilespmem:v19+s28+$0x0], $0xffff  }
0x33d: {  	v17 =	vadd.s32 $0x6, v11;
	v9 =	vmul.f32 v16, v9;
	v13 =	vld.idx.msk [tilespmem:v22+s28+$0x0], $0xffff  }
.Ltmp24:
0x33e: {  	v16 =	vand.u32 $0x7F, v17;
	v10 =	vadd.f32 v7, v10;
	v12 =	vadd.f32 v14, v12;
	v15 =	vld.idx.msk [tilespmem:v22+s29+$0x0], $0xffff;
	(pc) =	sbr.rel @p1 .LBB2_51-.Ltmp24, $4  }
0x33f: {  	v17 =	vor.u32 v0, v16;
	v18 =	vmul.f32 v26, v20;
	v7 =	vld.idx.msk [tilespmem:v3+s29+$0x0], $0xffff  }
0x340: {  	v10 =	vadd.f32 v9, v10;
	v12 =	vadd.f32 v25, v12;
	v14 =	vld.idx.msk [tilespmem:v24+s29+$0x0], $0xffff  }
0x341: {  	v11 =	vadd.s32 $0x8, v11;
	v16 =	vld.idx.msk [tilespmem:v24+s28+$0x0], $0xffff  }
0x342: {  	v11 =	vand.u32 $0x7F, v11;
	v10 =	vadd.f32 v21, v10;
	v12 =	vadd.f32 v18, v12;
	v9 =	vld.idx.msk [tilespmem:v8+s28+$0x0], $0xffff  }
0x343: {  	_ =	sdelay $0x3  }
0x344: {  	v0 =	vld.idx.msk [tilespmem:v2+s29+$0x0], $0xffff  }
0x345: {  	v60 =	vld.idx.msk [tilespmem:v17+s28+$0x0], $0xffff  }
0x346: {  	v3 =	vld.idx.msk [tilespmem:v3+s28+$0x0], $0xffff  }
0x347: {  	v11 =	vld.idx.msk [tilespmem:v17+s29+$0x0], $0xffff  }
0x348: {  	v8 =	vld.idx.msk [tilespmem:v8+s29+$0x0], $0xffff;
	v13 =	vmul.f32 v15, v13  }
0x349: {  	v61 =	vld.idx.msk [tilespmem:v6+s28+$0x0], $0xffff;
	v0 =	vmul.f32 v0, v1  }
0x34a: {  	v62 =	vld.idx.msk [tilespmem:v6+s29+$0x0], $0xffff;
	v10 =	vadd.f32 v13, v10  }
0x34b: {  	v14 =	vmul.f32 v14, v16;
	v3 =	vmul.f32 v7, v3;
	v0 =	vadd.f32 v0, v12  }
0x34c: {  	v4 =	vmul.f32 v4, v5  }
0x34d: {  	v63 =	vmul.f32 v8, v9;
	v3 =	vadd.f32 v3, v10;
	v0 =	vadd.f32 v14, v0  }
0x34e: {  	v2 =	vmul.f32 v11, v60  }
0x34f: {  	v1 =	vmul.f32 v62, v61;
	v3 =	vadd.f32 v63, v3;
	v0 =	vadd.f32 v4, v0;
	_ =	sdelay $0x1  }
.Ltmp25:
0x350: {  	v2 =	vadd.f32 v2, v3;
	v0 =	vadd.f32 v1, v0;
	(pc) =	sbr.rel @p0 .LBB2_50-.Ltmp25, $3  }
0x351: {  	_ = 	snop  }
0x352: {  	v0 =	vadd.f32 v0, v2;
	_ =	sdelay $0x1  }
0x353: {  	p1 =	por $0x0, $0x0;
	[tilespmem:s17+$0x8580] =	vst v0;
	s17 =	simm.s32 $0x10  }
0x354: {  	s17 =	simm.s32 $0x0;
	s18 =	rddreg [dreg:$0x13];
	s19 =	simm.s32 $0x8580  }
0x355: {  	[hbm4b:s18+s17] =	stream.linear.scatter [tilespmem:s19], [sflag:$0xA], $0x20, $0x38;
	[tilespmem:$0x8600] =	vst v63  }
0x356: {  	_ =	swait.ge [sflag:s9], $0x1000  }
0x357: {  	[sflag:s9] =	ssyncset.done $0x0  }
0x358: {  	[sflag:s9] =	ssyncadd.s32 $0xFFFFF000  }
0x359: {  	_ =	swait.ge [sflag:s10], $0x1000  }
0x35a: {  	[sflag:s10] =	ssyncset.done $0x0  }
0x35b: {  	p1 =	por $0x1, $0x1;
	[sflag:s10] =	ssyncadd.s32 $0xFFFFF000  }
.LBB2_54:
0x35c: {  	v9 =	vlaneseq.u32  }
0x35d: {  	v0 =	vmov s17;
	v1 =	vmul.u32 $0x80, v9  }
0x35e: {  	v0 =	vshll.u32 v0, $0x7;
	v2 =	vadd.s32 $0x1, v9  }
0x35f: {  	v2 =	vand.u32 $0x7F, v2;
	v0 =	vor.u32 v1, v0  }
0x360: {  	v2 =	vor.u32 v0, v2  }
0x361: {  	v4 =	vadd.s32 $0x3, v9;
	v1 =	vadd.s32 $0x5, v9;
	v6 =	vor.u32 v0, v9  }
0x362: {  	v7 =	vadd.s32 $0x4, v9;
	v4 =	vand.u32 $0x7F, v4;
	v1 =	vand.u32 $0x7F, v1  }
0x363: {  	v11 =	vor.u32 v0, v4;
	v5 =	vor.u32 v0, v1;
	v1 =	vadd.s32 $0x2, v9  }
0x364: {  	v7 =	vand.u32 $0x7F, v7;
	v1 =	vand.u32 $0x7F, v1  }
0x365: {  	v8 =	vor.u32 v0, v7;
	v3 =	vor.u32 v0, v1;
	v1 =	vld.idx.msk [tilespmem:v2+s30+$0x0], $0xffff  }
0x366: {  	v13 =	vld.idx.msk [tilespmem:v6+s30+$0x0], $0xffff  }
0x367: {  	v15 =	vld.idx.msk [tilespmem:v6+s0+$0x0], $0xffff  }
0x368: {  	v12 =	vadd.s32 $0x6, v9;
	v14 =	vld.idx.msk [tilespmem:v11+s0+$0x0], $0xffff  }
0x369: {  	v12 =	vand.u32 $0x7F, v12;
	v16 =	vld.idx.msk [tilespmem:v11+s30+$0x0], $0xffff  }
0x36a: {  	v17 =	vor.u32 v0, v12;
	v6 =	vadd.s32 $0x7, v9;
	v11 =	vadd.s32 $0x8, v9;
	v9 =	vld.idx.msk [tilespmem:v8+s30+$0x0], $0xffff  }
0x36b: {  	v4 =	vld.idx.msk [tilespmem:v5+s0+$0x0], $0xffff  }
0x36c: {  	v10 =	vimm.f32 $0.0e+00;
	v5 =	vld.idx.msk [tilespmem:v5+s30+$0x0], $0xffff;
	v6 =	vand.u32 $0x7F, v6  }
0x36d: {  	p0 =	por p1, p1;
	s18 =	simm.s32 $0x0;
	v12 =	vimm.f32 $0.0e+00;
	v11 =	vand.u32 $0x7F, v11;
	v6 =	vor.u32 v0, v6;
	v7 =	vld.idx.msk [tilespmem:v3+s0+$0x0], $0xffff  }
.LBB2_55:
0x36e: {  	v18 =	vadd.s32 $0x1, v11;
	v19 =	vadd.s32 $0x2, v11;
	v20 =	vadd.s32 $0x5, v11;
	s18 =	sadd.s32 $0x8, s18;
	v21 =	vld.idx.msk [tilespmem:v2+s0+$0x0], $0xffff  }
0x36f: {  	v13 =	vmul.f32 v15, v13;
	v2 =	vand.u32 $0x7F, v18;
	v18 =	vand.u32 $0x7F, v19;
	p1 =	slt.u32 s18, $0x78;
	v15 =	vld.idx.msk [tilespmem:v17+s30+$0x0], $0xffff  }
0x370: {  	v19 =	vand.u32 $0x7F, v20;
	v20 =	vadd.s32 $0x7, v11;
	v2 =	vor.u32 v0, v2;
	v17 =	vld.idx.msk [tilespmem:v17+s0+$0x0], $0xffff  }
0x371: {  	v22 =	vor.u32 v0, v11;
	v19 =	vor.u32 v0, v19;
	v20 =	vand.u32 $0x7F, v20;
	v23 =	vld.idx.msk [tilespmem:v3+s30+$0x0], $0xffff  }
0x372: {  	v24 =	vadd.s32 $0x3, v11;
	v3 =	vor.u32 v0, v18;
	v14 =	vmul.f32 v14, v16;
	v16 =	vld.idx.msk [tilespmem:v8+s0+$0x0], $0xffff  }
0x373: {  	v18 =	vor.u32 v0, v20;
	v8 =	vand.u32 $0x7F, v24;
	v20 =	vld.idx.msk [tilespmem:v6+s30+$0x0], $0xffff  }
0x374: {  	v25 =	vmul.f32 v4, v5;
	v24 =	vor.u32 v0, v8;
	v8 =	vadd.s32 $0x4, v11;
	v26 =	vld.idx.msk [tilespmem:v6+s0+$0x0], $0xffff;
	v6 =	vmovc v18  }
0x375: {  	v4 =	vand.u32 $0x7F, v8;
	v18 =	vmul.f32 v21, v1;
	v1 =	vld.idx.msk [tilespmem:v2+s30+$0x0], $0xffff  }
0x376: {  	v8 =	vor.u32 v0, v4;
	v21 =	vmul.f32 v17, v15;
	v4 =	vld.idx.msk [tilespmem:v19+s0+$0x0], $0xffff  }
0x377: {  	v10 =	vadd.f32 v13, v10;
	v12 =	vadd.f32 v18, v12;
	v7 =	vmul.f32 v7, v23;
	v5 =	vld.idx.msk [tilespmem:v19+s30+$0x0], $0xffff  }
0x378: {  	v17 =	vadd.s32 $0x6, v11;
	v9 =	vmul.f32 v16, v9;
	v13 =	vld.idx.msk [tilespmem:v22+s30+$0x0], $0xffff  }
.Ltmp26:
0x379: {  	v16 =	vand.u32 $0x7F, v17;
	v10 =	vadd.f32 v7, v10;
	v12 =	vadd.f32 v14, v12;
	v15 =	vld.idx.msk [tilespmem:v22+s0+$0x0], $0xffff;
	(pc) =	sbr.rel @p1 .LBB2_55-.Ltmp26, $4  }
0x37a: {  	v17 =	vor.u32 v0, v16;
	v18 =	vmul.f32 v26, v20;
	v7 =	vld.idx.msk [tilespmem:v3+s0+$0x0], $0xffff  }
0x37b: {  	v10 =	vadd.f32 v9, v10;
	v12 =	vadd.f32 v25, v12;
	v14 =	vld.idx.msk [tilespmem:v24+s0+$0x0], $0xffff  }
0x37c: {  	v11 =	vadd.s32 $0x8, v11;
	v16 =	vld.idx.msk [tilespmem:v24+s30+$0x0], $0xffff  }
0x37d: {  	v11 =	vand.u32 $0x7F, v11;
	v10 =	vadd.f32 v21, v10;
	v12 =	vadd.f32 v18, v12;
	v9 =	vld.idx.msk [tilespmem:v8+s30+$0x0], $0xffff  }
0x37e: {  	_ =	sdelay $0x3  }
0x37f: {  	v0 =	vld.idx.msk [tilespmem:v2+s0+$0x0], $0xffff  }
0x380: {  	v60 =	vld.idx.msk [tilespmem:v17+s30+$0x0], $0xffff  }
0x381: {  	v3 =	vld.idx.msk [tilespmem:v3+s30+$0x0], $0xffff  }
0x382: {  	v11 =	vld.idx.msk [tilespmem:v17+s0+$0x0], $0xffff  }
0x383: {  	v8 =	vld.idx.msk [tilespmem:v8+s0+$0x0], $0xffff;
	v13 =	vmul.f32 v15, v13  }
0x384: {  	v61 =	vld.idx.msk [tilespmem:v6+s30+$0x0], $0xffff;
	v0 =	vmul.f32 v0, v1  }
0x385: {  	v62 =	vld.idx.msk [tilespmem:v6+s0+$0x0], $0xffff;
	v10 =	vadd.f32 v13, v10  }
0x386: {  	v14 =	vmul.f32 v14, v16;
	v3 =	vmul.f32 v7, v3;
	v0 =	vadd.f32 v0, v12  }
0x387: {  	v4 =	vmul.f32 v4, v5  }
0x388: {  	v63 =	vmul.f32 v8, v9;
	v3 =	vadd.f32 v3, v10;
	v0 =	vadd.f32 v14, v0  }
0x389: {  	v2 =	vmul.f32 v11, v60  }
0x38a: {  	v1 =	vmul.f32 v62, v61;
	v3 =	vadd.f32 v63, v3;
	v0 =	vadd.f32 v4, v0;
	_ =	sdelay $0x1  }
.Ltmp27:
0x38b: {  	v2 =	vadd.f32 v2, v3;
	v0 =	vadd.f32 v1, v0;
	(pc) =	sbr.rel @p0 .LBB2_54-.Ltmp27, $3  }
0x38c: {  	_ = 	snop  }
0x38d: {  	v0 =	vadd.f32 v0, v2;
	_ =	sdelay $0x1  }
0x38e: {  	p1 =	por $0x0, $0x0;
	[tilespmem:s17+$0x85A0] =	vst v0;
	s17 =	simm.s32 $0x10  }
0x38f: {  	s17 =	simm.s32 $0x0;
	s18 =	simm.s32 $0x85A0  }
0x390: {  	[hbm4b:s20+s17] =	stream.linear.scatter [tilespmem:s18], [sflag:$0xA], $0x20, $0x38;
	[tilespmem:$0x8600] =	vst v63  }
0x391: {  	_ =	swait.ge [sflag:s11], $0x1000  }
0x392: {  	[sflag:s11] =	ssyncset.done $0x0  }
0x393: {  	[sflag:s11] =	ssyncadd.s32 $0xFFFFF000  }
0x394: {  	_ =	swait.ge [sflag:s12], $0x1000  }
0x395: {  	[sflag:s12] =	ssyncset.done $0x0  }
0x396: {  	p1 =	por $0x1, $0x1;
	[sflag:s12] =	ssyncadd.s32 $0xFFFFF000  }
.LBB2_58:
0x397: {  	v9 =	vlaneseq.u32  }
0x398: {  	v0 =	vmov s17;
	v1 =	vmul.u32 $0x80, v9  }
0x399: {  	v0 =	vshll.u32 v0, $0x7;
	v2 =	vadd.s32 $0x1, v9  }
0x39a: {  	v2 =	vand.u32 $0x7F, v2;
	v0 =	vor.u32 v1, v0  }
0x39b: {  	v2 =	vor.u32 v0, v2  }
0x39c: {  	v4 =	vadd.s32 $0x3, v9;
	v1 =	vadd.s32 $0x5, v9;
	v6 =	vor.u32 v0, v9  }
0x39d: {  	v7 =	vadd.s32 $0x4, v9;
	v4 =	vand.u32 $0x7F, v4;
	v1 =	vand.u32 $0x7F, v1  }
0x39e: {  	v11 =	vor.u32 v0, v4;
	v5 =	vor.u32 v0, v1;
	v1 =	vadd.s32 $0x2, v9  }
0x39f: {  	v7 =	vand.u32 $0x7F, v7;
	v1 =	vand.u32 $0x7F, v1  }
0x3a0: {  	v8 =	vor.u32 v0, v7;
	v3 =	vor.u32 v0, v1;
	v1 =	vld.idx.msk [tilespmem:v2+s31+$0x0], $0xffff  }
0x3a1: {  	v13 =	vld.idx.msk [tilespmem:v6+s31+$0x0], $0xffff  }
0x3a2: {  	v15 =	vld.idx.msk [tilespmem:v6+s3+$0x0], $0xffff  }
0x3a3: {  	v12 =	vadd.s32 $0x6, v9;
	v14 =	vld.idx.msk [tilespmem:v11+s3+$0x0], $0xffff  }
0x3a4: {  	v12 =	vand.u32 $0x7F, v12;
	v16 =	vld.idx.msk [tilespmem:v11+s31+$0x0], $0xffff  }
0x3a5: {  	v17 =	vor.u32 v0, v12;
	v6 =	vadd.s32 $0x7, v9;
	v11 =	vadd.s32 $0x8, v9;
	v9 =	vld.idx.msk [tilespmem:v8+s31+$0x0], $0xffff  }
0x3a6: {  	v4 =	vld.idx.msk [tilespmem:v5+s3+$0x0], $0xffff  }
0x3a7: {  	v10 =	vimm.f32 $0.0e+00;
	v5 =	vld.idx.msk [tilespmem:v5+s31+$0x0], $0xffff;
	v6 =	vand.u32 $0x7F, v6  }
0x3a8: {  	p0 =	por p1, p1;
	s18 =	simm.s32 $0x0;
	v12 =	vimm.f32 $0.0e+00;
	v11 =	vand.u32 $0x7F, v11;
	v6 =	vor.u32 v0, v6;
	v7 =	vld.idx.msk [tilespmem:v3+s3+$0x0], $0xffff  }
.LBB2_59:
0x3a9: {  	v18 =	vadd.s32 $0x1, v11;
	v19 =	vadd.s32 $0x2, v11;
	v20 =	vadd.s32 $0x5, v11;
	s18 =	sadd.s32 $0x8, s18;
	v21 =	vld.idx.msk [tilespmem:v2+s3+$0x0], $0xffff  }
0x3aa: {  	v13 =	vmul.f32 v15, v13;
	v2 =	vand.u32 $0x7F, v18;
	v18 =	vand.u32 $0x7F, v19;
	p1 =	slt.u32 s18, $0x78;
	v15 =	vld.idx.msk [tilespmem:v17+s31+$0x0], $0xffff  }
0x3ab: {  	v19 =	vand.u32 $0x7F, v20;
	v20 =	vadd.s32 $0x7, v11;
	v2 =	vor.u32 v0, v2;
	v17 =	vld.idx.msk [tilespmem:v17+s3+$0x0], $0xffff  }
0x3ac: {  	v22 =	vor.u32 v0, v11;
	v19 =	vor.u32 v0, v19;
	v20 =	vand.u32 $0x7F, v20;
	v23 =	vld.idx.msk [tilespmem:v3+s31+$0x0], $0xffff  }
0x3ad: {  	v24 =	vadd.s32 $0x3, v11;
	v3 =	vor.u32 v0, v18;
	v14 =	vmul.f32 v14, v16;
	v16 =	vld.idx.msk [tilespmem:v8+s3+$0x0], $0xffff  }
0x3ae: {  	v18 =	vor.u32 v0, v20;
	v8 =	vand.u32 $0x7F, v24;
	v20 =	vld.idx.msk [tilespmem:v6+s31+$0x0], $0xffff  }
0x3af: {  	v25 =	vmul.f32 v4, v5;
	v24 =	vor.u32 v0, v8;
	v8 =	vadd.s32 $0x4, v11;
	v26 =	vld.idx.msk [tilespmem:v6+s3+$0x0], $0xffff;
	v6 =	vmovc v18  }
0x3b0: {  	v4 =	vand.u32 $0x7F, v8;
	v18 =	vmul.f32 v21, v1;
	v1 =	vld.idx.msk [tilespmem:v2+s31+$0x0], $0xffff  }
0x3b1: {  	v8 =	vor.u32 v0, v4;
	v21 =	vmul.f32 v17, v15;
	v4 =	vld.idx.msk [tilespmem:v19+s3+$0x0], $0xffff  }
0x3b2: {  	v10 =	vadd.f32 v13, v10;
	v12 =	vadd.f32 v18, v12;
	v7 =	vmul.f32 v7, v23;
	v5 =	vld.idx.msk [tilespmem:v19+s31+$0x0], $0xffff  }
0x3b3: {  	v17 =	vadd.s32 $0x6, v11;
	v9 =	vmul.f32 v16, v9;
	v13 =	vld.idx.msk [tilespmem:v22+s31+$0x0], $0xffff  }
.Ltmp28:
0x3b4: {  	v16 =	vand.u32 $0x7F, v17;
	v10 =	vadd.f32 v7, v10;
	v12 =	vadd.f32 v14, v12;
	v15 =	vld.idx.msk [tilespmem:v22+s3+$0x0], $0xffff;
	(pc) =	sbr.rel @p1 .LBB2_59-.Ltmp28, $4  }
0x3b5: {  	v17 =	vor.u32 v0, v16;
	v18 =	vmul.f32 v26, v20;
	v7 =	vld.idx.msk [tilespmem:v3+s3+$0x0], $0xffff  }
0x3b6: {  	v10 =	vadd.f32 v9, v10;
	v12 =	vadd.f32 v25, v12;
	v14 =	vld.idx.msk [tilespmem:v24+s3+$0x0], $0xffff  }
0x3b7: {  	v11 =	vadd.s32 $0x8, v11;
	v16 =	vld.idx.msk [tilespmem:v24+s31+$0x0], $0xffff  }
0x3b8: {  	v11 =	vand.u32 $0x7F, v11;
	v10 =	vadd.f32 v21, v10;
	v12 =	vadd.f32 v18, v12;
	v9 =	vld.idx.msk [tilespmem:v8+s31+$0x0], $0xffff  }
0x3b9: {  	_ =	sdelay $0x3  }
0x3ba: {  	v0 =	vld.idx.msk [tilespmem:v2+s3+$0x0], $0xffff  }
0x3bb: {  	v60 =	vld.idx.msk [tilespmem:v17+s31+$0x0], $0xffff  }
0x3bc: {  	v3 =	vld.idx.msk [tilespmem:v3+s31+$0x0], $0xffff  }
0x3bd: {  	v11 =	vld.idx.msk [tilespmem:v17+s3+$0x0], $0xffff  }
0x3be: {  	v8 =	vld.idx.msk [tilespmem:v8+s3+$0x0], $0xffff;
	v13 =	vmul.f32 v15, v13  }
0x3bf: {  	v61 =	vld.idx.msk [tilespmem:v6+s31+$0x0], $0xffff;
	v0 =	vmul.f32 v0, v1  }
0x3c0: {  	v62 =	vld.idx.msk [tilespmem:v6+s3+$0x0], $0xffff;
	v10 =	vadd.f32 v13, v10  }
0x3c1: {  	v14 =	vmul.f32 v14, v16;
	v3 =	vmul.f32 v7, v3;
	v0 =	vadd.f32 v0, v12  }
0x3c2: {  	v4 =	vmul.f32 v4, v5  }
0x3c3: {  	v63 =	vmul.f32 v8, v9;
	v3 =	vadd.f32 v3, v10;
	v0 =	vadd.f32 v14, v0  }
0x3c4: {  	v2 =	vmul.f32 v11, v60  }
0x3c5: {  	v1 =	vmul.f32 v62, v61;
	v3 =	vadd.f32 v63, v3;
	v0 =	vadd.f32 v4, v0;
	_ =	sdelay $0x1  }
.Ltmp29:
0x3c6: {  	v2 =	vadd.f32 v2, v3;
	v0 =	vadd.f32 v1, v0;
	(pc) =	sbr.rel @p0 .LBB2_58-.Ltmp29, $3  }
0x3c7: {  	_ = 	snop  }
0x3c8: {  	v0 =	vadd.f32 v0, v2;
	_ =	sdelay $0x1  }
0x3c9: {  	p1 =	por $0x0, $0x0;
	[tilespmem:s17+$0x85C0] =	vst v0;
	s17 =	simm.s32 $0x10  }
0x3ca: {  	s17 =	simm.s32 $0x0;
	s18 =	simm.s32 $0x85C0  }
0x3cb: {  	[hbm4b:s21+s17] =	stream.linear.scatter [tilespmem:s18], [sflag:$0xA], $0x20, $0x38;
	[tilespmem:$0x8600] =	vst v63  }
0x3cc: {  	_ =	swait.ge [sflag:s13], $0x1000  }
0x3cd: {  	[sflag:s13] =	ssyncset.done $0x0  }
0x3ce: {  	[sflag:s13] =	ssyncadd.s32 $0xFFFFF000  }
0x3cf: {  	_ =	swait.ge [sflag:s14], $0x1000  }
0x3d0: {  	[sflag:s14] =	ssyncset.done $0x0  }
0x3d1: {  	p1 =	por $0x1, $0x1;
	[sflag:s14] =	ssyncadd.s32 $0xFFFFF000  }
.LBB2_62:
0x3d2: {  	v9 =	vlaneseq.u32  }
0x3d3: {  	v0 =	vmov s17;
	v1 =	vmul.u32 $0x80, v9  }
0x3d4: {  	v0 =	vshll.u32 v0, $0x7;
	v2 =	vadd.s32 $0x1, v9  }
0x3d5: {  	v2 =	vand.u32 $0x7F, v2;
	v0 =	vor.u32 v1, v0  }
0x3d6: {  	v2 =	vor.u32 v0, v2  }
0x3d7: {  	v4 =	vadd.s32 $0x3, v9;
	v1 =	vadd.s32 $0x5, v9;
	v6 =	vor.u32 v0, v9  }
0x3d8: {  	v7 =	vadd.s32 $0x4, v9;
	v4 =	vand.u32 $0x7F, v4;
	v1 =	vand.u32 $0x7F, v1  }
0x3d9: {  	v11 =	vor.u32 v0, v4;
	v5 =	vor.u32 v0, v1;
	v1 =	vadd.s32 $0x2, v9  }
0x3da: {  	v7 =	vand.u32 $0x7F, v7;
	v1 =	vand.u32 $0x7F, v1  }
0x3db: {  	v8 =	vor.u32 v0, v7;
	v3 =	vor.u32 v0, v1;
	v1 =	vld.idx.msk [tilespmem:v2+s7+$0x0], $0xffff  }
0x3dc: {  	v13 =	vld.idx.msk [tilespmem:v6+s7+$0x0], $0xffff  }
0x3dd: {  	v15 =	vld.idx.msk [tilespmem:v6+s8+$0x0], $0xffff  }
0x3de: {  	v12 =	vadd.s32 $0x6, v9;
	v14 =	vld.idx.msk [tilespmem:v11+s8+$0x0], $0xffff  }
0x3df: {  	v12 =	vand.u32 $0x7F, v12;
	v16 =	vld.idx.msk [tilespmem:v11+s7+$0x0], $0xffff  }
0x3e0: {  	v17 =	vor.u32 v0, v12;
	v6 =	vadd.s32 $0x7, v9;
	v11 =	vadd.s32 $0x8, v9;
	v9 =	vld.idx.msk [tilespmem:v8+s7+$0x0], $0xffff  }
0x3e1: {  	v4 =	vld.idx.msk [tilespmem:v5+s8+$0x0], $0xffff  }
0x3e2: {  	v10 =	vimm.f32 $0.0e+00;
	v5 =	vld.idx.msk [tilespmem:v5+s7+$0x0], $0xffff;
	v6 =	vand.u32 $0x7F, v6  }
0x3e3: {  	p0 =	por p1, p1;
	s18 =	simm.s32 $0x0;
	v12 =	vimm.f32 $0.0e+00;
	v11 =	vand.u32 $0x7F, v11;
	v6 =	vor.u32 v0, v6;
	v7 =	vld.idx.msk [tilespmem:v3+s8+$0x0], $0xffff  }
.LBB2_63:
0x3e4: {  	v18 =	vadd.s32 $0x1, v11;
	v19 =	vadd.s32 $0x2, v11;
	v20 =	vadd.s32 $0x5, v11;
	s18 =	sadd.s32 $0x8, s18;
	v21 =	vld.idx.msk [tilespmem:v2+s8+$0x0], $0xffff  }
0x3e5: {  	v13 =	vmul.f32 v15, v13;
	v2 =	vand.u32 $0x7F, v18;
	v18 =	vand.u32 $0x7F, v19;
	p1 =	slt.u32 s18, $0x78;
	v15 =	vld.idx.msk [tilespmem:v17+s7+$0x0], $0xffff  }
0x3e6: {  	v19 =	vand.u32 $0x7F, v20;
	v20 =	vadd.s32 $0x7, v11;
	v2 =	vor.u32 v0, v2;
	v17 =	vld.idx.msk [tilespmem:v17+s8+$0x0], $0xffff  }
0x3e7: {  	v22 =	vor.u32 v0, v11;
	v19 =	vor.u32 v0, v19;
	v20 =	vand.u32 $0x7F, v20;
	v23 =	vld.idx.msk [tilespmem:v3+s7+$0x0], $0xffff  }
0x3e8: {  	v24 =	vadd.s32 $0x3, v11;
	v3 =	vor.u32 v0, v18;
	v14 =	vmul.f32 v14, v16;
	v16 =	vld.idx.msk [tilespmem:v8+s8+$0x0], $0xffff  }
0x3e9: {  	v18 =	vor.u32 v0, v20;
	v8 =	vand.u32 $0x7F, v24;
	v20 =	vld.idx.msk [tilespmem:v6+s7+$0x0], $0xffff  }
0x3ea: {  	v25 =	vmul.f32 v4, v5;
	v24 =	vor.u32 v0, v8;
	v8 =	vadd.s32 $0x4, v11;
	v26 =	vld.idx.msk [tilespmem:v6+s8+$0x0], $0xffff;
	v6 =	vmovc v18  }
0x3eb: {  	v4 =	vand.u32 $0x7F, v8;
	v18 =	vmul.f32 v21, v1;
	v1 =	vld.idx.msk [tilespmem:v2+s7+$0x0], $0xffff  }
0x3ec: {  	v8 =	vor.u32 v0, v4;
	v21 =	vmul.f32 v17, v15;
	v4 =	vld.idx.msk [tilespmem:v19+s8+$0x0], $0xffff  }
0x3ed: {  	v10 =	vadd.f32 v13, v10;
	v12 =	vadd.f32 v18, v12;
	v7 =	vmul.f32 v7, v23;
	v5 =	vld.idx.msk [tilespmem:v19+s7+$0x0], $0xffff  }
0x3ee: {  	v17 =	vadd.s32 $0x6, v11;
	v9 =	vmul.f32 v16, v9;
	v13 =	vld.idx.msk [tilespmem:v22+s7+$0x0], $0xffff  }
.Ltmp30:
0x3ef: {  	v16 =	vand.u32 $0x7F, v17;
	v10 =	vadd.f32 v7, v10;
	v12 =	vadd.f32 v14, v12;
	v15 =	vld.idx.msk [tilespmem:v22+s8+$0x0], $0xffff;
	(pc) =	sbr.rel @p1 .LBB2_63-.Ltmp30, $4  }
0x3f0: {  	v17 =	vor.u32 v0, v16;
	v18 =	vmul.f32 v26, v20;
	v7 =	vld.idx.msk [tilespmem:v3+s8+$0x0], $0xffff  }
0x3f1: {  	v10 =	vadd.f32 v9, v10;
	v12 =	vadd.f32 v25, v12;
	v14 =	vld.idx.msk [tilespmem:v24+s8+$0x0], $0xffff  }
0x3f2: {  	v11 =	vadd.s32 $0x8, v11;
	v16 =	vld.idx.msk [tilespmem:v24+s7+$0x0], $0xffff  }
0x3f3: {  	v11 =	vand.u32 $0x7F, v11;
	v10 =	vadd.f32 v21, v10;
	v12 =	vadd.f32 v18, v12;
	v9 =	vld.idx.msk [tilespmem:v8+s7+$0x0], $0xffff  }
0x3f4: {  	_ =	sdelay $0x3  }
0x3f5: {  	v0 =	vld.idx.msk [tilespmem:v2+s8+$0x0], $0xffff  }
0x3f6: {  	v60 =	vld.idx.msk [tilespmem:v17+s7+$0x0], $0xffff  }
0x3f7: {  	v3 =	vld.idx.msk [tilespmem:v3+s7+$0x0], $0xffff  }
0x3f8: {  	v11 =	vld.idx.msk [tilespmem:v17+s8+$0x0], $0xffff  }
0x3f9: {  	v8 =	vld.idx.msk [tilespmem:v8+s8+$0x0], $0xffff;
	v13 =	vmul.f32 v15, v13  }
0x3fa: {  	v61 =	vld.idx.msk [tilespmem:v6+s7+$0x0], $0xffff;
	v0 =	vmul.f32 v0, v1  }
0x3fb: {  	v62 =	vld.idx.msk [tilespmem:v6+s8+$0x0], $0xffff;
	v10 =	vadd.f32 v13, v10  }
0x3fc: {  	v14 =	vmul.f32 v14, v16;
	v3 =	vmul.f32 v7, v3;
	v0 =	vadd.f32 v0, v12  }
0x3fd: {  	v4 =	vmul.f32 v4, v5  }
0x3fe: {  	v63 =	vmul.f32 v8, v9;
	v3 =	vadd.f32 v3, v10;
	v0 =	vadd.f32 v14, v0  }
0x3ff: {  	v2 =	vmul.f32 v11, v60  }
0x400: {  	v1 =	vmul.f32 v62, v61;
	v3 =	vadd.f32 v63, v3;
	v0 =	vadd.f32 v4, v0;
	_ =	sdelay $0x1  }
.Ltmp31:
0x401: {  	v2 =	vadd.f32 v2, v3;
	v0 =	vadd.f32 v1, v0;
	(pc) =	sbr.rel @p0 .LBB2_62-.Ltmp31, $3  }
0x402: {  	_ = 	snop  }
0x403: {  	v0 =	vadd.f32 v0, v2;
	_ =	sdelay $0x1  }
0x404: {  	p1 =	por $0x0, $0x0;
	[tilespmem:s17+$0x85E0] =	vst v0;
	s17 =	simm.s32 $0x10  }
0x405: {  	s17 =	simm.s32 $0x85E0  }
0x406: {  	[hbm4b:s22+s4] =	stream.linear.scatter [tilespmem:s17], [sflag:$0xA], $0x20, $0x38;
	[tilespmem:$0x8600] =	vst v63  }
0x407: {  	_ =	swait.ge [sflag:s15], $0x20  }
0x408: {  	[sflag:s15] =	ssyncset.done $0x0  }
0x409: {  	[sflag:s15] =	ssyncadd.s32 $0xFFFFFFE0  }
0x40a: {  	_ =	swait.ge [sflag:s15], $0x20  }
0x40b: {  	[sflag:s15] =	ssyncset.done $0x0  }
0x40c: {  	[sflag:s15] =	ssyncadd.s32 $0xFFFFFFE0  }
0x40d: {  	_ =	swait.ge [sflag:s15], $0x20  }
0x40e: {  	[sflag:s15] =	ssyncset.done $0x0  }
0x40f: {  	[sflag:s15] =	ssyncadd.s32 $0xFFFFFFE0  }
0x410: {  	_ =	swait.ge [sflag:s15], $0x20  }
0x411: {  	[sflag:s15] =	ssyncset.done $0x0  }
0x412: {  	[sflag:s15] =	ssyncadd.s32 $0xFFFFFFE0  }
0x413: {  	_ =	swait.ge [sflag:s15], $0x20  }
0x414: {  	[sflag:s15] =	ssyncset.done $0x0  }
0x415: {  	[sflag:s15] =	ssyncadd.s32 $0xFFFFFFE0  }
0x416: {  	_ =	swait.ge [sflag:s15], $0x20  }
0x417: {  	[sflag:s15] =	ssyncset.done $0x0  }
0x418: {  	[sflag:s15] =	ssyncadd.s32 $0xFFFFFFE0  }
0x419: {  	_ =	swait.ge [sflag:s15], $0x20  }
0x41a: {  	[sflag:s15] =	ssyncset.done $0x0  }
0x41b: {  	[sflag:s15] =	ssyncadd.s32 $0xFFFFFFE0  }
0x41c: {  	_ =	swait.ge [sflag:s15], $0x20  }
0x41d: {  	[sflag:s15] =	ssyncset.done $0x0  }
0x41e: {  	[sflag:s15] =	ssyncadd.s32 $0xFFFFFFE0  }
0x41f: {  	_ =	swait.ge [sflag:s15], $0x20  }
0x420: {  	[sflag:s15] =	ssyncset.done $0x0  }
0x421: {  	[sflag:s15] =	ssyncadd.s32 $0xFFFFFFE0  }
0x422: {  	_ =	swait.ge [sflag:s15], $0x20  }
0x423: {  	[sflag:s15] =	ssyncset.done $0x0  }
0x424: {  	[sflag:s15] =	ssyncadd.s32 $0xFFFFFFE0  }
0x425: {  	_ =	swait.ge [sflag:s15], $0x20  }
0x426: {  	[sflag:s15] =	ssyncset.done $0x0  }
0x427: {  	[sflag:s15] =	ssyncadd.s32 $0xFFFFFFE0  }
0x428: {  	_ =	swait.ge [sflag:s15], $0x20  }
0x429: {  	[sflag:s15] =	ssyncset.done $0x0  }
0x42a: {  	[sflag:s15] =	ssyncadd.s32 $0xFFFFFFE0  }
0x42b: {  	_ =	swait.ge [sflag:s15], $0x20  }
0x42c: {  	[sflag:s15] =	ssyncset.done $0x0  }
0x42d: {  	[sflag:s15] =	ssyncadd.s32 $0xFFFFFFE0  }
0x42e: {  	_ =	swait.ge [sflag:s15], $0x20  }
0x42f: {  	[sflag:s15] =	ssyncset.done $0x0  }
0x430: {  	s16 =	sadd.s32 $0x1, s16;
	[sflag:s15] =	ssyncadd.s32 $0xFFFFFFE0  }
0x431: {  	p0 =	sne.s32 s16, s23;
	_ =	swait.ge [sflag:s15], $0x20  }
.Ltmp32:
0x432: {  	[sflag:s15] =	ssyncset.done $0x0;
	(pc) =	sbr.rel @p0 .LBB2_1-.Ltmp32, $4  }
0x433: {  	[sflag:s15] =	ssyncadd.s32 $0xFFFFFFE0  }
0x434: {  	_ =	swait.ge [sflag:s15], $0x20  }
0x435: {  	[sflag:s15] =	ssyncset.done $0x0  }
0x436: {  	[sflag:s15] =	ssyncadd.s32 $0xFFFFFFE0  }
0x437: {  	_ =	sfence.sel $0x180000  }
0x438: {  	[bflag:$0x0] =	sbarrier.arrive $0xFFFF  }
0x439: {  	_ =	strace $0x90000047  }
0x43a: {  	s0 =	stileid.u32;
	[bflag:$0x2] =	sbarrier.arrive $0xFFFF  }
0x43b: {  	p0 =	sne.s32 s0, $0x0;
	s0 =	rddreg [dreg:$0x5]  }
0x43c: {  	s0 =	sadd.s32 @!p0 $0x100000, s0  }
0x43d: {  	[sflag:s0] =	ssyncadd.tile.s32 @!p0 $0x1;
	_ =	shalt  }
.Lfunc_end2:
_tile_overlayer_lowered:
.L_overlay_start_2:
0x43e: {  	(tag) =	ssettag $0x2  }
0x43f: {  	s0 =	rddreg [dreg:$0x0];
	s2 =	stileid.u32  }
0x440: {  	s1 =	rddreg [dreg:$0x1];
	p0 =	sne.s32 s2, $0x0  }
0x441: {  	s3 =	rddreg [dreg:$0x2];
	[bflag:$0x3] =	sbarrier.arrive $0xFFFF;
	s2 =	simm.s32 @!p0 $0x1C0B  }
0x442: {  	[timem:s3], [sflag:s2] =	dma.local @!p0 [hbm:s0], s1  }
0x443: {  	s0 =	simm.s32 @!p0 $0xB  }
0x444: {  	_ =	swait.ge @!p0 [sflag:s0], s1  }
0x445: {  	s1 =	ssub.s32 @!p0 $0x0, s1;
	[sflag:s0] =	ssyncset.done @!p0 $0x0  }
0x446: {  	[sflag:s0] =	ssyncadd.s32 @!p0 s1  }
0x447: {  	[bflag:$0x3] =	sbarrier.arrive $0xFFFF  }
0x448: {  	_ =	shalt  }

</sc_bundles>
